<compile_context>
chip_gen: v7x
topology: tpu7x:2x2x1
jax: 0.10.2.dev20260603
libtpu: 0.0.44.dev20260713+nightly
codegen_flags: <defaults>
</compile_context>

<pallas_src>
import functools

import jax
import jax.numpy as jnp
from jax import lax
from jax.experimental import pallas as pl
from jax.experimental.pallas import tpu as pltpu
from jax.experimental.pallas import tpu_sc as plsc

DIM = 128
BATCH = 16384
EPS = 1e-5

_NSPLIT = 4
_BCH = BATCH // _NSPLIT

_NC = 2
_NS = 16
_NW = _NC * _NS
_ROWS_PER_W = _BCH // _NW
_CHUNK = 128
_NCHUNK = _ROWS_PER_W // _CHUNK


def _sc_gather(k, uid, iid, gid, cid, utab, itab, gtab, ctab):
    mesh = plsc.VectorSubcoreMesh(
        core_axis_name="c", subcore_axis_name="s",
        num_cores=_NC, num_subcores=_NS)

    @functools.partial(
        pl.kernel,
        out_type=[jax.ShapeDtypeStruct((_BCH, DIM), jnp.float32)] * 4,
        mesh=mesh,
        scratch_types=[
            pltpu.VMEM((4, _ROWS_PER_W), jnp.int32),
            [pltpu.VMEM((_CHUNK, DIM), jnp.float32)] * (4 * _NCHUNK),
            [pltpu.SemaphoreType.DMA] * 4,
            [pltpu.SemaphoreType.DMA] * (4 * _NCHUNK),
            [pltpu.SemaphoreType.DMA] * (4 * _NCHUNK),
        ],
    )
    def gather_kernel(uid_h, iid_h, gid_h, cid_h, ut_h, it_h, gt_h, ct_h,
                      o0, o1, o2, o3, idx_v, bufs, isems, gsems, wsems):
        wid = lax.axis_index("s") * _NC + lax.axis_index("c")
        base = wid * _ROWS_PER_W
        idx_hs = (uid_h, iid_h, gid_h, cid_h)
        tab_hs = (ut_h, it_h, gt_h, ct_h)
        out_hs = (o0, o1, o2, o3)
        ic = [pltpu.async_copy(
                  idx_hs[t].at[pl.ds(k * _BCH + base, _ROWS_PER_W)],
                  idx_v.at[t], isems[t]) for t in range(4)]
        g = [None] * (4 * _NCHUNK)
        wb = [None] * (4 * _NCHUNK)
        for t in range(4):
            ic[t].wait()
            for c in range(_NCHUNK):
                i = t * _NCHUNK + c
                g[i] = pltpu.async_copy(
                    tab_hs[t].at[idx_v.at[t, pl.ds(c * _CHUNK, _CHUNK)]],
                    bufs[i], gsems[i])
        for t in range(4):
            for c in range(_NCHUNK):
                i = t * _NCHUNK + c
                g[i].wait()
                wb[i] = pltpu.async_copy(
                    bufs[i],
                    out_hs[t].at[pl.ds(base + c * _CHUNK, _CHUNK)],
                    wsems[i])
        for i in range(4 * _NCHUNK):
            wb[i].wait()

    return gather_kernel(uid, iid, gid, cid, utab, itab, gtab, ctab)


_TB = 2048
_TB_OUT = 4096


def _moments_body(e0, e1, e2, e3, w1, hin, s_out, m_out, h_out):
    i = pl.program_id(0)
    h = (jnp.dot(e0[...], w1[0:128, :], preferred_element_type=jnp.float32)
         + jnp.dot(e1[...], w1[128:256, :], preferred_element_type=jnp.float32)
         + jnp.dot(e2[...], w1[256:384, :], preferred_element_type=jnp.float32)
         + jnp.dot(e3[...], w1[384:512, :], preferred_element_type=jnp.float32))

    @pl.when(i == 0)
    def _init():
        s_out[...] = jnp.zeros_like(s_out)
        m_out[...] = jnp.zeros_like(m_out)

    s_out[...] += jnp.sum(h, axis=0, keepdims=True)
    m_out[...] += lax.dot_general(h, h, (((0,), (0,)), ((), ())),
                                  preferred_element_type=jnp.float32)
    h_out[...] = h.astype(jnp.bfloat16)


def _moments(k, e0, e1, e2, e3, w1, hbuf):
    grid = (_BCH // _TB,)
    nblk = _BCH // _TB
    eb = pl.BlockSpec((_TB, DIM), lambda i: (i, 0))
    body = _moments_body if k > 0 else (
        lambda e0, e1, e2, e3, w1, s, m, h:
            _moments_body(e0, e1, e2, e3, w1, None, s, m, h))
    return pl.pallas_call(
        body,
        grid=grid,
        in_specs=[eb, eb, eb, eb, pl.BlockSpec((512, 256), lambda i: (0, 0))] +
                 ([pl.BlockSpec(memory_space=pltpu.MemorySpace.HBM)]
                  if k > 0 else []),
        out_specs=[pl.BlockSpec((1, 256), lambda i: (0, 0)),
                   pl.BlockSpec((256, 256), lambda i: (0, 0)),
                   pl.BlockSpec((_TB, 256), lambda i: (k * nblk + i, 0))],
        out_shape=[jax.ShapeDtypeStruct((1, 256), jnp.float32),
                   jax.ShapeDtypeStruct((256, 256), jnp.float32),
                   jax.ShapeDtypeStruct((BATCH, 256), jnp.bfloat16)],
        input_output_aliases={5: 2} if k > 0 else {},
    )(e0, e1, e2, e3, w1, *([hbuf] if k > 0 else []))


def _col(row):
    k = row.shape[1]
    b = jnp.broadcast_to(row, (k, k))
    rows_i = lax.broadcasted_iota(jnp.int32, (k, k), 0)
    cols_i = lax.broadcasted_iota(jnp.int32, (k, k), 1)
    return jnp.sum(jnp.where(rows_i == cols_i, b, 0.0), axis=1, keepdims=True)


def _chain_math(s1, m1, g1, b1, w2, g2, b2, w3, g3, b3):
    n = float(BATCH)
    mu1 = s1 / n
    m1n = m1 / n
    mu1c = _col(mu1)
    cov1 = m1n - mu1c * mu1
    rows_i = lax.broadcasted_iota(jnp.int32, (256, 256), 0)
    cols_i = lax.broadcasted_iota(jnp.int32, (256, 256), 1)
    var1 = jnp.sum(jnp.where(rows_i == cols_i, cov1, 0.0),
                   axis=0, keepdims=True)
    a1 = g1 * lax.rsqrt(var1 + EPS)
    c1 = b1 - mu1 * a1

    a1c = _col(a1)
    cov1s = cov1 * (a1c * a1)
    t2 = jnp.dot(cov1s, w2, preferred_element_type=jnp.float32)
    var2 = jnp.sum(w2 * t2, axis=0, keepdims=True)
    mu2 = jnp.dot(mu1 * a1 + c1, w2,
                  preferred_element_type=jnp.float32)
    a2 = g2 * lax.rsqrt(var2 + EPS)
    c2 = b2 - mu2 * a2

    cov2 = lax.dot_general(w2, t2, (((0,), (0,)), ((), ())),
                           preferred_element_type=jnp.float32)
    a2c = _col(a2)
    cov2s = cov2 * (a2c * a2)
    t3 = jnp.dot(cov2s, w3, preferred_element_type=jnp.float32)
    var3 = jnp.sum(w3 * t3, axis=0, keepdims=True)
    mu3 = jnp.dot(mu2 * a2 + c2, w3,
                  preferred_element_type=jnp.float32)
    a3 = g3 * lax.rsqrt(var3 + EPS)
    c3 = b3 - mu3 * a3

    r12 = (a1c * w2) * a2
    r = jnp.dot(r12, w3,
                preferred_element_type=jnp.float32) * a3
    q12 = jnp.dot(c1, w2, preferred_element_type=jnp.float32) * a2 + c2
    q = jnp.dot(q12, w3, preferred_element_type=jnp.float32) * a3 + c3
    return r, _col(q)


def _output_body(*refs):
    h1 = refs[0]
    s_refs = refs[1:1 + _NSPLIT]
    m_refs = refs[1 + _NSPLIT:1 + 2 * _NSPLIT]
    (g1, b1, w2, g2, b2, w3, g3, b3, o, r_v, q_v) = refs[1 + 2 * _NSPLIT:]
    i = pl.program_id(0)

    @pl.when(i == 0)
    def _fold():
        s1 = sum(ref[...] for ref in s_refs)
        m1 = sum(ref[...] for ref in m_refs)
        r, qt = _chain_math(s1, m1, g1[...], b1[...], w2[...],
                            g2[...], b2[...], w3[...], g3[...], b3[...])
        r_v[...] = r
        q_v[...] = qt

    acc = lax.dot_general(r_v[...], h1[...].astype(jnp.float32),
                          (((0,), (1,)), ((), ())),
                          preferred_element_type=jnp.float32)
    o[...] = jax.nn.sigmoid(acc + q_v[...])


def _output(h1, s_parts, m_parts, g1, b1, w2, g2, b2, w3, g3, b3):
    grid = (BATCH // _TB_OUT,)
    full = lambda shape: pl.BlockSpec(shape, lambda i: (0, 0))
    return pl.pallas_call(
        _output_body,
        grid=grid,
        in_specs=[pl.BlockSpec((_TB_OUT, 256), lambda i: (i, 0))] +
                 [full((1, 256))] * _NSPLIT + [full((256, 256))] * _NSPLIT +
                 [full((1, 256)), full((1, 256)), full((256, 128)),
                  full((1, 128)), full((1, 128)), full((128, 2)),
                  full((1, 2)), full((1, 2))],
        out_specs=pl.BlockSpec((2, _TB_OUT), lambda i: (0, i)),
        out_shape=jax.ShapeDtypeStruct((2, BATCH), jnp.float32),
        scratch_shapes=[pltpu.VMEM((256, 2), jnp.float32),
                        pltpu.VMEM((2, 1), jnp.float32)],
    )(h1, *s_parts, *m_parts, g1, b1, w2, g2, b2, w3, g3, b3)


def kernel(user_id, item_id, user_geohash, item_cate, label,
           user_tab, item_tab, geo_tab, cate_tab,
           W1, g1, b1, W2, g2, b2, W3, g3, b3):
    s_parts, m_parts = [], []
    hbuf = None
    for k in range(_NSPLIT):
        e0, e1, e2, e3 = _sc_gather(k, user_id, item_id, user_geohash,
                                    item_cate, user_tab, item_tab,
                                    geo_tab, cate_tab)
        s1, m1, hbuf = _moments(k, e0, e1, e2, e3, W1, hbuf)
        s_parts.append(s1)
        m_parts.append(m1)
    return jnp.transpose(_output(
        hbuf, s_parts, m_parts,
        g1.reshape(1, 256), b1.reshape(1, 256), W2,
        g2.reshape(1, 128), b2.reshape(1, 128), W3,
        g3.reshape(1, 2), b3.reshape(1, 2)))

# --- scband reference (transcript-rebuilt; emitter-appended) ---
"""Pipeline reference for scband-aicas-model-44074954391788 (READ-ONLY COPY).

The authoritative reference and input builder live on the scoring server;
editing this copy changes nothing except your own understanding.
"""

import jax, jax.numpy as jnp
import numpy as np

DIM = 128
BATCH = 16384
V_USER = 1000000
V_ITEM = 100000
V_GEO = 100000
V_CATE = 1000


def setup_inputs(seed: int = 0) -> dict:
    key = jax.random.key(seed)
    ks = jax.random.split(key, 16)
    inp = {}
    inp['user_id'] = jax.random.randint(ks[0], (BATCH,), 0, V_USER, dtype=jnp.int32)
    inp['item_id'] = jax.random.randint(ks[1], (BATCH,), 0, V_ITEM, dtype=jnp.int32)
    inp['user_geohash'] = jax.random.randint(ks[2], (BATCH,), 0, V_GEO, dtype=jnp.int32)
    inp['item_cate'] = jax.random.randint(ks[3], (BATCH,), 0, V_CATE, dtype=jnp.int32)
    inp['label'] = jax.random.randint(ks[4], (BATCH,), 0, 2, dtype=jnp.int32)
    inp['user_tab'] = jax.random.normal(ks[5], (V_USER, DIM), dtype=jnp.float32) * 0.02
    inp['item_tab'] = jax.random.normal(ks[6], (V_ITEM, DIM), dtype=jnp.float32) * 0.02
    inp['geo_tab'] = jax.random.normal(ks[7], (V_GEO, DIM), dtype=jnp.float32) * 0.02
    inp['cate_tab'] = jax.random.normal(ks[8], (V_CATE, DIM), dtype=jnp.float32) * 0.02
    d_in = DIM * 4
    inp['W1'] = jax.random.normal(ks[9], (d_in, 256), dtype=jnp.float32) * (1.0 / np.sqrt(d_in))
    inp['g1'] = jnp.ones((256,), dtype=jnp.float32)
    inp['b1'] = jnp.zeros((256,), dtype=jnp.float32)
    inp['W2'] = jax.random.normal(ks[10], (256, 128), dtype=jnp.float32) * (1.0 / np.sqrt(256))
    inp['g2'] = jnp.ones((128,), dtype=jnp.float32)
    inp['b2'] = jnp.zeros((128,), dtype=jnp.float32)
    inp['W3'] = jax.random.normal(ks[11], (128, 2), dtype=jnp.float32) * (1.0 / np.sqrt(128))
    inp['g3'] = jnp.ones((2,), dtype=jnp.float32)
    inp['b3'] = jnp.zeros((2,), dtype=jnp.float32)
    return inp


def _batch_norm(x, gamma, beta, eps=1e-5):
    mu = jnp.mean(x, axis=0, keepdims=True)
    var = jnp.var(x, axis=0, keepdims=True)
    xhat = (x - mu) * jax.lax.rsqrt(var + eps)
    return xhat * gamma + beta


def reference(user_id, item_id, user_geohash, item_cate, label,
              user_tab, item_tab, geo_tab, cate_tab,
              W1, g1, b1, W2, g2, b2, W3, g3, b3):
    user_emb = jnp.take(user_tab, user_id, axis=0)
    item_emb = jnp.take(item_tab, item_id, axis=0)
    geo_emb = jnp.take(geo_tab, user_geohash, axis=0)
    cate_emb = jnp.take(cate_tab, item_cate, axis=0)
    x = jnp.concatenate([user_emb, item_emb, geo_emb, cate_emb], axis=-1)
    # FC stack: Linear(no bias) -> BatchNorm, no activation; final sigmoid
    h = _batch_norm(x @ W1, g1, b1)
    h = _batch_norm(h @ W2, g2, b2)
    h = _batch_norm(h @ W3, g3, b3)
    return jax.nn.sigmoid(h)

if __name__ == "__main__":
    import jax
    _d = setup_inputs()
    print(jax.jit(kernel)(*tuple(_d.values())))

</pallas_src>

<mosaic_0001>
#map = affine_map<(d0, d1) -> (0)>
#map1 = affine_map<(d0, d1) -> (0, 0)>
module attributes {stable_mosaic.version = 14 : i64} {
  func.func @gather_kernel(%arg0: i32, %arg1: i32, %arg2: memref<16384xi32, #tpu.memory_space<hbm>>, %arg3: memref<16384xi32, #tpu.memory_space<hbm>>, %arg4: memref<16384xi32, #tpu.memory_space<hbm>>, %arg5: memref<16384xi32, #tpu.memory_space<hbm>>, %arg6: memref<1000000x128xf32, #tpu.memory_space<hbm>>, %arg7: memref<100000x128xf32, #tpu.memory_space<hbm>>, %arg8: memref<100000x128xf32, #tpu.memory_space<hbm>>, %arg9: memref<1000x128xf32, #tpu.memory_space<hbm>>, %arg10: memref<4096x128xf32, #tpu.memory_space<hbm>>, %arg11: memref<4096x128xf32, #tpu.memory_space<hbm>>, %arg12: memref<4096x128xf32, #tpu.memory_space<hbm>>, %arg13: memref<4096x128xf32, #tpu.memory_space<hbm>>, %arg14: memref<4x128xi32, #tpu.memory_space<vmem>>, %arg15: memref<128x128xf32, #tpu.memory_space<vmem>>, %arg16: memref<128x128xf32, #tpu.memory_space<vmem>>, %arg17: memref<128x128xf32, #tpu.memory_space<vmem>>, %arg18: memref<128x128xf32, #tpu.memory_space<vmem>>, %arg19: memref<!tpu.dma_semaphore, #tpu.memory_space<semaphore_mem>>, %arg20: memref<!tpu.dma_semaphore, #tpu.memory_space<semaphore_mem>>, %arg21: memref<!tpu.dma_semaphore, #tpu.memory_space<semaphore_mem>>, %arg22: memref<!tpu.dma_semaphore, #tpu.memory_space<semaphore_mem>>, %arg23: memref<!tpu.dma_semaphore, #tpu.memory_space<semaphore_mem>>, %arg24: memref<!tpu.dma_semaphore, #tpu.memory_space<semaphore_mem>>, %arg25: memref<!tpu.dma_semaphore, #tpu.memory_space<semaphore_mem>>, %arg26: memref<!tpu.dma_semaphore, #tpu.memory_space<semaphore_mem>>, %arg27: memref<!tpu.dma_semaphore, #tpu.memory_space<semaphore_mem>>, %arg28: memref<!tpu.dma_semaphore, #tpu.memory_space<semaphore_mem>>, %arg29: memref<!tpu.dma_semaphore, #tpu.memory_space<semaphore_mem>>, %arg30: memref<!tpu.dma_semaphore, #tpu.memory_space<semaphore_mem>>) attributes {dimension_semantics = [#tpu.dimension_semantics<core_parallel>, #tpu.dimension_semantics<subcore_parallel>], iteration_bounds = array<i64: 2, 16>, scalar_prefetch = 0 : i64, scratch_operands = 17 : i64, tpu.core_type = #tpu.core_type<sc_vector_subcore>, window_params = [{transform_indices = #map}, {transform_indices = #map}, {transform_indices = #map}, {transform_indices = #map}, {transform_indices = #map1}, {transform_indices = #map1}, {transform_indices = #map1}, {transform_indices = #map1}, {transform_indices = #map1}, {transform_indices = #map1}, {transform_indices = #map1}, {transform_indices = #map1}]} {
    %mul3A = arith.constant 2 : i32
    %mul3A_0 = arith.muli %arg1, %mul3A : i32
    %add3A = arith.addi %mul3A_0, %arg0 : i32
    %mul3A_1 = arith.constant 128 : i32
    %mul3A_2 = arith.muli %add3A, %mul3A_1 : i32
    %add3A_3 = arith.constant 0 : i32
    %add3A_4 = arith.addi %add3A_3, %mul3A_2 : i32
    %dma_start3A = arith.constant 0 : i32
    %dma_start3A_5 = arith.constant 0 : i32
    %dma_start3A_6 = tpu.memref_slice %arg14[%dma_start3A, %dma_start3A_5] : memref<4x128xi32, #tpu.memory_space<vmem>> -> memref<1x128xi32, #tpu.memory_space<vmem>>
    %dma_start3A_7 = tpu.memref_squeeze %dma_start3A_6 : memref<1x128xi32, #tpu.memory_space<vmem>> -> memref<128xi32, #tpu.memory_space<vmem>>
    %dma_start3A_8 = tpu.memref_slice %arg2[%add3A_4] : memref<16384xi32, #tpu.memory_space<hbm>> -> memref<128xi32, #tpu.memory_space<hbm>>
    %dma_start3A_9 = arith.constant 0 : i32
    %dma_start3A_10 = tpu.memref_slice %arg14[%dma_start3A, %dma_start3A_9] : memref<4x128xi32, #tpu.memory_space<vmem>> -> memref<1x128xi32, #tpu.memory_space<vmem>>
    %dma_start3A_11 = tpu.memref_squeeze %dma_start3A_10 : memref<1x128xi32, #tpu.memory_space<vmem>> -> memref<128xi32, #tpu.memory_space<vmem>>
    %dma_start3A_12 = tpu.memref_slice %arg2[%add3A_4] : memref<16384xi32, #tpu.memory_space<hbm>> -> memref<128xi32, #tpu.memory_space<hbm>>
    tpu.enqueue_dma source(%dma_start3A_12 : memref<128xi32, #tpu.memory_space<hbm>>) target(%dma_start3A_11 : memref<128xi32, #tpu.memory_space<vmem>>) target_semaphore(%arg19 : memref<!tpu.dma_semaphore, #tpu.memory_space<semaphore_mem>>)
    %add3A_13 = arith.constant 0 : i32
    %add3A_14 = arith.addi %add3A_13, %mul3A_2 : i32
    %dma_start3A_15 = arith.constant 1 : i32
    %dma_start3A_16 = arith.constant 0 : i32
    %dma_start3A_17 = tpu.memref_slice %arg14[%dma_start3A_15, %dma_start3A_16] : memref<4x128xi32, #tpu.memory_space<vmem>> -> memref<1x128xi32, #tpu.memory_space<vmem>>
    %dma_start3A_18 = tpu.memref_squeeze %dma_start3A_17 : memref<1x128xi32, #tpu.memory_space<vmem>> -> memref<128xi32, #tpu.memory_space<vmem>>
    %dma_start3A_19 = tpu.memref_slice %arg3[%add3A_14] : memref<16384xi32, #tpu.memory_space<hbm>> -> memref<128xi32, #tpu.memory_space<hbm>>
    %dma_start3A_20 = arith.constant 0 : i32
    %dma_start3A_21 = tpu.memref_slice %arg14[%dma_start3A_15, %dma_start3A_20] : memref<4x128xi32, #tpu.memory_space<vmem>> -> memref<1x128xi32, #tpu.memory_space<vmem>>
    %dma_start3A_22 = tpu.memref_squeeze %dma_start3A_21 : memref<1x128xi32, #tpu.memory_space<vmem>> -> memref<128xi32, #tpu.memory_space<vmem>>
    %dma_start3A_23 = tpu.memref_slice %arg3[%add3A_14] : memref<16384xi32, #tpu.memory_space<hbm>> -> memref<128xi32, #tpu.memory_space<hbm>>
    tpu.enqueue_dma source(%dma_start3A_23 : memref<128xi32, #tpu.memory_space<hbm>>) target(%dma_start3A_22 : memref<128xi32, #tpu.memory_space<vmem>>) target_semaphore(%arg20 : memref<!tpu.dma_semaphore, #tpu.memory_space<semaphore_mem>>)
    %add3A_24 = arith.constant 0 : i32
    %add3A_25 = arith.addi %add3A_24, %mul3A_2 : i32
    %dma_start3A_26 = arith.constant 2 : i32
    %dma_start3A_27 = arith.constant 0 : i32
    %dma_start3A_28 = tpu.memref_slice %arg14[%dma_start3A_26, %dma_start3A_27] : memref<4x128xi32, #tpu.memory_space<vmem>> -> memref<1x128xi32, #tpu.memory_space<vmem>>
    %dma_start3A_29 = tpu.memref_squeeze %dma_start3A_28 : memref<1x128xi32, #tpu.memory_space<vmem>> -> memref<128xi32, #tpu.memory_space<vmem>>
    %dma_start3A_30 = tpu.memref_slice %arg4[%add3A_25] : memref<16384xi32, #tpu.memory_space<hbm>> -> memref<128xi32, #tpu.memory_space<hbm>>
    %dma_start3A_31 = arith.constant 0 : i32
    %dma_start3A_32 = tpu.memref_slice %arg14[%dma_start3A_26, %dma_start3A_31] : memref<4x128xi32, #tpu.memory_space<vmem>> -> memref<1x128xi32, #tpu.memory_space<vmem>>
    %dma_start3A_33 = tpu.memref_squeeze %dma_start3A_32 : memref<1x128xi32, #tpu.memory_space<vmem>> -> memref<128xi32, #tpu.memory_space<vmem>>
    %dma_start3A_34 = tpu.memref_slice %arg4[%add3A_25] : memref<16384xi32, #tpu.memory_space<hbm>> -> memref<128xi32, #tpu.memory_space<hbm>>
    tpu.enqueue_dma source(%dma_start3A_34 : memref<128xi32, #tpu.memory_space<hbm>>) target(%dma_start3A_33 : memref<128xi32, #tpu.memory_space<vmem>>) target_semaphore(%arg21 : memref<!tpu.dma_semaphore, #tpu.memory_space<semaphore_mem>>)
    %add3A_35 = arith.constant 0 : i32
    %add3A_36 = arith.addi %add3A_35, %mul3A_2 : i32
    %dma_start3A_37 = arith.constant 3 : i32
    %dma_start3A_38 = arith.constant 0 : i32
    %dma_start3A_39 = tpu.memref_slice %arg14[%dma_start3A_37, %dma_start3A_38] : memref<4x128xi32, #tpu.memory_space<vmem>> -> memref<1x128xi32, #tpu.memory_space<vmem>>
    %dma_start3A_40 = tpu.memref_squeeze %dma_start3A_39 : memref<1x128xi32, #tpu.memory_space<vmem>> -> memref<128xi32, #tpu.memory_space<vmem>>
    %dma_start3A_41 = tpu.memref_slice %arg5[%add3A_36] : memref<16384xi32, #tpu.memory_space<hbm>> -> memref<128xi32, #tpu.memory_space<hbm>>
    %dma_start3A_42 = arith.constant 0 : i32
    %dma_start3A_43 = tpu.memref_slice %arg14[%dma_start3A_37, %dma_start3A_42] : memref<4x128xi32, #tpu.memory_space<vmem>> -> memref<1x128xi32, #tpu.memory_space<vmem>>
    %dma_start3A_44 = tpu.memref_squeeze %dma_start3A_43 : memref<1x128xi32, #tpu.memory_space<vmem>> -> memref<128xi32, #tpu.memory_space<vmem>>
    %dma_start3A_45 = tpu.memref_slice %arg5[%add3A_36] : memref<16384xi32, #tpu.memory_space<hbm>> -> memref<128xi32, #tpu.memory_space<hbm>>
    tpu.enqueue_dma source(%dma_start3A_45 : memref<128xi32, #tpu.memory_space<hbm>>) target(%dma_start3A_44 : memref<128xi32, #tpu.memory_space<vmem>>) target_semaphore(%arg22 : memref<!tpu.dma_semaphore, #tpu.memory_space<semaphore_mem>>)
    %dma_wait3A = arith.constant 0 : i32
    %dma_wait3A_46 = arith.constant 0 : i32
    %dma_wait3A_47 = tpu.memref_slice %arg14[%dma_wait3A, %dma_wait3A_46] : memref<4x128xi32, #tpu.memory_space<vmem>> -> memref<1x128xi32, #tpu.memory_space<vmem>>
    %dma_wait3A_48 = tpu.memref_squeeze %dma_wait3A_47 : memref<1x128xi32, #tpu.memory_space<vmem>> -> memref<128xi32, #tpu.memory_space<vmem>>
    %dma_wait3A_49 = tpu.memref_slice %arg2[%add3A_4] : memref<16384xi32, #tpu.memory_space<hbm>> -> memref<128xi32, #tpu.memory_space<hbm>>
    %dma_wait3A_50 = arith.constant 0 : i32
    %dma_wait3A_51 = tpu.memref_slice %arg14[%dma_wait3A, %dma_wait3A_50] : memref<4x128xi32, #tpu.memory_space<vmem>> -> memref<1x128xi32, #tpu.memory_space<vmem>>
    %dma_wait3A_52 = tpu.memref_squeeze %dma_wait3A_51 : memref<1x128xi32, #tpu.memory_space<vmem>> -> memref<128xi32, #tpu.memory_space<vmem>>
    %dma_wait3A_53 = tpu.memref_slice %arg2[%add3A_4] : memref<16384xi32, #tpu.memory_space<hbm>> -> memref<128xi32, #tpu.memory_space<hbm>>
    tpu.wait_dma2 semaphore(%arg19 : memref<!tpu.dma_semaphore, #tpu.memory_space<semaphore_mem>>) src(%dma_wait3A_53 : memref<128xi32, #tpu.memory_space<hbm>>) dst(%dma_wait3A_52 : memref<128xi32, #tpu.memory_space<vmem>>)
    %dma_start3A_54 = arith.constant 0 : i32
    %dma_start3A_55 = arith.constant 0 : i32
    %dma_start3A_56 = tpu.memref_slice %arg14[%dma_start3A_54, %dma_start3A_55] : memref<4x128xi32, #tpu.memory_space<vmem>> -> memref<1x128xi32, #tpu.memory_space<vmem>>
    %dma_start3A_57 = tpu.memref_squeeze %dma_start3A_56 : memref<1x128xi32, #tpu.memory_space<vmem>> -> memref<128xi32, #tpu.memory_space<vmem>>
    %dma_start3A_58 = arith.constant 0 : i32
    %dma_start3A_59 = arith.constant 0 : i32
    %dma_start3A_60 = tpu.memref_slice %arg6[%dma_start3A_58, %dma_start3A_59] : memref<1000000x128xf32, #tpu.memory_space<hbm>> -> memref<1000000x128xf32, #tpu.memory_space<hbm>>
    tpu.enqueue_indirect_dma source(%dma_start3A_60 : memref<1000000x128xf32, #tpu.memory_space<hbm>>) target(%arg15 : memref<128x128xf32, #tpu.memory_space<vmem>>) offsets(%dma_start3A_57 : memref<128xi32, #tpu.memory_space<vmem>>) semaphore(%arg23 : memref<!tpu.dma_semaphore, #tpu.memory_space<semaphore_mem>>)
    %dma_wait3A_61 = arith.constant 1 : i32
    %dma_wait3A_62 = arith.constant 0 : i32
    %dma_wait3A_63 = tpu.memref_slice %arg14[%dma_wait3A_61, %dma_wait3A_62] : memref<4x128xi32, #tpu.memory_space<vmem>> -> memref<1x128xi32, #tpu.memory_space<vmem>>
    %dma_wait3A_64 = tpu.memref_squeeze %dma_wait3A_63 : memref<1x128xi32, #tpu.memory_space<vmem>> -> memref<128xi32, #tpu.memory_space<vmem>>
    %dma_wait3A_65 = tpu.memref_slice %arg3[%add3A_14] : memref<16384xi32, #tpu.memory_space<hbm>> -> memref<128xi32, #tpu.memory_space<hbm>>
    %dma_wait3A_66 = arith.constant 0 : i32
    %dma_wait3A_67 = tpu.memref_slice %arg14[%dma_wait3A_61, %dma_wait3A_66] : memref<4x128xi32, #tpu.memory_space<vmem>> -> memref<1x128xi32, #tpu.memory_space<vmem>>
    %dma_wait3A_68 = tpu.memref_squeeze %dma_wait3A_67 : memref<1x128xi32, #tpu.memory_space<vmem>> -> memref<128xi32, #tpu.memory_space<vmem>>
    %dma_wait3A_69 = tpu.memref_slice %arg3[%add3A_14] : memref<16384xi32, #tpu.memory_space<hbm>> -> memref<128xi32, #tpu.memory_space<hbm>>
    tpu.wait_dma2 semaphore(%arg20 : memref<!tpu.dma_semaphore, #tpu.memory_space<semaphore_mem>>) src(%dma_wait3A_69 : memref<128xi32, #tpu.memory_space<hbm>>) dst(%dma_wait3A_68 : memref<128xi32, #tpu.memory_space<vmem>>)
    %dma_start3A_70 = arith.constant 1 : i32
    %dma_start3A_71 = arith.constant 0 : i32
    %dma_start3A_72 = tpu.memref_slice %arg14[%dma_start3A_70, %dma_start3A_71] : memref<4x128xi32, #tpu.memory_space<vmem>> -> memref<1x128xi32, #tpu.memory_space<vmem>>
    %dma_start3A_73 = tpu.memref_squeeze %dma_start3A_72 : memref<1x128xi32, #tpu.memory_space<vmem>> -> memref<128xi32, #tpu.memory_space<vmem>>
    %dma_start3A_74 = arith.constant 0 : i32
    %dma_start3A_75 = arith.constant 0 : i32
    %dma_start3A_76 = tpu.memref_slice %arg7[%dma_start3A_74, %dma_start3A_75] : memref<100000x128xf32, #tpu.memory_space<hbm>> -> memref<100000x128xf32, #tpu.memory_space<hbm>>
    tpu.enqueue_indirect_dma source(%dma_start3A_76 : memref<100000x128xf32, #tpu.memory_space<hbm>>) target(%arg16 : memref<128x128xf32, #tpu.memory_space<vmem>>) offsets(%dma_start3A_73 : memref<128xi32, #tpu.memory_space<vmem>>) semaphore(%arg24 : memref<!tpu.dma_semaphore, #tpu.memory_space<semaphore_mem>>)
    %dma_wait3A_77 = arith.constant 2 : i32
    %dma_wait3A_78 = arith.constant 0 : i32
    %dma_wait3A_79 = tpu.memref_slice %arg14[%dma_wait3A_77, %dma_wait3A_78] : memref<4x128xi32, #tpu.memory_space<vmem>> -> memref<1x128xi32, #tpu.memory_space<vmem>>
    %dma_wait3A_80 = tpu.memref_squeeze %dma_wait3A_79 : memref<1x128xi32, #tpu.memory_space<vmem>> -> memref<128xi32, #tpu.memory_space<vmem>>
    %dma_wait3A_81 = tpu.memref_slice %arg4[%add3A_25] : memref<16384xi32, #tpu.memory_space<hbm>> -> memref<128xi32, #tpu.memory_space<hbm>>
    %dma_wait3A_82 = arith.constant 0 : i32
    %dma_wait3A_83 = tpu.memref_slice %arg14[%dma_wait3A_77, %dma_wait3A_82] : memref<4x128xi32, #tpu.memory_space<vmem>> -> memref<1x128xi32, #tpu.memory_space<vmem>>
    %dma_wait3A_84 = tpu.memref_squeeze %dma_wait3A_83 : memref<1x128xi32, #tpu.memory_space<vmem>> -> memref<128xi32, #tpu.memory_space<vmem>>
    %dma_wait3A_85 = tpu.memref_slice %arg4[%add3A_25] : memref<16384xi32, #tpu.memory_space<hbm>> -> memref<128xi32, #tpu.memory_space<hbm>>
    tpu.wait_dma2 semaphore(%arg21 : memref<!tpu.dma_semaphore, #tpu.memory_space<semaphore_mem>>) src(%dma_wait3A_85 : memref<128xi32, #tpu.memory_space<hbm>>) dst(%dma_wait3A_84 : memref<128xi32, #tpu.memory_space<vmem>>)
    %dma_start3A_86 = arith.constant 2 : i32
    %dma_start3A_87 = arith.constant 0 : i32
    %dma_start3A_88 = tpu.memref_slice %arg14[%dma_start3A_86, %dma_start3A_87] : memref<4x128xi32, #tpu.memory_space<vmem>> -> memref<1x128xi32, #tpu.memory_space<vmem>>
    %dma_start3A_89 = tpu.memref_squeeze %dma_start3A_88 : memref<1x128xi32, #tpu.memory_space<vmem>> -> memref<128xi32, #tpu.memory_space<vmem>>
    %dma_start3A_90 = arith.constant 0 : i32
    %dma_start3A_91 = arith.constant 0 : i32
    %dma_start3A_92 = tpu.memref_slice %arg8[%dma_start3A_90, %dma_start3A_91] : memref<100000x128xf32, #tpu.memory_space<hbm>> -> memref<100000x128xf32, #tpu.memory_space<hbm>>
    tpu.enqueue_indirect_dma source(%dma_start3A_92 : memref<100000x128xf32, #tpu.memory_space<hbm>>) target(%arg17 : memref<128x128xf32, #tpu.memory_space<vmem>>) offsets(%dma_start3A_89 : memref<128xi32, #tpu.memory_space<vmem>>) semaphore(%arg25 : memref<!tpu.dma_semaphore, #tpu.memory_space<semaphore_mem>>)
    %dma_wait3A_93 = arith.constant 3 : i32
    %dma_wait3A_94 = arith.constant 0 : i32
    %dma_wait3A_95 = tpu.memref_slice %arg14[%dma_wait3A_93, %dma_wait3A_94] : memref<4x128xi32, #tpu.memory_space<vmem>> -> memref<1x128xi32, #tpu.memory_space<vmem>>
    %dma_wait3A_96 = tpu.memref_squeeze %dma_wait3A_95 : memref<1x128xi32, #tpu.memory_space<vmem>> -> memref<128xi32, #tpu.memory_space<vmem>>
    %dma_wait3A_97 = tpu.memref_slice %arg5[%add3A_36] : memref<16384xi32, #tpu.memory_space<hbm>> -> memref<128xi32, #tpu.memory_space<hbm>>
    %dma_wait3A_98 = arith.constant 0 : i32
    %dma_wait3A_99 = tpu.memref_slice %arg14[%dma_wait3A_93, %dma_wait3A_98] : memref<4x128xi32, #tpu.memory_space<vmem>> -> memref<1x128xi32, #tpu.memory_space<vmem>>
    %dma_wait3A_100 = tpu.memref_squeeze %dma_wait3A_99 : memref<1x128xi32, #tpu.memory_space<vmem>> -> memref<128xi32, #tpu.memory_space<vmem>>
    %dma_wait3A_101 = tpu.memref_slice %arg5[%add3A_36] : memref<16384xi32, #tpu.memory_space<hbm>> -> memref<128xi32, #tpu.memory_space<hbm>>
    tpu.wait_dma2 semaphore(%arg22 : memref<!tpu.dma_semaphore, #tpu.memory_space<semaphore_mem>>) src(%dma_wait3A_101 : memref<128xi32, #tpu.memory_space<hbm>>) dst(%dma_wait3A_100 : memref<128xi32, #tpu.memory_space<vmem>>)
    %dma_start3A_102 = arith.constant 3 : i32
    %dma_start3A_103 = arith.constant 0 : i32
    %dma_start3A_104 = tpu.memref_slice %arg14[%dma_start3A_102, %dma_start3A_103] : memref<4x128xi32, #tpu.memory_space<vmem>> -> memref<1x128xi32, #tpu.memory_space<vmem>>
    %dma_start3A_105 = tpu.memref_squeeze %dma_start3A_104 : memref<1x128xi32, #tpu.memory_space<vmem>> -> memref<128xi32, #tpu.memory_space<vmem>>
    %dma_start3A_106 = arith.constant 0 : i32
    %dma_start3A_107 = arith.constant 0 : i32
    %dma_start3A_108 = tpu.memref_slice %arg9[%dma_start3A_106, %dma_start3A_107] : memref<1000x128xf32, #tpu.memory_space<hbm>> -> memref<1000x128xf32, #tpu.memory_space<hbm>>
    tpu.enqueue_indirect_dma source(%dma_start3A_108 : memref<1000x128xf32, #tpu.memory_space<hbm>>) target(%arg18 : memref<128x128xf32, #tpu.memory_space<vmem>>) offsets(%dma_start3A_105 : memref<128xi32, #tpu.memory_space<vmem>>) semaphore(%arg26 : memref<!tpu.dma_semaphore, #tpu.memory_space<semaphore_mem>>)
    %dma_wait3A_109 = arith.constant 0 : i32
    %dma_wait3A_110 = arith.constant 0 : i32
    %dma_wait3A_111 = tpu.memref_slice %arg14[%dma_wait3A_109, %dma_wait3A_110] : memref<4x128xi32, #tpu.memory_space<vmem>> -> memref<1x128xi32, #tpu.memory_space<vmem>>
    %dma_wait3A_112 = tpu.memref_squeeze %dma_wait3A_111 : memref<1x128xi32, #tpu.memory_space<vmem>> -> memref<128xi32, #tpu.memory_space<vmem>>
    %dma_wait3A_113 = arith.constant 0 : i32
    %dma_wait3A_114 = arith.constant 0 : i32
    %dma_wait3A_115 = tpu.memref_slice %arg6[%dma_wait3A_113, %dma_wait3A_114] : memref<1000000x128xf32, #tpu.memory_space<hbm>> -> memref<1000000x128xf32, #tpu.memory_space<hbm>>
    tpu.wait_indirect_dma semaphore(%arg23 : memref<!tpu.dma_semaphore, #tpu.memory_space<semaphore_mem>>) src(%dma_wait3A_115 : memref<1000000x128xf32, #tpu.memory_space<hbm>>) dst(%arg15 : memref<128x128xf32, #tpu.memory_space<vmem>>)
    %add3A_116 = arith.constant 0 : i32
    %add3A_117 = arith.addi %mul3A_2, %add3A_116 : i32
    %dma_start3A_118 = arith.constant 0 : i32
    %dma_start3A_119 = tpu.memref_slice %arg10[%add3A_117, %dma_start3A_118] : memref<4096x128xf32, #tpu.memory_space<hbm>> -> memref<128x128xf32, #tpu.memory_space<hbm>>
    %dma_start3A_120 = arith.constant 0 : i32
    %dma_start3A_121 = tpu.memref_slice %arg10[%add3A_117, %dma_start3A_120] : memref<4096x128xf32, #tpu.memory_space<hbm>> -> memref<128x128xf32, #tpu.memory_space<hbm>>
    tpu.enqueue_dma source(%arg15 : memref<128x128xf32, #tpu.memory_space<vmem>>) target(%dma_start3A_121 : memref<128x128xf32, #tpu.memory_space<hbm>>) target_semaphore(%arg27 : memref<!tpu.dma_semaphore, #tpu.memory_space<semaphore_mem>>)
    %dma_wait3A_122 = arith.constant 1 : i32
    %dma_wait3A_123 = arith.constant 0 : i32
    %dma_wait3A_124 = tpu.memref_slice %arg14[%dma_wait3A_122, %dma_wait3A_123] : memref<4x128xi32, #tpu.memory_space<vmem>> -> memref<1x128xi32, #tpu.memory_space<vmem>>
    %dma_wait3A_125 = tpu.memref_squeeze %dma_wait3A_124 : memref<1x128xi32, #tpu.memory_space<vmem>> -> memref<128xi32, #tpu.memory_space<vmem>>
    %dma_wait3A_126 = arith.constant 0 : i32
    %dma_wait3A_127 = arith.constant 0 : i32
    %dma_wait3A_128 = tpu.memref_slice %arg7[%dma_wait3A_126, %dma_wait3A_127] : memref<100000x128xf32, #tpu.memory_space<hbm>> -> memref<100000x128xf32, #tpu.memory_space<hbm>>
    tpu.wait_indirect_dma semaphore(%arg24 : memref<!tpu.dma_semaphore, #tpu.memory_space<semaphore_mem>>) src(%dma_wait3A_128 : memref<100000x128xf32, #tpu.memory_space<hbm>>) dst(%arg16 : memref<128x128xf32, #tpu.memory_space<vmem>>)
    %add3A_129 = arith.constant 0 : i32
    %add3A_130 = arith.addi %mul3A_2, %add3A_129 : i32
    %dma_start3A_131 = arith.constant 0 : i32
    %dma_start3A_132 = tpu.memref_slice %arg11[%add3A_130, %dma_start3A_131] : memref<4096x128xf32, #tpu.memory_space<hbm>> -> memref<128x128xf32, #tpu.memory_space<hbm>>
    %dma_start3A_133 = arith.constant 0 : i32
    %dma_start3A_134 = tpu.memref_slice %arg11[%add3A_130, %dma_start3A_133] : memref<4096x128xf32, #tpu.memory_space<hbm>> -> memref<128x128xf32, #tpu.memory_space<hbm>>
    tpu.enqueue_dma source(%arg16 : memref<128x128xf32, #tpu.memory_space<vmem>>) target(%dma_start3A_134 : memref<128x128xf32, #tpu.memory_space<hbm>>) target_semaphore(%arg28 : memref<!tpu.dma_semaphore, #tpu.memory_space<semaphore_mem>>)
    %dma_wait3A_135 = arith.constant 2 : i32
    %dma_wait3A_136 = arith.constant 0 : i32
    %dma_wait3A_137 = tpu.memref_slice %arg14[%dma_wait3A_135, %dma_wait3A_136] : memref<4x128xi32, #tpu.memory_space<vmem>> -> memref<1x128xi32, #tpu.memory_space<vmem>>
    %dma_wait3A_138 = tpu.memref_squeeze %dma_wait3A_137 : memref<1x128xi32, #tpu.memory_space<vmem>> -> memref<128xi32, #tpu.memory_space<vmem>>
    %dma_wait3A_139 = arith.constant 0 : i32
    %dma_wait3A_140 = arith.constant 0 : i32
    %dma_wait3A_141 = tpu.memref_slice %arg8[%dma_wait3A_139, %dma_wait3A_140] : memref<100000x128xf32, #tpu.memory_space<hbm>> -> memref<100000x128xf32, #tpu.memory_space<hbm>>
    tpu.wait_indirect_dma semaphore(%arg25 : memref<!tpu.dma_semaphore, #tpu.memory_space<semaphore_mem>>) src(%dma_wait3A_141 : memref<100000x128xf32, #tpu.memory_space<hbm>>) dst(%arg17 : memref<128x128xf32, #tpu.memory_space<vmem>>)
    %add3A_142 = arith.constant 0 : i32
    %add3A_143 = arith.addi %mul3A_2, %add3A_142 : i32
    %dma_start3A_144 = arith.constant 0 : i32
    %dma_start3A_145 = tpu.memref_slice %arg12[%add3A_143, %dma_start3A_144] : memref<4096x128xf32, #tpu.memory_space<hbm>> -> memref<128x128xf32, #tpu.memory_space<hbm>>
    %dma_start3A_146 = arith.constant 0 : i32
    %dma_start3A_147 = tpu.memref_slice %arg12[%add3A_143, %dma_start3A_146] : memref<4096x128xf32, #tpu.memory_space<hbm>> -> memref<128x128xf32, #tpu.memory_space<hbm>>
    tpu.enqueue_dma source(%arg17 : memref<128x128xf32, #tpu.memory_space<vmem>>) target(%dma_start3A_147 : memref<128x128xf32, #tpu.memory_space<hbm>>) target_semaphore(%arg29 : memref<!tpu.dma_semaphore, #tpu.memory_space<semaphore_mem>>)
    %dma_wait3A_148 = arith.constant 3 : i32
    %dma_wait3A_149 = arith.constant 0 : i32
    %dma_wait3A_150 = tpu.memref_slice %arg14[%dma_wait3A_148, %dma_wait3A_149] : memref<4x128xi32, #tpu.memory_space<vmem>> -> memref<1x128xi32, #tpu.memory_space<vmem>>
    %dma_wait3A_151 = tpu.memref_squeeze %dma_wait3A_150 : memref<1x128xi32, #tpu.memory_space<vmem>> -> memref<128xi32, #tpu.memory_space<vmem>>
    %dma_wait3A_152 = arith.constant 0 : i32
    %dma_wait3A_153 = arith.constant 0 : i32
    %dma_wait3A_154 = tpu.memref_slice %arg9[%dma_wait3A_152, %dma_wait3A_153] : memref<1000x128xf32, #tpu.memory_space<hbm>> -> memref<1000x128xf32, #tpu.memory_space<hbm>>
    tpu.wait_indirect_dma semaphore(%arg26 : memref<!tpu.dma_semaphore, #tpu.memory_space<semaphore_mem>>) src(%dma_wait3A_154 : memref<1000x128xf32, #tpu.memory_space<hbm>>) dst(%arg18 : memref<128x128xf32, #tpu.memory_space<vmem>>)
    %add3A_155 = arith.constant 0 : i32
    %add3A_156 = arith.addi %mul3A_2, %add3A_155 : i32
    %dma_start3A_157 = arith.constant 0 : i32
    %dma_start3A_158 = tpu.memref_slice %arg13[%add3A_156, %dma_start3A_157] : memref<4096x128xf32, #tpu.memory_space<hbm>> -> memref<128x128xf32, #tpu.memory_space<hbm>>
    %dma_start3A_159 = arith.constant 0 : i32
    %dma_start3A_160 = tpu.memref_slice %arg13[%add3A_156, %dma_start3A_159] : memref<4096x128xf32, #tpu.memory_space<hbm>> -> memref<128x128xf32, #tpu.memory_space<hbm>>
    tpu.enqueue_dma source(%arg18 : memref<128x128xf32, #tpu.memory_space<vmem>>) target(%dma_start3A_160 : memref<128x128xf32, #tpu.memory_space<hbm>>) target_semaphore(%arg30 : memref<!tpu.dma_semaphore, #tpu.memory_space<semaphore_mem>>)
    %dma_wait3A_161 = arith.constant 0 : i32
    %dma_wait3A_162 = tpu.memref_slice %arg10[%add3A_117, %dma_wait3A_161] : memref<4096x128xf32, #tpu.memory_space<hbm>> -> memref<128x128xf32, #tpu.memory_space<hbm>>
    %dma_wait3A_163 = arith.constant 0 : i32
    %dma_wait3A_164 = tpu.memref_slice %arg10[%add3A_117, %dma_wait3A_163] : memref<4096x128xf32, #tpu.memory_space<hbm>> -> memref<128x128xf32, #tpu.memory_space<hbm>>
    tpu.wait_dma2 semaphore(%arg27 : memref<!tpu.dma_semaphore, #tpu.memory_space<semaphore_mem>>) src(%arg15 : memref<128x128xf32, #tpu.memory_space<vmem>>) dst(%dma_wait3A_164 : memref<128x128xf32, #tpu.memory_space<hbm>>)
    %dma_wait3A_165 = arith.constant 0 : i32
    %dma_wait3A_166 = tpu.memref_slice %arg11[%add3A_130, %dma_wait3A_165] : memref<4096x128xf32, #tpu.memory_space<hbm>> -> memref<128x128xf32, #tpu.memory_space<hbm>>
    %dma_wait3A_167 = arith.constant 0 : i32
    %dma_wait3A_168 = tpu.memref_slice %arg11[%add3A_130, %dma_wait3A_167] : memref<4096x128xf32, #tpu.memory_space<hbm>> -> memref<128x128xf32, #tpu.memory_space<hbm>>
    tpu.wait_dma2 semaphore(%arg28 : memref<!tpu.dma_semaphore, #tpu.memory_space<semaphore_mem>>) src(%arg16 : memref<128x128xf32, #tpu.memory_space<vmem>>) dst(%dma_wait3A_168 : memref<128x128xf32, #tpu.memory_space<hbm>>)
    %dma_wait3A_169 = arith.constant 0 : i32
    %dma_wait3A_170 = tpu.memref_slice %arg12[%add3A_143, %dma_wait3A_169] : memref<4096x128xf32, #tpu.memory_space<hbm>> -> memref<128x128xf32, #tpu.memory_space<hbm>>
    %dma_wait3A_171 = arith.constant 0 : i32
    %dma_wait3A_172 = tpu.memref_slice %arg12[%add3A_143, %dma_wait3A_171] : memref<4096x128xf32, #tpu.memory_space<hbm>> -> memref<128x128xf32, #tpu.memory_space<hbm>>
    tpu.wait_dma2 semaphore(%arg29 : memref<!tpu.dma_semaphore, #tpu.memory_space<semaphore_mem>>) src(%arg17 : memref<128x128xf32, #tpu.memory_space<vmem>>) dst(%dma_wait3A_172 : memref<128x128xf32, #tpu.memory_space<hbm>>)
    %dma_wait3A_173 = arith.constant 0 : i32
    %dma_wait3A_174 = tpu.memref_slice %arg13[%add3A_156, %dma_wait3A_173] : memref<4096x128xf32, #tpu.memory_space<hbm>> -> memref<128x128xf32, #tpu.memory_space<hbm>>
    %dma_wait3A_175 = arith.constant 0 : i32
    %dma_wait3A_176 = tpu.memref_slice %arg13[%add3A_156, %dma_wait3A_175] : memref<4096x128xf32, #tpu.memory_space<hbm>> -> memref<128x128xf32, #tpu.memory_space<hbm>>
    tpu.wait_dma2 semaphore(%arg30 : memref<!tpu.dma_semaphore, #tpu.memory_space<semaphore_mem>>) src(%arg18 : memref<128x128xf32, #tpu.memory_space<vmem>>) dst(%dma_wait3A_176 : memref<128x128xf32, #tpu.memory_space<hbm>>)
    return
  }
}

#map = affine_map<(d0, d1) -> (0)>
#map1 = affine_map<(d0, d1) -> (0, 0)>
module attributes {stable_mosaic.version = 14 : i64} {
  func.func @gather_kernel(%arg0: i32, %arg1: i32, %arg2: memref<16384xi32, #tpu.memory_space<hbm>>, %arg3: memref<16384xi32, #tpu.memory_space<hbm>>, %arg4: memref<16384xi32, #tpu.memory_space<hbm>>, %arg5: memref<16384xi32, #tpu.memory_space<hbm>>, %arg6: memref<1000000x128xf32, #tpu.memory_space<hbm>>, %arg7: memref<100000x128xf32, #tpu.memory_space<hbm>>, %arg8: memref<100000x128xf32, #tpu.memory_space<hbm>>, %arg9: memref<1000x128xf32, #tpu.memory_space<hbm>>, %arg10: memref<4096x128xf32, #tpu.memory_space<hbm>>, %arg11: memref<4096x128xf32, #tpu.memory_space<hbm>>, %arg12: memref<4096x128xf32, #tpu.memory_space<hbm>>, %arg13: memref<4096x128xf32, #tpu.memory_space<hbm>>, %arg14: memref<4x128xi32, #tpu.memory_space<vmem>>, %arg15: memref<128x128xf32, #tpu.memory_space<vmem>>, %arg16: memref<128x128xf32, #tpu.memory_space<vmem>>, %arg17: memref<128x128xf32, #tpu.memory_space<vmem>>, %arg18: memref<128x128xf32, #tpu.memory_space<vmem>>, %arg19: memref<!tpu.dma_semaphore, #tpu.memory_space<semaphore_mem>>, %arg20: memref<!tpu.dma_semaphore, #tpu.memory_space<semaphore_mem>>, %arg21: memref<!tpu.dma_semaphore, #tpu.memory_space<semaphore_mem>>, %arg22: memref<!tpu.dma_semaphore, #tpu.memory_space<semaphore_mem>>, %arg23: memref<!tpu.dma_semaphore, #tpu.memory_space<semaphore_mem>>, %arg24: memref<!tpu.dma_semaphore, #tpu.memory_space<semaphore_mem>>, %arg25: memref<!tpu.dma_semaphore, #tpu.memory_space<semaphore_mem>>, %arg26: memref<!tpu.dma_semaphore, #tpu.memory_space<semaphore_mem>>, %arg27: memref<!tpu.dma_semaphore, #tpu.memory_space<semaphore_mem>>, %arg28: memref<!tpu.dma_semaphore, #tpu.memory_space<semaphore_mem>>, %arg29: memref<!tpu.dma_semaphore, #tpu.memory_space<semaphore_mem>>, %arg30: memref<!tpu.dma_semaphore, #tpu.memory_space<semaphore_mem>>) attributes {dimension_semantics = [#tpu.dimension_semantics<core_parallel>, #tpu.dimension_semantics<subcore_parallel>], iteration_bounds = array<i64: 2, 16>, scalar_prefetch = 0 : i64, scratch_operands = 17 : i64, tpu.core_type = #tpu.core_type<sc_vector_subcore>, window_params = [{transform_indices = #map}, {transform_indices = #map}, {transform_indices = #map}, {transform_indices = #map}, {transform_indices = #map1}, {transform_indices = #map1}, {transform_indices = #map1}, {transform_indices = #map1}, {transform_indices = #map1}, {transform_indices = #map1}, {transform_indices = #map1}, {transform_indices = #map1}]} {
    %mul3A = arith.constant 2 : i32
    %mul3A_0 = arith.muli %arg1, %mul3A : i32
    %add3A = arith.addi %mul3A_0, %arg0 : i32
    %mul3A_1 = arith.constant 128 : i32
    %mul3A_2 = arith.muli %add3A, %mul3A_1 : i32
    %add3A_3 = arith.constant 8192 : i32
    %add3A_4 = arith.addi %add3A_3, %mul3A_2 : i32
    %dma_start3A = arith.constant 0 : i32
    %dma_start3A_5 = arith.constant 0 : i32
    %dma_start3A_6 = tpu.memref_slice %arg14[%dma_start3A, %dma_start3A_5] : memref<4x128xi32, #tpu.memory_space<vmem>> -> memref<1x128xi32, #tpu.memory_space<vmem>>
    %dma_start3A_7 = tpu.memref_squeeze %dma_start3A_6 : memref<1x128xi32, #tpu.memory_space<vmem>> -> memref<128xi32, #tpu.memory_space<vmem>>
    %dma_start3A_8 = tpu.memref_slice %arg2[%add3A_4] : memref<16384xi32, #tpu.memory_space<hbm>> -> memref<128xi32, #tpu.memory_space<hbm>>
    %dma_start3A_9 = arith.constant 0 : i32
    %dma_start3A_10 = tpu.memref_slice %arg14[%dma_start3A, %dma_start3A_9] : memref<4x128xi32, #tpu.memory_space<vmem>> -> memref<1x128xi32, #tpu.memory_space<vmem>>
    %dma_start3A_11 = tpu.memref_squeeze %dma_start3A_10 : memref<1x128xi32, #tpu.memory_space<vmem>> -> memref<128xi32, #tpu.memory_space<vmem>>
    %dma_start3A_12 = tpu.memref_slice %arg2[%add3A_4] : memref<16384xi32, #tpu.memory_space<hbm>> -> memref<128xi32, #tpu.memory_space<hbm>>
    tpu.enqueue_dma source(%dma_start3A_12 : memref<128xi32, #tpu.memory_space<hbm>>) target(%dma_start3A_11 : memref<128xi32, #tpu.memory_space<vmem>>) target_semaphore(%arg19 : memref<!tpu.dma_semaphore, #tpu.memory_space<semaphore_mem>>)
    %add3A_13 = arith.constant 8192 : i32
    %add3A_14 = arith.addi %add3A_13, %mul3A_2 : i32
    %dma_start3A_15 = arith.constant 1 : i32
    %dma_start3A_16 = arith.constant 0 : i32
    %dma_start3A_17 = tpu.memref_slice %arg14[%dma_start3A_15, %dma_start3A_16] : memref<4x128xi32, #tpu.memory_space<vmem>> -> memref<1x128xi32, #tpu.memory_space<vmem>>
    %dma_start3A_18 = tpu.memref_squeeze %dma_start3A_17 : memref<1x128xi32, #tpu.memory_space<vmem>> -> memref<128xi32, #tpu.memory_space<vmem>>
    %dma_start3A_19 = tpu.memref_slice %arg3[%add3A_14] : memref<16384xi32, #tpu.memory_space<hbm>> -> memref<128xi32, #tpu.memory_space<hbm>>
    %dma_start3A_20 = arith.constant 0 : i32
    %dma_start3A_21 = tpu.memref_slice %arg14[%dma_start3A_15, %dma_start3A_20] : memref<4x128xi32, #tpu.memory_space<vmem>> -> memref<1x128xi32, #tpu.memory_space<vmem>>
    %dma_start3A_22 = tpu.memref_squeeze %dma_start3A_21 : memref<1x128xi32, #tpu.memory_space<vmem>> -> memref<128xi32, #tpu.memory_space<vmem>>
    %dma_start3A_23 = tpu.memref_slice %arg3[%add3A_14] : memref<16384xi32, #tpu.memory_space<hbm>> -> memref<128xi32, #tpu.memory_space<hbm>>
    tpu.enqueue_dma source(%dma_start3A_23 : memref<128xi32, #tpu.memory_space<hbm>>) target(%dma_start3A_22 : memref<128xi32, #tpu.memory_space<vmem>>) target_semaphore(%arg20 : memref<!tpu.dma_semaphore, #tpu.memory_space<semaphore_mem>>)
    %add3A_24 = arith.constant 8192 : i32
    %add3A_25 = arith.addi %add3A_24, %mul3A_2 : i32
    %dma_start3A_26 = arith.constant 2 : i32
    %dma_start3A_27 = arith.constant 0 : i32
    %dma_start3A_28 = tpu.memref_slice %arg14[%dma_start3A_26, %dma_start3A_27] : memref<4x128xi32, #tpu.memory_space<vmem>> -> memref<1x128xi32, #tpu.memory_space<vmem>>
    %dma_start3A_29 = tpu.memref_squeeze %dma_start3A_28 : memref<1x128xi32, #tpu.memory_space<vmem>> -> memref<128xi32, #tpu.memory_space<vmem>>
    %dma_start3A_30 = tpu.memref_slice %arg4[%add3A_25] : memref<16384xi32, #tpu.memory_space<hbm>> -> memref<128xi32, #tpu.memory_space<hbm>>
    %dma_start3A_31 = arith.constant 0 : i32
    %dma_start3A_32 = tpu.memref_slice %arg14[%dma_start3A_26, %dma_start3A_31] : memref<4x128xi32, #tpu.memory_space<vmem>> -> memref<1x128xi32, #tpu.memory_space<vmem>>
    %dma_start3A_33 = tpu.memref_squeeze %dma_start3A_32 : memref<1x128xi32, #tpu.memory_space<vmem>> -> memref<128xi32, #tpu.memory_space<vmem>>
    %dma_start3A_34 = tpu.memref_slice %arg4[%add3A_25] : memref<16384xi32, #tpu.memory_space<hbm>> -> memref<128xi32, #tpu.memory_space<hbm>>
    tpu.enqueue_dma source(%dma_start3A_34 : memref<128xi32, #tpu.memory_space<hbm>>) target(%dma_start3A_33 : memref<128xi32, #tpu.memory_space<vmem>>) target_semaphore(%arg21 : memref<!tpu.dma_semaphore, #tpu.memory_space<semaphore_mem>>)
    %add3A_35 = arith.constant 8192 : i32
    %add3A_36 = arith.addi %add3A_35, %mul3A_2 : i32
    %dma_start3A_37 = arith.constant 3 : i32
    %dma_start3A_38 = arith.constant 0 : i32
    %dma_start3A_39 = tpu.memref_slice %arg14[%dma_start3A_37, %dma_start3A_38] : memref<4x128xi32, #tpu.memory_space<vmem>> -> memref<1x128xi32, #tpu.memory_space<vmem>>
    %dma_start3A_40 = tpu.memref_squeeze %dma_start3A_39 : memref<1x128xi32, #tpu.memory_space<vmem>> -> memref<128xi32, #tpu.memory_space<vmem>>
    %dma_start3A_41 = tpu.memref_slice %arg5[%add3A_36] : memref<16384xi32, #tpu.memory_space<hbm>> -> memref<128xi32, #tpu.memory_space<hbm>>
    %dma_start3A_42 = arith.constant 0 : i32
    %dma_start3A_43 = tpu.memref_slice %arg14[%dma_start3A_37, %dma_start3A_42] : memref<4x128xi32, #tpu.memory_space<vmem>> -> memref<1x128xi32, #tpu.memory_space<vmem>>
    %dma_start3A_44 = tpu.memref_squeeze %dma_start3A_43 : memref<1x128xi32, #tpu.memory_space<vmem>> -> memref<128xi32, #tpu.memory_space<vmem>>
    %dma_start3A_45 = tpu.memref_slice %arg5[%add3A_36] : memref<16384xi32, #tpu.memory_space<hbm>> -> memref<128xi32, #tpu.memory_space<hbm>>
    tpu.enqueue_dma source(%dma_start3A_45 : memref<128xi32, #tpu.memory_space<hbm>>) target(%dma_start3A_44 : memref<128xi32, #tpu.memory_space<vmem>>) target_semaphore(%arg22 : memref<!tpu.dma_semaphore, #tpu.memory_space<semaphore_mem>>)
    %dma_wait3A = arith.constant 0 : i32
    %dma_wait3A_46 = arith.constant 0 : i32
    %dma_wait3A_47 = tpu.memref_slice %arg14[%dma_wait3A, %dma_wait3A_46] : memref<4x128xi32, #tpu.memory_space<vmem>> -> memref<1x128xi32, #tpu.memory_space<vmem>>
    %dma_wait3A_48 = tpu.memref_squeeze %dma_wait3A_47 : memref<1x128xi32, #tpu.memory_space<vmem>> -> memref<128xi32, #tpu.memory_space<vmem>>
    %dma_wait3A_49 = tpu.memref_slice %arg2[%add3A_4] : memref<16384xi32, #tpu.memory_space<hbm>> -> memref<128xi32, #tpu.memory_space<hbm>>
    %dma_wait3A_50 = arith.constant 0 : i32
    %dma_wait3A_51 = tpu.memref_slice %arg14[%dma_wait3A, %dma_wait3A_50] : memref<4x128xi32, #tpu.memory_space<vmem>> -> memref<1x128xi32, #tpu.memory_space<vmem>>
    %dma_wait3A_52 = tpu.memref_squeeze %dma_wait3A_51 : memref<1x128xi32, #tpu.memory_space<vmem>> -> memref<128xi32, #tpu.memory_space<vmem>>
    %dma_wait3A_53 = tpu.memref_slice %arg2[%add3A_4] : memref<16384xi32, #tpu.memory_space<hbm>> -> memref<128xi32, #tpu.memory_space<hbm>>
    tpu.wait_dma2 semaphore(%arg19 : memref<!tpu.dma_semaphore, #tpu.memory_space<semaphore_mem>>) src(%dma_wait3A_53 : memref<128xi32, #tpu.memory_space<hbm>>) dst(%dma_wait3A_52 : memref<128xi32, #tpu.memory_space<vmem>>)
    %dma_start3A_54 = arith.constant 0 : i32
    %dma_start3A_55 = arith.constant 0 : i32
    %dma_start3A_56 = tpu.memref_slice %arg14[%dma_start3A_54, %dma_start3A_55] : memref<4x128xi32, #tpu.memory_space<vmem>> -> memref<1x128xi32, #tpu.memory_space<vmem>>
    %dma_start3A_57 = tpu.memref_squeeze %dma_start3A_56 : memref<1x128xi32, #tpu.memory_space<vmem>> -> memref<128xi32, #tpu.memory_space<vmem>>
    %dma_start3A_58 = arith.constant 0 : i32
    %dma_start3A_59 = arith.constant 0 : i32
    %dma_start3A_60 = tpu.memref_slice %arg6[%dma_start3A_58, %dma_start3A_59] : memref<1000000x128xf32, #tpu.memory_space<hbm>> -> memref<1000000x128xf32, #tpu.memory_space<hbm>>
    tpu.enqueue_indirect_dma source(%dma_start3A_60 : memref<1000000x128xf32, #tpu.memory_space<hbm>>) target(%arg15 : memref<128x128xf32, #tpu.memory_space<vmem>>) offsets(%dma_start3A_57 : memref<128xi32, #tpu.memory_space<vmem>>) semaphore(%arg23 : memref<!tpu.dma_semaphore, #tpu.memory_space<semaphore_mem>>)
    %dma_wait3A_61 = arith.constant 1 : i32
    %dma_wait3A_62 = arith.constant 0 : i32
    %dma_wait3A_63 = tpu.memref_slice %arg14[%dma_wait3A_61, %dma_wait3A_62] : memref<4x128xi32, #tpu.memory_space<vmem>> -> memref<1x128xi32, #tpu.memory_space<vmem>>
    %dma_wait3A_64 = tpu.memref_squeeze %dma_wait3A_63 : memref<1x128xi32, #tpu.memory_space<vmem>> -> memref<128xi32, #tpu.memory_space<vmem>>
    %dma_wait3A_65 = tpu.memref_slice %arg3[%add3A_14] : memref<16384xi32, #tpu.memory_space<hbm>> -> memref<128xi32, #tpu.memory_space<hbm>>
    %dma_wait3A_66 = arith.constant 0 : i32
    %dma_wait3A_67 = tpu.memref_slice %arg14[%dma_wait3A_61, %dma_wait3A_66] : memref<4x128xi32, #tpu.memory_space<vmem>> -> memref<1x128xi32, #tpu.memory_space<vmem>>
    %dma_wait3A_68 = tpu.memref_squeeze %dma_wait3A_67 : memref<1x128xi32, #tpu.memory_space<vmem>> -> memref<128xi32, #tpu.memory_space<vmem>>
    %dma_wait3A_69 = tpu.memref_slice %arg3[%add3A_14] : memref<16384xi32, #tpu.memory_space<hbm>> -> memref<128xi32, #tpu.memory_space<hbm>>
    tpu.wait_dma2 semaphore(%arg20 : memref<!tpu.dma_semaphore, #tpu.memory_space<semaphore_mem>>) src(%dma_wait3A_69 : memref<128xi32, #tpu.memory_space<hbm>>) dst(%dma_wait3A_68 : memref<128xi32, #tpu.memory_space<vmem>>)
    %dma_start3A_70 = arith.constant 1 : i32
    %dma_start3A_71 = arith.constant 0 : i32
    %dma_start3A_72 = tpu.memref_slice %arg14[%dma_start3A_70, %dma_start3A_71] : memref<4x128xi32, #tpu.memory_space<vmem>> -> memref<1x128xi32, #tpu.memory_space<vmem>>
    %dma_start3A_73 = tpu.memref_squeeze %dma_start3A_72 : memref<1x128xi32, #tpu.memory_space<vmem>> -> memref<128xi32, #tpu.memory_space<vmem>>
    %dma_start3A_74 = arith.constant 0 : i32
    %dma_start3A_75 = arith.constant 0 : i32
    %dma_start3A_76 = tpu.memref_slice %arg7[%dma_start3A_74, %dma_start3A_75] : memref<100000x128xf32, #tpu.memory_space<hbm>> -> memref<100000x128xf32, #tpu.memory_space<hbm>>
    tpu.enqueue_indirect_dma source(%dma_start3A_76 : memref<100000x128xf32, #tpu.memory_space<hbm>>) target(%arg16 : memref<128x128xf32, #tpu.memory_space<vmem>>) offsets(%dma_start3A_73 : memref<128xi32, #tpu.memory_space<vmem>>) semaphore(%arg24 : memref<!tpu.dma_semaphore, #tpu.memory_space<semaphore_mem>>)
    %dma_wait3A_77 = arith.constant 2 : i32
    %dma_wait3A_78 = arith.constant 0 : i32
    %dma_wait3A_79 = tpu.memref_slice %arg14[%dma_wait3A_77, %dma_wait3A_78] : memref<4x128xi32, #tpu.memory_space<vmem>> -> memref<1x128xi32, #tpu.memory_space<vmem>>
    %dma_wait3A_80 = tpu.memref_squeeze %dma_wait3A_79 : memref<1x128xi32, #tpu.memory_space<vmem>> -> memref<128xi32, #tpu.memory_space<vmem>>
    %dma_wait3A_81 = tpu.memref_slice %arg4[%add3A_25] : memref<16384xi32, #tpu.memory_space<hbm>> -> memref<128xi32, #tpu.memory_space<hbm>>
    %dma_wait3A_82 = arith.constant 0 : i32
    %dma_wait3A_83 = tpu.memref_slice %arg14[%dma_wait3A_77, %dma_wait3A_82] : memref<4x128xi32, #tpu.memory_space<vmem>> -> memref<1x128xi32, #tpu.memory_space<vmem>>
    %dma_wait3A_84 = tpu.memref_squeeze %dma_wait3A_83 : memref<1x128xi32, #tpu.memory_space<vmem>> -> memref<128xi32, #tpu.memory_space<vmem>>
    %dma_wait3A_85 = tpu.memref_slice %arg4[%add3A_25] : memref<16384xi32, #tpu.memory_space<hbm>> -> memref<128xi32, #tpu.memory_space<hbm>>
    tpu.wait_dma2 semaphore(%arg21 : memref<!tpu.dma_semaphore, #tpu.memory_space<semaphore_mem>>) src(%dma_wait3A_85 : memref<128xi32, #tpu.memory_space<hbm>>) dst(%dma_wait3A_84 : memref<128xi32, #tpu.memory_space<vmem>>)
    %dma_start3A_86 = arith.constant 2 : i32
    %dma_start3A_87 = arith.constant 0 : i32
    %dma_start3A_88 = tpu.memref_slice %arg14[%dma_start3A_86, %dma_start3A_87] : memref<4x128xi32, #tpu.memory_space<vmem>> -> memref<1x128xi32, #tpu.memory_space<vmem>>
    %dma_start3A_89 = tpu.memref_squeeze %dma_start3A_88 : memref<1x128xi32, #tpu.memory_space<vmem>> -> memref<128xi32, #tpu.memory_space<vmem>>
    %dma_start3A_90 = arith.constant 0 : i32
    %dma_start3A_91 = arith.constant 0 : i32
    %dma_start3A_92 = tpu.memref_slice %arg8[%dma_start3A_90, %dma_start3A_91] : memref<100000x128xf32, #tpu.memory_space<hbm>> -> memref<100000x128xf32, #tpu.memory_space<hbm>>
    tpu.enqueue_indirect_dma source(%dma_start3A_92 : memref<100000x128xf32, #tpu.memory_space<hbm>>) target(%arg17 : memref<128x128xf32, #tpu.memory_space<vmem>>) offsets(%dma_start3A_89 : memref<128xi32, #tpu.memory_space<vmem>>) semaphore(%arg25 : memref<!tpu.dma_semaphore, #tpu.memory_space<semaphore_mem>>)
    %dma_wait3A_93 = arith.constant 3 : i32
    %dma_wait3A_94 = arith.constant 0 : i32
    %dma_wait3A_95 = tpu.memref_slice %arg14[%dma_wait3A_93, %dma_wait3A_94] : memref<4x128xi32, #tpu.memory_space<vmem>> -> memref<1x128xi32, #tpu.memory_space<vmem>>
    %dma_wait3A_96 = tpu.memref_squeeze %dma_wait3A_95 : memref<1x128xi32, #tpu.memory_space<vmem>> -> memref<128xi32, #tpu.memory_space<vmem>>
    %dma_wait3A_97 = tpu.memref_slice %arg5[%add3A_36] : memref<16384xi32, #tpu.memory_space<hbm>> -> memref<128xi32, #tpu.memory_space<hbm>>
    %dma_wait3A_98 = arith.constant 0 : i32
    %dma_wait3A_99 = tpu.memref_slice %arg14[%dma_wait3A_93, %dma_wait3A_98] : memref<4x128xi32, #tpu.memory_space<vmem>> -> memref<1x128xi32, #tpu.memory_space<vmem>>
    %dma_wait3A_100 = tpu.memref_squeeze %dma_wait3A_99 : memref<1x128xi32, #tpu.memory_space<vmem>> -> memref<128xi32, #tpu.memory_space<vmem>>
    %dma_wait3A_101 = tpu.memref_slice %arg5[%add3A_36] : memref<16384xi32, #tpu.memory_space<hbm>> -> memref<128xi32, #tpu.memory_space<hbm>>
    tpu.wait_dma2 semaphore(%arg22 : memref<!tpu.dma_semaphore, #tpu.memory_space<semaphore_mem>>) src(%dma_wait3A_101 : memref<128xi32, #tpu.memory_space<hbm>>) dst(%dma_wait3A_100 : memref<128xi32, #tpu.memory_space<vmem>>)
    %dma_start3A_102 = arith.constant 3 : i32
    %dma_start3A_103 = arith.constant 0 : i32
    %dma_start3A_104 = tpu.memref_slice %arg14[%dma_start3A_102, %dma_start3A_103] : memref<4x128xi32, #tpu.memory_space<vmem>> -> memref<1x128xi32, #tpu.memory_space<vmem>>
    %dma_start3A_105 = tpu.memref_squeeze %dma_start3A_104 : memref<1x128xi32, #tpu.memory_space<vmem>> -> memref<128xi32, #tpu.memory_space<vmem>>
    %dma_start3A_106 = arith.constant 0 : i32
    %dma_start3A_107 = arith.constant 0 : i32
    %dma_start3A_108 = tpu.memref_slice %arg9[%dma_start3A_106, %dma_start3A_107] : memref<1000x128xf32, #tpu.memory_space<hbm>> -> memref<1000x128xf32, #tpu.memory_space<hbm>>
    tpu.enqueue_indirect_dma source(%dma_start3A_108 : memref<1000x128xf32, #tpu.memory_space<hbm>>) target(%arg18 : memref<128x128xf32, #tpu.memory_space<vmem>>) offsets(%dma_start3A_105 : memref<128xi32, #tpu.memory_space<vmem>>) semaphore(%arg26 : memref<!tpu.dma_semaphore, #tpu.memory_space<semaphore_mem>>)
    %dma_wait3A_109 = arith.constant 0 : i32
    %dma_wait3A_110 = arith.constant 0 : i32
    %dma_wait3A_111 = tpu.memref_slice %arg14[%dma_wait3A_109, %dma_wait3A_110] : memref<4x128xi32, #tpu.memory_space<vmem>> -> memref<1x128xi32, #tpu.memory_space<vmem>>
    %dma_wait3A_112 = tpu.memref_squeeze %dma_wait3A_111 : memref<1x128xi32, #tpu.memory_space<vmem>> -> memref<128xi32, #tpu.memory_space<vmem>>
    %dma_wait3A_113 = arith.constant 0 : i32
    %dma_wait3A_114 = arith.constant 0 : i32
    %dma_wait3A_115 = tpu.memref_slice %arg6[%dma_wait3A_113, %dma_wait3A_114] : memref<1000000x128xf32, #tpu.memory_space<hbm>> -> memref<1000000x128xf32, #tpu.memory_space<hbm>>
    tpu.wait_indirect_dma semaphore(%arg23 : memref<!tpu.dma_semaphore, #tpu.memory_space<semaphore_mem>>) src(%dma_wait3A_115 : memref<1000000x128xf32, #tpu.memory_space<hbm>>) dst(%arg15 : memref<128x128xf32, #tpu.memory_space<vmem>>)
    %add3A_116 = arith.constant 0 : i32
    %add3A_117 = arith.addi %mul3A_2, %add3A_116 : i32
    %dma_start3A_118 = arith.constant 0 : i32
    %dma_start3A_119 = tpu.memref_slice %arg10[%add3A_117, %dma_start3A_118] : memref<4096x128xf32, #tpu.memory_space<hbm>> -> memref<128x128xf32, #tpu.memory_space<hbm>>
    %dma_start3A_120 = arith.constant 0 : i32
    %dma_start3A_121 = tpu.memref_slice %arg10[%add3A_117, %dma_start3A_120] : memref<4096x128xf32, #tpu.memory_space<hbm>> -> memref<128x128xf32, #tpu.memory_space<hbm>>
    tpu.enqueue_dma source(%arg15 : memref<128x128xf32, #tpu.memory_space<vmem>>) target(%dma_start3A_121 : memref<128x128xf32, #tpu.memory_space<hbm>>) target_semaphore(%arg27 : memref<!tpu.dma_semaphore, #tpu.memory_space<semaphore_mem>>)
    %dma_wait3A_122 = arith.constant 1 : i32
    %dma_wait3A_123 = arith.constant 0 : i32
    %dma_wait3A_124 = tpu.memref_slice %arg14[%dma_wait3A_122, %dma_wait3A_123] : memref<4x128xi32, #tpu.memory_space<vmem>> -> memref<1x128xi32, #tpu.memory_space<vmem>>
    %dma_wait3A_125 = tpu.memref_squeeze %dma_wait3A_124 : memref<1x128xi32, #tpu.memory_space<vmem>> -> memref<128xi32, #tpu.memory_space<vmem>>
    %dma_wait3A_126 = arith.constant 0 : i32
    %dma_wait3A_127 = arith.constant 0 : i32
    %dma_wait3A_128 = tpu.memref_slice %arg7[%dma_wait3A_126, %dma_wait3A_127] : memref<100000x128xf32, #tpu.memory_space<hbm>> -> memref<100000x128xf32, #tpu.memory_space<hbm>>
    tpu.wait_indirect_dma semaphore(%arg24 : memref<!tpu.dma_semaphore, #tpu.memory_space<semaphore_mem>>) src(%dma_wait3A_128 : memref<100000x128xf32, #tpu.memory_space<hbm>>) dst(%arg16 : memref<128x128xf32, #tpu.memory_space<vmem>>)
    %add3A_129 = arith.constant 0 : i32
    %add3A_130 = arith.addi %mul3A_2, %add3A_129 : i32
    %dma_start3A_131 = arith.constant 0 : i32
    %dma_start3A_132 = tpu.memref_slice %arg11[%add3A_130, %dma_start3A_131] : memref<4096x128xf32, #tpu.memory_space<hbm>> -> memref<128x128xf32, #tpu.memory_space<hbm>>
    %dma_start3A_133 = arith.constant 0 : i32
    %dma_start3A_134 = tpu.memref_slice %arg11[%add3A_130, %dma_start3A_133] : memref<4096x128xf32, #tpu.memory_space<hbm>> -> memref<128x128xf32, #tpu.memory_space<hbm>>
    tpu.enqueue_dma source(%arg16 : memref<128x128xf32, #tpu.memory_space<vmem>>) target(%dma_start3A_134 : memref<128x128xf32, #tpu.memory_space<hbm>>) target_semaphore(%arg28 : memref<!tpu.dma_semaphore, #tpu.memory_space<semaphore_mem>>)
    %dma_wait3A_135 = arith.constant 2 : i32
    %dma_wait3A_136 = arith.constant 0 : i32
    %dma_wait3A_137 = tpu.memref_slice %arg14[%dma_wait3A_135, %dma_wait3A_136] : memref<4x128xi32, #tpu.memory_space<vmem>> -> memref<1x128xi32, #tpu.memory_space<vmem>>
    %dma_wait3A_138 = tpu.memref_squeeze %dma_wait3A_137 : memref<1x128xi32, #tpu.memory_space<vmem>> -> memref<128xi32, #tpu.memory_space<vmem>>
    %dma_wait3A_139 = arith.constant 0 : i32
    %dma_wait3A_140 = arith.constant 0 : i32
    %dma_wait3A_141 = tpu.memref_slice %arg8[%dma_wait3A_139, %dma_wait3A_140] : memref<100000x128xf32, #tpu.memory_space<hbm>> -> memref<100000x128xf32, #tpu.memory_space<hbm>>
    tpu.wait_indirect_dma semaphore(%arg25 : memref<!tpu.dma_semaphore, #tpu.memory_space<semaphore_mem>>) src(%dma_wait3A_141 : memref<100000x128xf32, #tpu.memory_space<hbm>>) dst(%arg17 : memref<128x128xf32, #tpu.memory_space<vmem>>)
    %add3A_142 = arith.constant 0 : i32
    %add3A_143 = arith.addi %mul3A_2, %add3A_142 : i32
    %dma_start3A_144 = arith.constant 0 : i32
    %dma_start3A_145 = tpu.memref_slice %arg12[%add3A_143, %dma_start3A_144] : memref<4096x128xf32, #tpu.memory_space<hbm>> -> memref<128x128xf32, #tpu.memory_space<hbm>>
    %dma_start3A_146 = arith.constant 0 : i32
    %dma_start3A_147 = tpu.memref_slice %arg12[%add3A_143, %dma_start3A_146] : memref<4096x128xf32, #tpu.memory_space<hbm>> -> memref<128x128xf32, #tpu.memory_space<hbm>>
    tpu.enqueue_dma source(%arg17 : memref<128x128xf32, #tpu.memory_space<vmem>>) target(%dma_start3A_147 : memref<128x128xf32, #tpu.memory_space<hbm>>) target_semaphore(%arg29 : memref<!tpu.dma_semaphore, #tpu.memory_space<semaphore_mem>>)
    %dma_wait3A_148 = arith.constant 3 : i32
    %dma_wait3A_149 = arith.constant 0 : i32
    %dma_wait3A_150 = tpu.memref_slice %arg14[%dma_wait3A_148, %dma_wait3A_149] : memref<4x128xi32, #tpu.memory_space<vmem>> -> memref<1x128xi32, #tpu.memory_space<vmem>>
    %dma_wait3A_151 = tpu.memref_squeeze %dma_wait3A_150 : memref<1x128xi32, #tpu.memory_space<vmem>> -> memref<128xi32, #tpu.memory_space<vmem>>
    %dma_wait3A_152 = arith.constant 0 : i32
    %dma_wait3A_153 = arith.constant 0 : i32
    %dma_wait3A_154 = tpu.memref_slice %arg9[%dma_wait3A_152, %dma_wait3A_153] : memref<1000x128xf32, #tpu.memory_space<hbm>> -> memref<1000x128xf32, #tpu.memory_space<hbm>>
    tpu.wait_indirect_dma semaphore(%arg26 : memref<!tpu.dma_semaphore, #tpu.memory_space<semaphore_mem>>) src(%dma_wait3A_154 : memref<1000x128xf32, #tpu.memory_space<hbm>>) dst(%arg18 : memref<128x128xf32, #tpu.memory_space<vmem>>)
    %add3A_155 = arith.constant 0 : i32
    %add3A_156 = arith.addi %mul3A_2, %add3A_155 : i32
    %dma_start3A_157 = arith.constant 0 : i32
    %dma_start3A_158 = tpu.memref_slice %arg13[%add3A_156, %dma_start3A_157] : memref<4096x128xf32, #tpu.memory_space<hbm>> -> memref<128x128xf32, #tpu.memory_space<hbm>>
    %dma_start3A_159 = arith.constant 0 : i32
    %dma_start3A_160 = tpu.memref_slice %arg13[%add3A_156, %dma_start3A_159] : memref<4096x128xf32, #tpu.memory_space<hbm>> -> memref<128x128xf32, #tpu.memory_space<hbm>>
    tpu.enqueue_dma source(%arg18 : memref<128x128xf32, #tpu.memory_space<vmem>>) target(%dma_start3A_160 : memref<128x128xf32, #tpu.memory_space<hbm>>) target_semaphore(%arg30 : memref<!tpu.dma_semaphore, #tpu.memory_space<semaphore_mem>>)
    %dma_wait3A_161 = arith.constant 0 : i32
    %dma_wait3A_162 = tpu.memref_slice %arg10[%add3A_117, %dma_wait3A_161] : memref<4096x128xf32, #tpu.memory_space<hbm>> -> memref<128x128xf32, #tpu.memory_space<hbm>>
    %dma_wait3A_163 = arith.constant 0 : i32
    %dma_wait3A_164 = tpu.memref_slice %arg10[%add3A_117, %dma_wait3A_163] : memref<4096x128xf32, #tpu.memory_space<hbm>> -> memref<128x128xf32, #tpu.memory_space<hbm>>
    tpu.wait_dma2 semaphore(%arg27 : memref<!tpu.dma_semaphore, #tpu.memory_space<semaphore_mem>>) src(%arg15 : memref<128x128xf32, #tpu.memory_space<vmem>>) dst(%dma_wait3A_164 : memref<128x128xf32, #tpu.memory_space<hbm>>)
    %dma_wait3A_165 = arith.constant 0 : i32
    %dma_wait3A_166 = tpu.memref_slice %arg11[%add3A_130, %dma_wait3A_165] : memref<4096x128xf32, #tpu.memory_space<hbm>> -> memref<128x128xf32, #tpu.memory_space<hbm>>
    %dma_wait3A_167 = arith.constant 0 : i32
    %dma_wait3A_168 = tpu.memref_slice %arg11[%add3A_130, %dma_wait3A_167] : memref<4096x128xf32, #tpu.memory_space<hbm>> -> memref<128x128xf32, #tpu.memory_space<hbm>>
    tpu.wait_dma2 semaphore(%arg28 : memref<!tpu.dma_semaphore, #tpu.memory_space<semaphore_mem>>) src(%arg16 : memref<128x128xf32, #tpu.memory_space<vmem>>) dst(%dma_wait3A_168 : memref<128x128xf32, #tpu.memory_space<hbm>>)
    %dma_wait3A_169 = arith.constant 0 : i32
    %dma_wait3A_170 = tpu.memref_slice %arg12[%add3A_143, %dma_wait3A_169] : memref<4096x128xf32, #tpu.memory_space<hbm>> -> memref<128x128xf32, #tpu.memory_space<hbm>>
    %dma_wait3A_171 = arith.constant 0 : i32
    %dma_wait3A_172 = tpu.memref_slice %arg12[%add3A_143, %dma_wait3A_171] : memref<4096x128xf32, #tpu.memory_space<hbm>> -> memref<128x128xf32, #tpu.memory_space<hbm>>
    tpu.wait_dma2 semaphore(%arg29 : memref<!tpu.dma_semaphore, #tpu.memory_space<semaphore_mem>>) src(%arg17 : memref<128x128xf32, #tpu.memory_space<vmem>>) dst(%dma_wait3A_172 : memref<128x128xf32, #tpu.memory_space<hbm>>)
    %dma_wait3A_173 = arith.constant 0 : i32
    %dma_wait3A_174 = tpu.memref_slice %arg13[%add3A_156, %dma_wait3A_173] : memref<4096x128xf32, #tpu.memory_space<hbm>> -> memref<128x128xf32, #tpu.memory_space<hbm>>
    %dma_wait3A_175 = arith.constant 0 : i32
    %dma_wait3A_176 = tpu.memref_slice %arg13[%add3A_156, %dma_wait3A_175] : memref<4096x128xf32, #tpu.memory_space<hbm>> -> memref<128x128xf32, #tpu.memory_space<hbm>>
    tpu.wait_dma2 semaphore(%arg30 : memref<!tpu.dma_semaphore, #tpu.memory_space<semaphore_mem>>) src(%arg18 : memref<128x128xf32, #tpu.memory_space<vmem>>) dst(%dma_wait3A_176 : memref<128x128xf32, #tpu.memory_space<hbm>>)
    return
  }
}

#map = affine_map<(d0, d1) -> (0)>
#map1 = affine_map<(d0, d1) -> (0, 0)>
module attributes {stable_mosaic.version = 14 : i64} {
  func.func @gather_kernel(%arg0: i32, %arg1: i32, %arg2: memref<16384xi32, #tpu.memory_space<hbm>>, %arg3: memref<16384xi32, #tpu.memory_space<hbm>>, %arg4: memref<16384xi32, #tpu.memory_space<hbm>>, %arg5: memref<16384xi32, #tpu.memory_space<hbm>>, %arg6: memref<1000000x128xf32, #tpu.memory_space<hbm>>, %arg7: memref<100000x128xf32, #tpu.memory_space<hbm>>, %arg8: memref<100000x128xf32, #tpu.memory_space<hbm>>, %arg9: memref<1000x128xf32, #tpu.memory_space<hbm>>, %arg10: memref<4096x128xf32, #tpu.memory_space<hbm>>, %arg11: memref<4096x128xf32, #tpu.memory_space<hbm>>, %arg12: memref<4096x128xf32, #tpu.memory_space<hbm>>, %arg13: memref<4096x128xf32, #tpu.memory_space<hbm>>, %arg14: memref<4x128xi32, #tpu.memory_space<vmem>>, %arg15: memref<128x128xf32, #tpu.memory_space<vmem>>, %arg16: memref<128x128xf32, #tpu.memory_space<vmem>>, %arg17: memref<128x128xf32, #tpu.memory_space<vmem>>, %arg18: memref<128x128xf32, #tpu.memory_space<vmem>>, %arg19: memref<!tpu.dma_semaphore, #tpu.memory_space<semaphore_mem>>, %arg20: memref<!tpu.dma_semaphore, #tpu.memory_space<semaphore_mem>>, %arg21: memref<!tpu.dma_semaphore, #tpu.memory_space<semaphore_mem>>, %arg22: memref<!tpu.dma_semaphore, #tpu.memory_space<semaphore_mem>>, %arg23: memref<!tpu.dma_semaphore, #tpu.memory_space<semaphore_mem>>, %arg24: memref<!tpu.dma_semaphore, #tpu.memory_space<semaphore_mem>>, %arg25: memref<!tpu.dma_semaphore, #tpu.memory_space<semaphore_mem>>, %arg26: memref<!tpu.dma_semaphore, #tpu.memory_space<semaphore_mem>>, %arg27: memref<!tpu.dma_semaphore, #tpu.memory_space<semaphore_mem>>, %arg28: memref<!tpu.dma_semaphore, #tpu.memory_space<semaphore_mem>>, %arg29: memref<!tpu.dma_semaphore, #tpu.memory_space<semaphore_mem>>, %arg30: memref<!tpu.dma_semaphore, #tpu.memory_space<semaphore_mem>>) attributes {dimension_semantics = [#tpu.dimension_semantics<core_parallel>, #tpu.dimension_semantics<subcore_parallel>], iteration_bounds = array<i64: 2, 16>, scalar_prefetch = 0 : i64, scratch_operands = 17 : i64, tpu.core_type = #tpu.core_type<sc_vector_subcore>, window_params = [{transform_indices = #map}, {transform_indices = #map}, {transform_indices = #map}, {transform_indices = #map}, {transform_indices = #map1}, {transform_indices = #map1}, {transform_indices = #map1}, {transform_indices = #map1}, {transform_indices = #map1}, {transform_indices = #map1}, {transform_indices = #map1}, {transform_indices = #map1}]} {
    %mul3A = arith.constant 2 : i32
    %mul3A_0 = arith.muli %arg1, %mul3A : i32
    %add3A = arith.addi %mul3A_0, %arg0 : i32
    %mul3A_1 = arith.constant 128 : i32
    %mul3A_2 = arith.muli %add3A, %mul3A_1 : i32
    %add3A_3 = arith.constant 4096 : i32
    %add3A_4 = arith.addi %add3A_3, %mul3A_2 : i32
    %dma_start3A = arith.constant 0 : i32
    %dma_start3A_5 = arith.constant 0 : i32
    %dma_start3A_6 = tpu.memref_slice %arg14[%dma_start3A, %dma_start3A_5] : memref<4x128xi32, #tpu.memory_space<vmem>> -> memref<1x128xi32, #tpu.memory_space<vmem>>
    %dma_start3A_7 = tpu.memref_squeeze %dma_start3A_6 : memref<1x128xi32, #tpu.memory_space<vmem>> -> memref<128xi32, #tpu.memory_space<vmem>>
    %dma_start3A_8 = tpu.memref_slice %arg2[%add3A_4] : memref<16384xi32, #tpu.memory_space<hbm>> -> memref<128xi32, #tpu.memory_space<hbm>>
    %dma_start3A_9 = arith.constant 0 : i32
    %dma_start3A_10 = tpu.memref_slice %arg14[%dma_start3A, %dma_start3A_9] : memref<4x128xi32, #tpu.memory_space<vmem>> -> memref<1x128xi32, #tpu.memory_space<vmem>>
    %dma_start3A_11 = tpu.memref_squeeze %dma_start3A_10 : memref<1x128xi32, #tpu.memory_space<vmem>> -> memref<128xi32, #tpu.memory_space<vmem>>
    %dma_start3A_12 = tpu.memref_slice %arg2[%add3A_4] : memref<16384xi32, #tpu.memory_space<hbm>> -> memref<128xi32, #tpu.memory_space<hbm>>
    tpu.enqueue_dma source(%dma_start3A_12 : memref<128xi32, #tpu.memory_space<hbm>>) target(%dma_start3A_11 : memref<128xi32, #tpu.memory_space<vmem>>) target_semaphore(%arg19 : memref<!tpu.dma_semaphore, #tpu.memory_space<semaphore_mem>>)
    %add3A_13 = arith.constant 4096 : i32
    %add3A_14 = arith.addi %add3A_13, %mul3A_2 : i32
    %dma_start3A_15 = arith.constant 1 : i32
    %dma_start3A_16 = arith.constant 0 : i32
    %dma_start3A_17 = tpu.memref_slice %arg14[%dma_start3A_15, %dma_start3A_16] : memref<4x128xi32, #tpu.memory_space<vmem>> -> memref<1x128xi32, #tpu.memory_space<vmem>>
    %dma_start3A_18 = tpu.memref_squeeze %dma_start3A_17 : memref<1x128xi32, #tpu.memory_space<vmem>> -> memref<128xi32, #tpu.memory_space<vmem>>
    %dma_start3A_19 = tpu.memref_slice %arg3[%add3A_14] : memref<16384xi32, #tpu.memory_space<hbm>> -> memref<128xi32, #tpu.memory_space<hbm>>
    %dma_start3A_20 = arith.constant 0 : i32
    %dma_start3A_21 = tpu.memref_slice %arg14[%dma_start3A_15, %dma_start3A_20] : memref<4x128xi32, #tpu.memory_space<vmem>> -> memref<1x128xi32, #tpu.memory_space<vmem>>
    %dma_start3A_22 = tpu.memref_squeeze %dma_start3A_21 : memref<1x128xi32, #tpu.memory_space<vmem>> -> memref<128xi32, #tpu.memory_space<vmem>>
    %dma_start3A_23 = tpu.memref_slice %arg3[%add3A_14] : memref<16384xi32, #tpu.memory_space<hbm>> -> memref<128xi32, #tpu.memory_space<hbm>>
    tpu.enqueue_dma source(%dma_start3A_23 : memref<128xi32, #tpu.memory_space<hbm>>) target(%dma_start3A_22 : memref<128xi32, #tpu.memory_space<vmem>>) target_semaphore(%arg20 : memref<!tpu.dma_semaphore, #tpu.memory_space<semaphore_mem>>)
    %add3A_24 = arith.constant 4096 : i32
    %add3A_25 = arith.addi %add3A_24, %mul3A_2 : i32
    %dma_start3A_26 = arith.constant 2 : i32
    %dma_start3A_27 = arith.constant 0 : i32
    %dma_start3A_28 = tpu.memref_slice %arg14[%dma_start3A_26, %dma_start3A_27] : memref<4x128xi32, #tpu.memory_space<vmem>> -> memref<1x128xi32, #tpu.memory_space<vmem>>
    %dma_start3A_29 = tpu.memref_squeeze %dma_start3A_28 : memref<1x128xi32, #tpu.memory_space<vmem>> -> memref<128xi32, #tpu.memory_space<vmem>>
    %dma_start3A_30 = tpu.memref_slice %arg4[%add3A_25] : memref<16384xi32, #tpu.memory_space<hbm>> -> memref<128xi32, #tpu.memory_space<hbm>>
    %dma_start3A_31 = arith.constant 0 : i32
    %dma_start3A_32 = tpu.memref_slice %arg14[%dma_start3A_26, %dma_start3A_31] : memref<4x128xi32, #tpu.memory_space<vmem>> -> memref<1x128xi32, #tpu.memory_space<vmem>>
    %dma_start3A_33 = tpu.memref_squeeze %dma_start3A_32 : memref<1x128xi32, #tpu.memory_space<vmem>> -> memref<128xi32, #tpu.memory_space<vmem>>
    %dma_start3A_34 = tpu.memref_slice %arg4[%add3A_25] : memref<16384xi32, #tpu.memory_space<hbm>> -> memref<128xi32, #tpu.memory_space<hbm>>
    tpu.enqueue_dma source(%dma_start3A_34 : memref<128xi32, #tpu.memory_space<hbm>>) target(%dma_start3A_33 : memref<128xi32, #tpu.memory_space<vmem>>) target_semaphore(%arg21 : memref<!tpu.dma_semaphore, #tpu.memory_space<semaphore_mem>>)
    %add3A_35 = arith.constant 4096 : i32
    %add3A_36 = arith.addi %add3A_35, %mul3A_2 : i32
    %dma_start3A_37 = arith.constant 3 : i32
    %dma_start3A_38 = arith.constant 0 : i32
    %dma_start3A_39 = tpu.memref_slice %arg14[%dma_start3A_37, %dma_start3A_38] : memref<4x128xi32, #tpu.memory_space<vmem>> -> memref<1x128xi32, #tpu.memory_space<vmem>>
    %dma_start3A_40 = tpu.memref_squeeze %dma_start3A_39 : memref<1x128xi32, #tpu.memory_space<vmem>> -> memref<128xi32, #tpu.memory_space<vmem>>
    %dma_start3A_41 = tpu.memref_slice %arg5[%add3A_36] : memref<16384xi32, #tpu.memory_space<hbm>> -> memref<128xi32, #tpu.memory_space<hbm>>
    %dma_start3A_42 = arith.constant 0 : i32
    %dma_start3A_43 = tpu.memref_slice %arg14[%dma_start3A_37, %dma_start3A_42] : memref<4x128xi32, #tpu.memory_space<vmem>> -> memref<1x128xi32, #tpu.memory_space<vmem>>
    %dma_start3A_44 = tpu.memref_squeeze %dma_start3A_43 : memref<1x128xi32, #tpu.memory_space<vmem>> -> memref<128xi32, #tpu.memory_space<vmem>>
    %dma_start3A_45 = tpu.memref_slice %arg5[%add3A_36] : memref<16384xi32, #tpu.memory_space<hbm>> -> memref<128xi32, #tpu.memory_space<hbm>>
    tpu.enqueue_dma source(%dma_start3A_45 : memref<128xi32, #tpu.memory_space<hbm>>) target(%dma_start3A_44 : memref<128xi32, #tpu.memory_space<vmem>>) target_semaphore(%arg22 : memref<!tpu.dma_semaphore, #tpu.memory_space<semaphore_mem>>)
    %dma_wait3A = arith.constant 0 : i32
    %dma_wait3A_46 = arith.constant 0 : i32
    %dma_wait3A_47 = tpu.memref_slice %arg14[%dma_wait3A, %dma_wait3A_46] : memref<4x128xi32, #tpu.memory_space<vmem>> -> memref<1x128xi32, #tpu.memory_space<vmem>>
    %dma_wait3A_48 = tpu.memref_squeeze %dma_wait3A_47 : memref<1x128xi32, #tpu.memory_space<vmem>> -> memref<128xi32, #tpu.memory_space<vmem>>
    %dma_wait3A_49 = tpu.memref_slice %arg2[%add3A_4] : memref<16384xi32, #tpu.memory_space<hbm>> -> memref<128xi32, #tpu.memory_space<hbm>>
    %dma_wait3A_50 = arith.constant 0 : i32
    %dma_wait3A_51 = tpu.memref_slice %arg14[%dma_wait3A, %dma_wait3A_50] : memref<4x128xi32, #tpu.memory_space<vmem>> -> memref<1x128xi32, #tpu.memory_space<vmem>>
    %dma_wait3A_52 = tpu.memref_squeeze %dma_wait3A_51 : memref<1x128xi32, #tpu.memory_space<vmem>> -> memref<128xi32, #tpu.memory_space<vmem>>
    %dma_wait3A_53 = tpu.memref_slice %arg2[%add3A_4] : memref<16384xi32, #tpu.memory_space<hbm>> -> memref<128xi32, #tpu.memory_space<hbm>>
    tpu.wait_dma2 semaphore(%arg19 : memref<!tpu.dma_semaphore, #tpu.memory_space<semaphore_mem>>) src(%dma_wait3A_53 : memref<128xi32, #tpu.memory_space<hbm>>) dst(%dma_wait3A_52 : memref<128xi32, #tpu.memory_space<vmem>>)
    %dma_start3A_54 = arith.constant 0 : i32
    %dma_start3A_55 = arith.constant 0 : i32
    %dma_start3A_56 = tpu.memref_slice %arg14[%dma_start3A_54, %dma_start3A_55] : memref<4x128xi32, #tpu.memory_space<vmem>> -> memref<1x128xi32, #tpu.memory_space<vmem>>
    %dma_start3A_57 = tpu.memref_squeeze %dma_start3A_56 : memref<1x128xi32, #tpu.memory_space<vmem>> -> memref<128xi32, #tpu.memory_space<vmem>>
    %dma_start3A_58 = arith.constant 0 : i32
    %dma_start3A_59 = arith.constant 0 : i32
    %dma_start3A_60 = tpu.memref_slice %arg6[%dma_start3A_58, %dma_start3A_59] : memref<1000000x128xf32, #tpu.memory_space<hbm>> -> memref<1000000x128xf32, #tpu.memory_space<hbm>>
    tpu.enqueue_indirect_dma source(%dma_start3A_60 : memref<1000000x128xf32, #tpu.memory_space<hbm>>) target(%arg15 : memref<128x128xf32, #tpu.memory_space<vmem>>) offsets(%dma_start3A_57 : memref<128xi32, #tpu.memory_space<vmem>>) semaphore(%arg23 : memref<!tpu.dma_semaphore, #tpu.memory_space<semaphore_mem>>)
    %dma_wait3A_61 = arith.constant 1 : i32
    %dma_wait3A_62 = arith.constant 0 : i32
    %dma_wait3A_63 = tpu.memref_slice %arg14[%dma_wait3A_61, %dma_wait3A_62] : memref<4x128xi32, #tpu.memory_space<vmem>> -> memref<1x128xi32, #tpu.memory_space<vmem>>
    %dma_wait3A_64 = tpu.memref_squeeze %dma_wait3A_63 : memref<1x128xi32, #tpu.memory_space<vmem>> -> memref<128xi32, #tpu.memory_space<vmem>>
    %dma_wait3A_65 = tpu.memref_slice %arg3[%add3A_14] : memref<16384xi32, #tpu.memory_space<hbm>> -> memref<128xi32, #tpu.memory_space<hbm>>
    %dma_wait3A_66 = arith.constant 0 : i32
    %dma_wait3A_67 = tpu.memref_slice %arg14[%dma_wait3A_61, %dma_wait3A_66] : memref<4x128xi32, #tpu.memory_space<vmem>> -> memref<1x128xi32, #tpu.memory_space<vmem>>
    %dma_wait3A_68 = tpu.memref_squeeze %dma_wait3A_67 : memref<1x128xi32, #tpu.memory_space<vmem>> -> memref<128xi32, #tpu.memory_space<vmem>>
    %dma_wait3A_69 = tpu.memref_slice %arg3[%add3A_14] : memref<16384xi32, #tpu.memory_space<hbm>> -> memref<128xi32, #tpu.memory_space<hbm>>
    tpu.wait_dma2 semaphore(%arg20 : memref<!tpu.dma_semaphore, #tpu.memory_space<semaphore_mem>>) src(%dma_wait3A_69 : memref<128xi32, #tpu.memory_space<hbm>>) dst(%dma_wait3A_68 : memref<128xi32, #tpu.memory_space<vmem>>)
    %dma_start3A_70 = arith.constant 1 : i32
    %dma_start3A_71 = arith.constant 0 : i32
    %dma_start3A_72 = tpu.memref_slice %arg14[%dma_start3A_70, %dma_start3A_71] : memref<4x128xi32, #tpu.memory_space<vmem>> -> memref<1x128xi32, #tpu.memory_space<vmem>>
    %dma_start3A_73 = tpu.memref_squeeze %dma_start3A_72 : memref<1x128xi32, #tpu.memory_space<vmem>> -> memref<128xi32, #tpu.memory_space<vmem>>
    %dma_start3A_74 = arith.constant 0 : i32
    %dma_start3A_75 = arith.constant 0 : i32
    %dma_start3A_76 = tpu.memref_slice %arg7[%dma_start3A_74, %dma_start3A_75] : memref<100000x128xf32, #tpu.memory_space<hbm>> -> memref<100000x128xf32, #tpu.memory_space<hbm>>
    tpu.enqueue_indirect_dma source(%dma_start3A_76 : memref<100000x128xf32, #tpu.memory_space<hbm>>) target(%arg16 : memref<128x128xf32, #tpu.memory_space<vmem>>) offsets(%dma_start3A_73 : memref<128xi32, #tpu.memory_space<vmem>>) semaphore(%arg24 : memref<!tpu.dma_semaphore, #tpu.memory_space<semaphore_mem>>)
    %dma_wait3A_77 = arith.constant 2 : i32
    %dma_wait3A_78 = arith.constant 0 : i32
    %dma_wait3A_79 = tpu.memref_slice %arg14[%dma_wait3A_77, %dma_wait3A_78] : memref<4x128xi32, #tpu.memory_space<vmem>> -> memref<1x128xi32, #tpu.memory_space<vmem>>
    %dma_wait3A_80 = tpu.memref_squeeze %dma_wait3A_79 : memref<1x128xi32, #tpu.memory_space<vmem>> -> memref<128xi32, #tpu.memory_space<vmem>>
    %dma_wait3A_81 = tpu.memref_slice %arg4[%add3A_25] : memref<16384xi32, #tpu.memory_space<hbm>> -> memref<128xi32, #tpu.memory_space<hbm>>
    %dma_wait3A_82 = arith.constant 0 : i32
    %dma_wait3A_83 = tpu.memref_slice %arg14[%dma_wait3A_77, %dma_wait3A_82] : memref<4x128xi32, #tpu.memory_space<vmem>> -> memref<1x128xi32, #tpu.memory_space<vmem>>
    %dma_wait3A_84 = tpu.memref_squeeze %dma_wait3A_83 : memref<1x128xi32, #tpu.memory_space<vmem>> -> memref<128xi32, #tpu.memory_space<vmem>>
    %dma_wait3A_85 = tpu.memref_slice %arg4[%add3A_25] : memref<16384xi32, #tpu.memory_space<hbm>> -> memref<128xi32, #tpu.memory_space<hbm>>
    tpu.wait_dma2 semaphore(%arg21 : memref<!tpu.dma_semaphore, #tpu.memory_space<semaphore_mem>>) src(%dma_wait3A_85 : memref<128xi32, #tpu.memory_space<hbm>>) dst(%dma_wait3A_84 : memref<128xi32, #tpu.memory_space<vmem>>)
    %dma_start3A_86 = arith.constant 2 : i32
    %dma_start3A_87 = arith.constant 0 : i32
    %dma_start3A_88 = tpu.memref_slice %arg14[%dma_start3A_86, %dma_start3A_87] : memref<4x128xi32, #tpu.memory_space<vmem>> -> memref<1x128xi32, #tpu.memory_space<vmem>>
    %dma_start3A_89 = tpu.memref_squeeze %dma_start3A_88 : memref<1x128xi32, #tpu.memory_space<vmem>> -> memref<128xi32, #tpu.memory_space<vmem>>
    %dma_start3A_90 = arith.constant 0 : i32
    %dma_start3A_91 = arith.constant 0 : i32
    %dma_start3A_92 = tpu.memref_slice %arg8[%dma_start3A_90, %dma_start3A_91] : memref<100000x128xf32, #tpu.memory_space<hbm>> -> memref<100000x128xf32, #tpu.memory_space<hbm>>
    tpu.enqueue_indirect_dma source(%dma_start3A_92 : memref<100000x128xf32, #tpu.memory_space<hbm>>) target(%arg17 : memref<128x128xf32, #tpu.memory_space<vmem>>) offsets(%dma_start3A_89 : memref<128xi32, #tpu.memory_space<vmem>>) semaphore(%arg25 : memref<!tpu.dma_semaphore, #tpu.memory_space<semaphore_mem>>)
    %dma_wait3A_93 = arith.constant 3 : i32
    %dma_wait3A_94 = arith.constant 0 : i32
    %dma_wait3A_95 = tpu.memref_slice %arg14[%dma_wait3A_93, %dma_wait3A_94] : memref<4x128xi32, #tpu.memory_space<vmem>> -> memref<1x128xi32, #tpu.memory_space<vmem>>
    %dma_wait3A_96 = tpu.memref_squeeze %dma_wait3A_95 : memref<1x128xi32, #tpu.memory_space<vmem>> -> memref<128xi32, #tpu.memory_space<vmem>>
    %dma_wait3A_97 = tpu.memref_slice %arg5[%add3A_36] : memref<16384xi32, #tpu.memory_space<hbm>> -> memref<128xi32, #tpu.memory_space<hbm>>
    %dma_wait3A_98 = arith.constant 0 : i32
    %dma_wait3A_99 = tpu.memref_slice %arg14[%dma_wait3A_93, %dma_wait3A_98] : memref<4x128xi32, #tpu.memory_space<vmem>> -> memref<1x128xi32, #tpu.memory_space<vmem>>
    %dma_wait3A_100 = tpu.memref_squeeze %dma_wait3A_99 : memref<1x128xi32, #tpu.memory_space<vmem>> -> memref<128xi32, #tpu.memory_space<vmem>>
    %dma_wait3A_101 = tpu.memref_slice %arg5[%add3A_36] : memref<16384xi32, #tpu.memory_space<hbm>> -> memref<128xi32, #tpu.memory_space<hbm>>
    tpu.wait_dma2 semaphore(%arg22 : memref<!tpu.dma_semaphore, #tpu.memory_space<semaphore_mem>>) src(%dma_wait3A_101 : memref<128xi32, #tpu.memory_space<hbm>>) dst(%dma_wait3A_100 : memref<128xi32, #tpu.memory_space<vmem>>)
    %dma_start3A_102 = arith.constant 3 : i32
    %dma_start3A_103 = arith.constant 0 : i32
    %dma_start3A_104 = tpu.memref_slice %arg14[%dma_start3A_102, %dma_start3A_103] : memref<4x128xi32, #tpu.memory_space<vmem>> -> memref<1x128xi32, #tpu.memory_space<vmem>>
    %dma_start3A_105 = tpu.memref_squeeze %dma_start3A_104 : memref<1x128xi32, #tpu.memory_space<vmem>> -> memref<128xi32, #tpu.memory_space<vmem>>
    %dma_start3A_106 = arith.constant 0 : i32
    %dma_start3A_107 = arith.constant 0 : i32
    %dma_start3A_108 = tpu.memref_slice %arg9[%dma_start3A_106, %dma_start3A_107] : memref<1000x128xf32, #tpu.memory_space<hbm>> -> memref<1000x128xf32, #tpu.memory_space<hbm>>
    tpu.enqueue_indirect_dma source(%dma_start3A_108 : memref<1000x128xf32, #tpu.memory_space<hbm>>) target(%arg18 : memref<128x128xf32, #tpu.memory_space<vmem>>) offsets(%dma_start3A_105 : memref<128xi32, #tpu.memory_space<vmem>>) semaphore(%arg26 : memref<!tpu.dma_semaphore, #tpu.memory_space<semaphore_mem>>)
    %dma_wait3A_109 = arith.constant 0 : i32
    %dma_wait3A_110 = arith.constant 0 : i32
    %dma_wait3A_111 = tpu.memref_slice %arg14[%dma_wait3A_109, %dma_wait3A_110] : memref<4x128xi32, #tpu.memory_space<vmem>> -> memref<1x128xi32, #tpu.memory_space<vmem>>
    %dma_wait3A_112 = tpu.memref_squeeze %dma_wait3A_111 : memref<1x128xi32, #tpu.memory_space<vmem>> -> memref<128xi32, #tpu.memory_space<vmem>>
    %dma_wait3A_113 = arith.constant 0 : i32
    %dma_wait3A_114 = arith.constant 0 : i32
    %dma_wait3A_115 = tpu.memref_slice %arg6[%dma_wait3A_113, %dma_wait3A_114] : memref<1000000x128xf32, #tpu.memory_space<hbm>> -> memref<1000000x128xf32, #tpu.memory_space<hbm>>
    tpu.wait_indirect_dma semaphore(%arg23 : memref<!tpu.dma_semaphore, #tpu.memory_space<semaphore_mem>>) src(%dma_wait3A_115 : memref<1000000x128xf32, #tpu.memory_space<hbm>>) dst(%arg15 : memref<128x128xf32, #tpu.memory_space<vmem>>)
    %add3A_116 = arith.constant 0 : i32
    %add3A_117 = arith.addi %mul3A_2, %add3A_116 : i32
    %dma_start3A_118 = arith.constant 0 : i32
    %dma_start3A_119 = tpu.memref_slice %arg10[%add3A_117, %dma_start3A_118] : memref<4096x128xf32, #tpu.memory_space<hbm>> -> memref<128x128xf32, #tpu.memory_space<hbm>>
    %dma_start3A_120 = arith.constant 0 : i32
    %dma_start3A_121 = tpu.memref_slice %arg10[%add3A_117, %dma_start3A_120] : memref<4096x128xf32, #tpu.memory_space<hbm>> -> memref<128x128xf32, #tpu.memory_space<hbm>>
    tpu.enqueue_dma source(%arg15 : memref<128x128xf32, #tpu.memory_space<vmem>>) target(%dma_start3A_121 : memref<128x128xf32, #tpu.memory_space<hbm>>) target_semaphore(%arg27 : memref<!tpu.dma_semaphore, #tpu.memory_space<semaphore_mem>>)
    %dma_wait3A_122 = arith.constant 1 : i32
    %dma_wait3A_123 = arith.constant 0 : i32
    %dma_wait3A_124 = tpu.memref_slice %arg14[%dma_wait3A_122, %dma_wait3A_123] : memref<4x128xi32, #tpu.memory_space<vmem>> -> memref<1x128xi32, #tpu.memory_space<vmem>>
    %dma_wait3A_125 = tpu.memref_squeeze %dma_wait3A_124 : memref<1x128xi32, #tpu.memory_space<vmem>> -> memref<128xi32, #tpu.memory_space<vmem>>
    %dma_wait3A_126 = arith.constant 0 : i32
    %dma_wait3A_127 = arith.constant 0 : i32
    %dma_wait3A_128 = tpu.memref_slice %arg7[%dma_wait3A_126, %dma_wait3A_127] : memref<100000x128xf32, #tpu.memory_space<hbm>> -> memref<100000x128xf32, #tpu.memory_space<hbm>>
    tpu.wait_indirect_dma semaphore(%arg24 : memref<!tpu.dma_semaphore, #tpu.memory_space<semaphore_mem>>) src(%dma_wait3A_128 : memref<100000x128xf32, #tpu.memory_space<hbm>>) dst(%arg16 : memref<128x128xf32, #tpu.memory_space<vmem>>)
    %add3A_129 = arith.constant 0 : i32
    %add3A_130 = arith.addi %mul3A_2, %add3A_129 : i32
    %dma_start3A_131 = arith.constant 0 : i32
    %dma_start3A_132 = tpu.memref_slice %arg11[%add3A_130, %dma_start3A_131] : memref<4096x128xf32, #tpu.memory_space<hbm>> -> memref<128x128xf32, #tpu.memory_space<hbm>>
    %dma_start3A_133 = arith.constant 0 : i32
    %dma_start3A_134 = tpu.memref_slice %arg11[%add3A_130, %dma_start3A_133] : memref<4096x128xf32, #tpu.memory_space<hbm>> -> memref<128x128xf32, #tpu.memory_space<hbm>>
    tpu.enqueue_dma source(%arg16 : memref<128x128xf32, #tpu.memory_space<vmem>>) target(%dma_start3A_134 : memref<128x128xf32, #tpu.memory_space<hbm>>) target_semaphore(%arg28 : memref<!tpu.dma_semaphore, #tpu.memory_space<semaphore_mem>>)
    %dma_wait3A_135 = arith.constant 2 : i32
    %dma_wait3A_136 = arith.constant 0 : i32
    %dma_wait3A_137 = tpu.memref_slice %arg14[%dma_wait3A_135, %dma_wait3A_136] : memref<4x128xi32, #tpu.memory_space<vmem>> -> memref<1x128xi32, #tpu.memory_space<vmem>>
    %dma_wait3A_138 = tpu.memref_squeeze %dma_wait3A_137 : memref<1x128xi32, #tpu.memory_space<vmem>> -> memref<128xi32, #tpu.memory_space<vmem>>
    %dma_wait3A_139 = arith.constant 0 : i32
    %dma_wait3A_140 = arith.constant 0 : i32
    %dma_wait3A_141 = tpu.memref_slice %arg8[%dma_wait3A_139, %dma_wait3A_140] : memref<100000x128xf32, #tpu.memory_space<hbm>> -> memref<100000x128xf32, #tpu.memory_space<hbm>>
    tpu.wait_indirect_dma semaphore(%arg25 : memref<!tpu.dma_semaphore, #tpu.memory_space<semaphore_mem>>) src(%dma_wait3A_141 : memref<100000x128xf32, #tpu.memory_space<hbm>>) dst(%arg17 : memref<128x128xf32, #tpu.memory_space<vmem>>)
    %add3A_142 = arith.constant 0 : i32
    %add3A_143 = arith.addi %mul3A_2, %add3A_142 : i32
    %dma_start3A_144 = arith.constant 0 : i32
    %dma_start3A_145 = tpu.memref_slice %arg12[%add3A_143, %dma_start3A_144] : memref<4096x128xf32, #tpu.memory_space<hbm>> -> memref<128x128xf32, #tpu.memory_space<hbm>>
    %dma_start3A_146 = arith.constant 0 : i32
    %dma_start3A_147 = tpu.memref_slice %arg12[%add3A_143, %dma_start3A_146] : memref<4096x128xf32, #tpu.memory_space<hbm>> -> memref<128x128xf32, #tpu.memory_space<hbm>>
    tpu.enqueue_dma source(%arg17 : memref<128x128xf32, #tpu.memory_space<vmem>>) target(%dma_start3A_147 : memref<128x128xf32, #tpu.memory_space<hbm>>) target_semaphore(%arg29 : memref<!tpu.dma_semaphore, #tpu.memory_space<semaphore_mem>>)
    %dma_wait3A_148 = arith.constant 3 : i32
    %dma_wait3A_149 = arith.constant 0 : i32
    %dma_wait3A_150 = tpu.memref_slice %arg14[%dma_wait3A_148, %dma_wait3A_149] : memref<4x128xi32, #tpu.memory_space<vmem>> -> memref<1x128xi32, #tpu.memory_space<vmem>>
    %dma_wait3A_151 = tpu.memref_squeeze %dma_wait3A_150 : memref<1x128xi32, #tpu.memory_space<vmem>> -> memref<128xi32, #tpu.memory_space<vmem>>
    %dma_wait3A_152 = arith.constant 0 : i32
    %dma_wait3A_153 = arith.constant 0 : i32
    %dma_wait3A_154 = tpu.memref_slice %arg9[%dma_wait3A_152, %dma_wait3A_153] : memref<1000x128xf32, #tpu.memory_space<hbm>> -> memref<1000x128xf32, #tpu.memory_space<hbm>>
    tpu.wait_indirect_dma semaphore(%arg26 : memref<!tpu.dma_semaphore, #tpu.memory_space<semaphore_mem>>) src(%dma_wait3A_154 : memref<1000x128xf32, #tpu.memory_space<hbm>>) dst(%arg18 : memref<128x128xf32, #tpu.memory_space<vmem>>)
    %add3A_155 = arith.constant 0 : i32
    %add3A_156 = arith.addi %mul3A_2, %add3A_155 : i32
    %dma_start3A_157 = arith.constant 0 : i32
    %dma_start3A_158 = tpu.memref_slice %arg13[%add3A_156, %dma_start3A_157] : memref<4096x128xf32, #tpu.memory_space<hbm>> -> memref<128x128xf32, #tpu.memory_space<hbm>>
    %dma_start3A_159 = arith.constant 0 : i32
    %dma_start3A_160 = tpu.memref_slice %arg13[%add3A_156, %dma_start3A_159] : memref<4096x128xf32, #tpu.memory_space<hbm>> -> memref<128x128xf32, #tpu.memory_space<hbm>>
    tpu.enqueue_dma source(%arg18 : memref<128x128xf32, #tpu.memory_space<vmem>>) target(%dma_start3A_160 : memref<128x128xf32, #tpu.memory_space<hbm>>) target_semaphore(%arg30 : memref<!tpu.dma_semaphore, #tpu.memory_space<semaphore_mem>>)
    %dma_wait3A_161 = arith.constant 0 : i32
    %dma_wait3A_162 = tpu.memref_slice %arg10[%add3A_117, %dma_wait3A_161] : memref<4096x128xf32, #tpu.memory_space<hbm>> -> memref<128x128xf32, #tpu.memory_space<hbm>>
    %dma_wait3A_163 = arith.constant 0 : i32
    %dma_wait3A_164 = tpu.memref_slice %arg10[%add3A_117, %dma_wait3A_163] : memref<4096x128xf32, #tpu.memory_space<hbm>> -> memref<128x128xf32, #tpu.memory_space<hbm>>
    tpu.wait_dma2 semaphore(%arg27 : memref<!tpu.dma_semaphore, #tpu.memory_space<semaphore_mem>>) src(%arg15 : memref<128x128xf32, #tpu.memory_space<vmem>>) dst(%dma_wait3A_164 : memref<128x128xf32, #tpu.memory_space<hbm>>)
    %dma_wait3A_165 = arith.constant 0 : i32
    %dma_wait3A_166 = tpu.memref_slice %arg11[%add3A_130, %dma_wait3A_165] : memref<4096x128xf32, #tpu.memory_space<hbm>> -> memref<128x128xf32, #tpu.memory_space<hbm>>
    %dma_wait3A_167 = arith.constant 0 : i32
    %dma_wait3A_168 = tpu.memref_slice %arg11[%add3A_130, %dma_wait3A_167] : memref<4096x128xf32, #tpu.memory_space<hbm>> -> memref<128x128xf32, #tpu.memory_space<hbm>>
    tpu.wait_dma2 semaphore(%arg28 : memref<!tpu.dma_semaphore, #tpu.memory_space<semaphore_mem>>) src(%arg16 : memref<128x128xf32, #tpu.memory_space<vmem>>) dst(%dma_wait3A_168 : memref<128x128xf32, #tpu.memory_space<hbm>>)
    %dma_wait3A_169 = arith.constant 0 : i32
    %dma_wait3A_170 = tpu.memref_slice %arg12[%add3A_143, %dma_wait3A_169] : memref<4096x128xf32, #tpu.memory_space<hbm>> -> memref<128x128xf32, #tpu.memory_space<hbm>>
    %dma_wait3A_171 = arith.constant 0 : i32
    %dma_wait3A_172 = tpu.memref_slice %arg12[%add3A_143, %dma_wait3A_171] : memref<4096x128xf32, #tpu.memory_space<hbm>> -> memref<128x128xf32, #tpu.memory_space<hbm>>
    tpu.wait_dma2 semaphore(%arg29 : memref<!tpu.dma_semaphore, #tpu.memory_space<semaphore_mem>>) src(%arg17 : memref<128x128xf32, #tpu.memory_space<vmem>>) dst(%dma_wait3A_172 : memref<128x128xf32, #tpu.memory_space<hbm>>)
    %dma_wait3A_173 = arith.constant 0 : i32
    %dma_wait3A_174 = tpu.memref_slice %arg13[%add3A_156, %dma_wait3A_173] : memref<4096x128xf32, #tpu.memory_space<hbm>> -> memref<128x128xf32, #tpu.memory_space<hbm>>
    %dma_wait3A_175 = arith.constant 0 : i32
    %dma_wait3A_176 = tpu.memref_slice %arg13[%add3A_156, %dma_wait3A_175] : memref<4096x128xf32, #tpu.memory_space<hbm>> -> memref<128x128xf32, #tpu.memory_space<hbm>>
    tpu.wait_dma2 semaphore(%arg30 : memref<!tpu.dma_semaphore, #tpu.memory_space<semaphore_mem>>) src(%arg18 : memref<128x128xf32, #tpu.memory_space<vmem>>) dst(%dma_wait3A_176 : memref<128x128xf32, #tpu.memory_space<hbm>>)
    return
  }
}

#map = affine_map<(d0, d1) -> (0)>
#map1 = affine_map<(d0, d1) -> (0, 0)>
module attributes {stable_mosaic.version = 14 : i64} {
  func.func @gather_kernel(%arg0: i32, %arg1: i32, %arg2: memref<16384xi32, #tpu.memory_space<hbm>>, %arg3: memref<16384xi32, #tpu.memory_space<hbm>>, %arg4: memref<16384xi32, #tpu.memory_space<hbm>>, %arg5: memref<16384xi32, #tpu.memory_space<hbm>>, %arg6: memref<1000000x128xf32, #tpu.memory_space<hbm>>, %arg7: memref<100000x128xf32, #tpu.memory_space<hbm>>, %arg8: memref<100000x128xf32, #tpu.memory_space<hbm>>, %arg9: memref<1000x128xf32, #tpu.memory_space<hbm>>, %arg10: memref<4096x128xf32, #tpu.memory_space<hbm>>, %arg11: memref<4096x128xf32, #tpu.memory_space<hbm>>, %arg12: memref<4096x128xf32, #tpu.memory_space<hbm>>, %arg13: memref<4096x128xf32, #tpu.memory_space<hbm>>, %arg14: memref<4x128xi32, #tpu.memory_space<vmem>>, %arg15: memref<128x128xf32, #tpu.memory_space<vmem>>, %arg16: memref<128x128xf32, #tpu.memory_space<vmem>>, %arg17: memref<128x128xf32, #tpu.memory_space<vmem>>, %arg18: memref<128x128xf32, #tpu.memory_space<vmem>>, %arg19: memref<!tpu.dma_semaphore, #tpu.memory_space<semaphore_mem>>, %arg20: memref<!tpu.dma_semaphore, #tpu.memory_space<semaphore_mem>>, %arg21: memref<!tpu.dma_semaphore, #tpu.memory_space<semaphore_mem>>, %arg22: memref<!tpu.dma_semaphore, #tpu.memory_space<semaphore_mem>>, %arg23: memref<!tpu.dma_semaphore, #tpu.memory_space<semaphore_mem>>, %arg24: memref<!tpu.dma_semaphore, #tpu.memory_space<semaphore_mem>>, %arg25: memref<!tpu.dma_semaphore, #tpu.memory_space<semaphore_mem>>, %arg26: memref<!tpu.dma_semaphore, #tpu.memory_space<semaphore_mem>>, %arg27: memref<!tpu.dma_semaphore, #tpu.memory_space<semaphore_mem>>, %arg28: memref<!tpu.dma_semaphore, #tpu.memory_space<semaphore_mem>>, %arg29: memref<!tpu.dma_semaphore, #tpu.memory_space<semaphore_mem>>, %arg30: memref<!tpu.dma_semaphore, #tpu.memory_space<semaphore_mem>>) attributes {dimension_semantics = [#tpu.dimension_semantics<core_parallel>, #tpu.dimension_semantics<subcore_parallel>], iteration_bounds = array<i64: 2, 16>, scalar_prefetch = 0 : i64, scratch_operands = 17 : i64, tpu.core_type = #tpu.core_type<sc_vector_subcore>, window_params = [{transform_indices = #map}, {transform_indices = #map}, {transform_indices = #map}, {transform_indices = #map}, {transform_indices = #map1}, {transform_indices = #map1}, {transform_indices = #map1}, {transform_indices = #map1}, {transform_indices = #map1}, {transform_indices = #map1}, {transform_indices = #map1}, {transform_indices = #map1}]} {
    %mul3A = arith.constant 2 : i32
    %mul3A_0 = arith.muli %arg1, %mul3A : i32
    %add3A = arith.addi %mul3A_0, %arg0 : i32
    %mul3A_1 = arith.constant 128 : i32
    %mul3A_2 = arith.muli %add3A, %mul3A_1 : i32
    %add3A_3 = arith.constant 12288 : i32
    %add3A_4 = arith.addi %add3A_3, %mul3A_2 : i32
    %dma_start3A = arith.constant 0 : i32
    %dma_start3A_5 = arith.constant 0 : i32
    %dma_start3A_6 = tpu.memref_slice %arg14[%dma_start3A, %dma_start3A_5] : memref<4x128xi32, #tpu.memory_space<vmem>> -> memref<1x128xi32, #tpu.memory_space<vmem>>
    %dma_start3A_7 = tpu.memref_squeeze %dma_start3A_6 : memref<1x128xi32, #tpu.memory_space<vmem>> -> memref<128xi32, #tpu.memory_space<vmem>>
    %dma_start3A_8 = tpu.memref_slice %arg2[%add3A_4] : memref<16384xi32, #tpu.memory_space<hbm>> -> memref<128xi32, #tpu.memory_space<hbm>>
    %dma_start3A_9 = arith.constant 0 : i32
    %dma_start3A_10 = tpu.memref_slice %arg14[%dma_start3A, %dma_start3A_9] : memref<4x128xi32, #tpu.memory_space<vmem>> -> memref<1x128xi32, #tpu.memory_space<vmem>>
    %dma_start3A_11 = tpu.memref_squeeze %dma_start3A_10 : memref<1x128xi32, #tpu.memory_space<vmem>> -> memref<128xi32, #tpu.memory_space<vmem>>
    %dma_start3A_12 = tpu.memref_slice %arg2[%add3A_4] : memref<16384xi32, #tpu.memory_space<hbm>> -> memref<128xi32, #tpu.memory_space<hbm>>
    tpu.enqueue_dma source(%dma_start3A_12 : memref<128xi32, #tpu.memory_space<hbm>>) target(%dma_start3A_11 : memref<128xi32, #tpu.memory_space<vmem>>) target_semaphore(%arg19 : memref<!tpu.dma_semaphore, #tpu.memory_space<semaphore_mem>>)
    %add3A_13 = arith.constant 12288 : i32
    %add3A_14 = arith.addi %add3A_13, %mul3A_2 : i32
    %dma_start3A_15 = arith.constant 1 : i32
    %dma_start3A_16 = arith.constant 0 : i32
    %dma_start3A_17 = tpu.memref_slice %arg14[%dma_start3A_15, %dma_start3A_16] : memref<4x128xi32, #tpu.memory_space<vmem>> -> memref<1x128xi32, #tpu.memory_space<vmem>>
    %dma_start3A_18 = tpu.memref_squeeze %dma_start3A_17 : memref<1x128xi32, #tpu.memory_space<vmem>> -> memref<128xi32, #tpu.memory_space<vmem>>
    %dma_start3A_19 = tpu.memref_slice %arg3[%add3A_14] : memref<16384xi32, #tpu.memory_space<hbm>> -> memref<128xi32, #tpu.memory_space<hbm>>
    %dma_start3A_20 = arith.constant 0 : i32
    %dma_start3A_21 = tpu.memref_slice %arg14[%dma_start3A_15, %dma_start3A_20] : memref<4x128xi32, #tpu.memory_space<vmem>> -> memref<1x128xi32, #tpu.memory_space<vmem>>
    %dma_start3A_22 = tpu.memref_squeeze %dma_start3A_21 : memref<1x128xi32, #tpu.memory_space<vmem>> -> memref<128xi32, #tpu.memory_space<vmem>>
    %dma_start3A_23 = tpu.memref_slice %arg3[%add3A_14] : memref<16384xi32, #tpu.memory_space<hbm>> -> memref<128xi32, #tpu.memory_space<hbm>>
    tpu.enqueue_dma source(%dma_start3A_23 : memref<128xi32, #tpu.memory_space<hbm>>) target(%dma_start3A_22 : memref<128xi32, #tpu.memory_space<vmem>>) target_semaphore(%arg20 : memref<!tpu.dma_semaphore, #tpu.memory_space<semaphore_mem>>)
    %add3A_24 = arith.constant 12288 : i32
    %add3A_25 = arith.addi %add3A_24, %mul3A_2 : i32
    %dma_start3A_26 = arith.constant 2 : i32
    %dma_start3A_27 = arith.constant 0 : i32
    %dma_start3A_28 = tpu.memref_slice %arg14[%dma_start3A_26, %dma_start3A_27] : memref<4x128xi32, #tpu.memory_space<vmem>> -> memref<1x128xi32, #tpu.memory_space<vmem>>
    %dma_start3A_29 = tpu.memref_squeeze %dma_start3A_28 : memref<1x128xi32, #tpu.memory_space<vmem>> -> memref<128xi32, #tpu.memory_space<vmem>>
    %dma_start3A_30 = tpu.memref_slice %arg4[%add3A_25] : memref<16384xi32, #tpu.memory_space<hbm>> -> memref<128xi32, #tpu.memory_space<hbm>>
    %dma_start3A_31 = arith.constant 0 : i32
    %dma_start3A_32 = tpu.memref_slice %arg14[%dma_start3A_26, %dma_start3A_31] : memref<4x128xi32, #tpu.memory_space<vmem>> -> memref<1x128xi32, #tpu.memory_space<vmem>>
    %dma_start3A_33 = tpu.memref_squeeze %dma_start3A_32 : memref<1x128xi32, #tpu.memory_space<vmem>> -> memref<128xi32, #tpu.memory_space<vmem>>
    %dma_start3A_34 = tpu.memref_slice %arg4[%add3A_25] : memref<16384xi32, #tpu.memory_space<hbm>> -> memref<128xi32, #tpu.memory_space<hbm>>
    tpu.enqueue_dma source(%dma_start3A_34 : memref<128xi32, #tpu.memory_space<hbm>>) target(%dma_start3A_33 : memref<128xi32, #tpu.memory_space<vmem>>) target_semaphore(%arg21 : memref<!tpu.dma_semaphore, #tpu.memory_space<semaphore_mem>>)
    %add3A_35 = arith.constant 12288 : i32
    %add3A_36 = arith.addi %add3A_35, %mul3A_2 : i32
    %dma_start3A_37 = arith.constant 3 : i32
    %dma_start3A_38 = arith.constant 0 : i32
    %dma_start3A_39 = tpu.memref_slice %arg14[%dma_start3A_37, %dma_start3A_38] : memref<4x128xi32, #tpu.memory_space<vmem>> -> memref<1x128xi32, #tpu.memory_space<vmem>>
    %dma_start3A_40 = tpu.memref_squeeze %dma_start3A_39 : memref<1x128xi32, #tpu.memory_space<vmem>> -> memref<128xi32, #tpu.memory_space<vmem>>
    %dma_start3A_41 = tpu.memref_slice %arg5[%add3A_36] : memref<16384xi32, #tpu.memory_space<hbm>> -> memref<128xi32, #tpu.memory_space<hbm>>
    %dma_start3A_42 = arith.constant 0 : i32
    %dma_start3A_43 = tpu.memref_slice %arg14[%dma_start3A_37, %dma_start3A_42] : memref<4x128xi32, #tpu.memory_space<vmem>> -> memref<1x128xi32, #tpu.memory_space<vmem>>
    %dma_start3A_44 = tpu.memref_squeeze %dma_start3A_43 : memref<1x128xi32, #tpu.memory_space<vmem>> -> memref<128xi32, #tpu.memory_space<vmem>>
    %dma_start3A_45 = tpu.memref_slice %arg5[%add3A_36] : memref<16384xi32, #tpu.memory_space<hbm>> -> memref<128xi32, #tpu.memory_space<hbm>>
    tpu.enqueue_dma source(%dma_start3A_45 : memref<128xi32, #tpu.memory_space<hbm>>) target(%dma_start3A_44 : memref<128xi32, #tpu.memory_space<vmem>>) target_semaphore(%arg22 : memref<!tpu.dma_semaphore, #tpu.memory_space<semaphore_mem>>)
    %dma_wait3A = arith.constant 0 : i32
    %dma_wait3A_46 = arith.constant 0 : i32
    %dma_wait3A_47 = tpu.memref_slice %arg14[%dma_wait3A, %dma_wait3A_46] : memref<4x128xi32, #tpu.memory_space<vmem>> -> memref<1x128xi32, #tpu.memory_space<vmem>>
    %dma_wait3A_48 = tpu.memref_squeeze %dma_wait3A_47 : memref<1x128xi32, #tpu.memory_space<vmem>> -> memref<128xi32, #tpu.memory_space<vmem>>
    %dma_wait3A_49 = tpu.memref_slice %arg2[%add3A_4] : memref<16384xi32, #tpu.memory_space<hbm>> -> memref<128xi32, #tpu.memory_space<hbm>>
    %dma_wait3A_50 = arith.constant 0 : i32
    %dma_wait3A_51 = tpu.memref_slice %arg14[%dma_wait3A, %dma_wait3A_50] : memref<4x128xi32, #tpu.memory_space<vmem>> -> memref<1x128xi32, #tpu.memory_space<vmem>>
    %dma_wait3A_52 = tpu.memref_squeeze %dma_wait3A_51 : memref<1x128xi32, #tpu.memory_space<vmem>> -> memref<128xi32, #tpu.memory_space<vmem>>
    %dma_wait3A_53 = tpu.memref_slice %arg2[%add3A_4] : memref<16384xi32, #tpu.memory_space<hbm>> -> memref<128xi32, #tpu.memory_space<hbm>>
    tpu.wait_dma2 semaphore(%arg19 : memref<!tpu.dma_semaphore, #tpu.memory_space<semaphore_mem>>) src(%dma_wait3A_53 : memref<128xi32, #tpu.memory_space<hbm>>) dst(%dma_wait3A_52 : memref<128xi32, #tpu.memory_space<vmem>>)
    %dma_start3A_54 = arith.constant 0 : i32
    %dma_start3A_55 = arith.constant 0 : i32
    %dma_start3A_56 = tpu.memref_slice %arg14[%dma_start3A_54, %dma_start3A_55] : memref<4x128xi32, #tpu.memory_space<vmem>> -> memref<1x128xi32, #tpu.memory_space<vmem>>
    %dma_start3A_57 = tpu.memref_squeeze %dma_start3A_56 : memref<1x128xi32, #tpu.memory_space<vmem>> -> memref<128xi32, #tpu.memory_space<vmem>>
    %dma_start3A_58 = arith.constant 0 : i32
    %dma_start3A_59 = arith.constant 0 : i32
    %dma_start3A_60 = tpu.memref_slice %arg6[%dma_start3A_58, %dma_start3A_59] : memref<1000000x128xf32, #tpu.memory_space<hbm>> -> memref<1000000x128xf32, #tpu.memory_space<hbm>>
    tpu.enqueue_indirect_dma source(%dma_start3A_60 : memref<1000000x128xf32, #tpu.memory_space<hbm>>) target(%arg15 : memref<128x128xf32, #tpu.memory_space<vmem>>) offsets(%dma_start3A_57 : memref<128xi32, #tpu.memory_space<vmem>>) semaphore(%arg23 : memref<!tpu.dma_semaphore, #tpu.memory_space<semaphore_mem>>)
    %dma_wait3A_61 = arith.constant 1 : i32
    %dma_wait3A_62 = arith.constant 0 : i32
    %dma_wait3A_63 = tpu.memref_slice %arg14[%dma_wait3A_61, %dma_wait3A_62] : memref<4x128xi32, #tpu.memory_space<vmem>> -> memref<1x128xi32, #tpu.memory_space<vmem>>
    %dma_wait3A_64 = tpu.memref_squeeze %dma_wait3A_63 : memref<1x128xi32, #tpu.memory_space<vmem>> -> memref<128xi32, #tpu.memory_space<vmem>>
    %dma_wait3A_65 = tpu.memref_slice %arg3[%add3A_14] : memref<16384xi32, #tpu.memory_space<hbm>> -> memref<128xi32, #tpu.memory_space<hbm>>
    %dma_wait3A_66 = arith.constant 0 : i32
    %dma_wait3A_67 = tpu.memref_slice %arg14[%dma_wait3A_61, %dma_wait3A_66] : memref<4x128xi32, #tpu.memory_space<vmem>> -> memref<1x128xi32, #tpu.memory_space<vmem>>
    %dma_wait3A_68 = tpu.memref_squeeze %dma_wait3A_67 : memref<1x128xi32, #tpu.memory_space<vmem>> -> memref<128xi32, #tpu.memory_space<vmem>>
    %dma_wait3A_69 = tpu.memref_slice %arg3[%add3A_14] : memref<16384xi32, #tpu.memory_space<hbm>> -> memref<128xi32, #tpu.memory_space<hbm>>
    tpu.wait_dma2 semaphore(%arg20 : memref<!tpu.dma_semaphore, #tpu.memory_space<semaphore_mem>>) src(%dma_wait3A_69 : memref<128xi32, #tpu.memory_space<hbm>>) dst(%dma_wait3A_68 : memref<128xi32, #tpu.memory_space<vmem>>)
    %dma_start3A_70 = arith.constant 1 : i32
    %dma_start3A_71 = arith.constant 0 : i32
    %dma_start3A_72 = tpu.memref_slice %arg14[%dma_start3A_70, %dma_start3A_71] : memref<4x128xi32, #tpu.memory_space<vmem>> -> memref<1x128xi32, #tpu.memory_space<vmem>>
    %dma_start3A_73 = tpu.memref_squeeze %dma_start3A_72 : memref<1x128xi32, #tpu.memory_space<vmem>> -> memref<128xi32, #tpu.memory_space<vmem>>
    %dma_start3A_74 = arith.constant 0 : i32
    %dma_start3A_75 = arith.constant 0 : i32
    %dma_start3A_76 = tpu.memref_slice %arg7[%dma_start3A_74, %dma_start3A_75] : memref<100000x128xf32, #tpu.memory_space<hbm>> -> memref<100000x128xf32, #tpu.memory_space<hbm>>
    tpu.enqueue_indirect_dma source(%dma_start3A_76 : memref<100000x128xf32, #tpu.memory_space<hbm>>) target(%arg16 : memref<128x128xf32, #tpu.memory_space<vmem>>) offsets(%dma_start3A_73 : memref<128xi32, #tpu.memory_space<vmem>>) semaphore(%arg24 : memref<!tpu.dma_semaphore, #tpu.memory_space<semaphore_mem>>)
    %dma_wait3A_77 = arith.constant 2 : i32
    %dma_wait3A_78 = arith.constant 0 : i32
    %dma_wait3A_79 = tpu.memref_slice %arg14[%dma_wait3A_77, %dma_wait3A_78] : memref<4x128xi32, #tpu.memory_space<vmem>> -> memref<1x128xi32, #tpu.memory_space<vmem>>
    %dma_wait3A_80 = tpu.memref_squeeze %dma_wait3A_79 : memref<1x128xi32, #tpu.memory_space<vmem>> -> memref<128xi32, #tpu.memory_space<vmem>>
    %dma_wait3A_81 = tpu.memref_slice %arg4[%add3A_25] : memref<16384xi32, #tpu.memory_space<hbm>> -> memref<128xi32, #tpu.memory_space<hbm>>
    %dma_wait3A_82 = arith.constant 0 : i32
    %dma_wait3A_83 = tpu.memref_slice %arg14[%dma_wait3A_77, %dma_wait3A_82] : memref<4x128xi32, #tpu.memory_space<vmem>> -> memref<1x128xi32, #tpu.memory_space<vmem>>
    %dma_wait3A_84 = tpu.memref_squeeze %dma_wait3A_83 : memref<1x128xi32, #tpu.memory_space<vmem>> -> memref<128xi32, #tpu.memory_space<vmem>>
    %dma_wait3A_85 = tpu.memref_slice %arg4[%add3A_25] : memref<16384xi32, #tpu.memory_space<hbm>> -> memref<128xi32, #tpu.memory_space<hbm>>
    tpu.wait_dma2 semaphore(%arg21 : memref<!tpu.dma_semaphore, #tpu.memory_space<semaphore_mem>>) src(%dma_wait3A_85 : memref<128xi32, #tpu.memory_space<hbm>>) dst(%dma_wait3A_84 : memref<128xi32, #tpu.memory_space<vmem>>)
    %dma_start3A_86 = arith.constant 2 : i32
    %dma_start3A_87 = arith.constant 0 : i32
    %dma_start3A_88 = tpu.memref_slice %arg14[%dma_start3A_86, %dma_start3A_87] : memref<4x128xi32, #tpu.memory_space<vmem>> -> memref<1x128xi32, #tpu.memory_space<vmem>>
    %dma_start3A_89 = tpu.memref_squeeze %dma_start3A_88 : memref<1x128xi32, #tpu.memory_space<vmem>> -> memref<128xi32, #tpu.memory_space<vmem>>
    %dma_start3A_90 = arith.constant 0 : i32
    %dma_start3A_91 = arith.constant 0 : i32
    %dma_start3A_92 = tpu.memref_slice %arg8[%dma_start3A_90, %dma_start3A_91] : memref<100000x128xf32, #tpu.memory_space<hbm>> -> memref<100000x128xf32, #tpu.memory_space<hbm>>
    tpu.enqueue_indirect_dma source(%dma_start3A_92 : memref<100000x128xf32, #tpu.memory_space<hbm>>) target(%arg17 : memref<128x128xf32, #tpu.memory_space<vmem>>) offsets(%dma_start3A_89 : memref<128xi32, #tpu.memory_space<vmem>>) semaphore(%arg25 : memref<!tpu.dma_semaphore, #tpu.memory_space<semaphore_mem>>)
    %dma_wait3A_93 = arith.constant 3 : i32
    %dma_wait3A_94 = arith.constant 0 : i32
    %dma_wait3A_95 = tpu.memref_slice %arg14[%dma_wait3A_93, %dma_wait3A_94] : memref<4x128xi32, #tpu.memory_space<vmem>> -> memref<1x128xi32, #tpu.memory_space<vmem>>
    %dma_wait3A_96 = tpu.memref_squeeze %dma_wait3A_95 : memref<1x128xi32, #tpu.memory_space<vmem>> -> memref<128xi32, #tpu.memory_space<vmem>>
    %dma_wait3A_97 = tpu.memref_slice %arg5[%add3A_36] : memref<16384xi32, #tpu.memory_space<hbm>> -> memref<128xi32, #tpu.memory_space<hbm>>
    %dma_wait3A_98 = arith.constant 0 : i32
    %dma_wait3A_99 = tpu.memref_slice %arg14[%dma_wait3A_93, %dma_wait3A_98] : memref<4x128xi32, #tpu.memory_space<vmem>> -> memref<1x128xi32, #tpu.memory_space<vmem>>
    %dma_wait3A_100 = tpu.memref_squeeze %dma_wait3A_99 : memref<1x128xi32, #tpu.memory_space<vmem>> -> memref<128xi32, #tpu.memory_space<vmem>>
    %dma_wait3A_101 = tpu.memref_slice %arg5[%add3A_36] : memref<16384xi32, #tpu.memory_space<hbm>> -> memref<128xi32, #tpu.memory_space<hbm>>
    tpu.wait_dma2 semaphore(%arg22 : memref<!tpu.dma_semaphore, #tpu.memory_space<semaphore_mem>>) src(%dma_wait3A_101 : memref<128xi32, #tpu.memory_space<hbm>>) dst(%dma_wait3A_100 : memref<128xi32, #tpu.memory_space<vmem>>)
    %dma_start3A_102 = arith.constant 3 : i32
    %dma_start3A_103 = arith.constant 0 : i32
    %dma_start3A_104 = tpu.memref_slice %arg14[%dma_start3A_102, %dma_start3A_103] : memref<4x128xi32, #tpu.memory_space<vmem>> -> memref<1x128xi32, #tpu.memory_space<vmem>>
    %dma_start3A_105 = tpu.memref_squeeze %dma_start3A_104 : memref<1x128xi32, #tpu.memory_space<vmem>> -> memref<128xi32, #tpu.memory_space<vmem>>
    %dma_start3A_106 = arith.constant 0 : i32
    %dma_start3A_107 = arith.constant 0 : i32
    %dma_start3A_108 = tpu.memref_slice %arg9[%dma_start3A_106, %dma_start3A_107] : memref<1000x128xf32, #tpu.memory_space<hbm>> -> memref<1000x128xf32, #tpu.memory_space<hbm>>
    tpu.enqueue_indirect_dma source(%dma_start3A_108 : memref<1000x128xf32, #tpu.memory_space<hbm>>) target(%arg18 : memref<128x128xf32, #tpu.memory_space<vmem>>) offsets(%dma_start3A_105 : memref<128xi32, #tpu.memory_space<vmem>>) semaphore(%arg26 : memref<!tpu.dma_semaphore, #tpu.memory_space<semaphore_mem>>)
    %dma_wait3A_109 = arith.constant 0 : i32
    %dma_wait3A_110 = arith.constant 0 : i32
    %dma_wait3A_111 = tpu.memref_slice %arg14[%dma_wait3A_109, %dma_wait3A_110] : memref<4x128xi32, #tpu.memory_space<vmem>> -> memref<1x128xi32, #tpu.memory_space<vmem>>
    %dma_wait3A_112 = tpu.memref_squeeze %dma_wait3A_111 : memref<1x128xi32, #tpu.memory_space<vmem>> -> memref<128xi32, #tpu.memory_space<vmem>>
    %dma_wait3A_113 = arith.constant 0 : i32
    %dma_wait3A_114 = arith.constant 0 : i32
    %dma_wait3A_115 = tpu.memref_slice %arg6[%dma_wait3A_113, %dma_wait3A_114] : memref<1000000x128xf32, #tpu.memory_space<hbm>> -> memref<1000000x128xf32, #tpu.memory_space<hbm>>
    tpu.wait_indirect_dma semaphore(%arg23 : memref<!tpu.dma_semaphore, #tpu.memory_space<semaphore_mem>>) src(%dma_wait3A_115 : memref<1000000x128xf32, #tpu.memory_space<hbm>>) dst(%arg15 : memref<128x128xf32, #tpu.memory_space<vmem>>)
    %add3A_116 = arith.constant 0 : i32
    %add3A_117 = arith.addi %mul3A_2, %add3A_116 : i32
    %dma_start3A_118 = arith.constant 0 : i32
    %dma_start3A_119 = tpu.memref_slice %arg10[%add3A_117, %dma_start3A_118] : memref<4096x128xf32, #tpu.memory_space<hbm>> -> memref<128x128xf32, #tpu.memory_space<hbm>>
    %dma_start3A_120 = arith.constant 0 : i32
    %dma_start3A_121 = tpu.memref_slice %arg10[%add3A_117, %dma_start3A_120] : memref<4096x128xf32, #tpu.memory_space<hbm>> -> memref<128x128xf32, #tpu.memory_space<hbm>>
    tpu.enqueue_dma source(%arg15 : memref<128x128xf32, #tpu.memory_space<vmem>>) target(%dma_start3A_121 : memref<128x128xf32, #tpu.memory_space<hbm>>) target_semaphore(%arg27 : memref<!tpu.dma_semaphore, #tpu.memory_space<semaphore_mem>>)
    %dma_wait3A_122 = arith.constant 1 : i32
    %dma_wait3A_123 = arith.constant 0 : i32
    %dma_wait3A_124 = tpu.memref_slice %arg14[%dma_wait3A_122, %dma_wait3A_123] : memref<4x128xi32, #tpu.memory_space<vmem>> -> memref<1x128xi32, #tpu.memory_space<vmem>>
    %dma_wait3A_125 = tpu.memref_squeeze %dma_wait3A_124 : memref<1x128xi32, #tpu.memory_space<vmem>> -> memref<128xi32, #tpu.memory_space<vmem>>
    %dma_wait3A_126 = arith.constant 0 : i32
    %dma_wait3A_127 = arith.constant 0 : i32
    %dma_wait3A_128 = tpu.memref_slice %arg7[%dma_wait3A_126, %dma_wait3A_127] : memref<100000x128xf32, #tpu.memory_space<hbm>> -> memref<100000x128xf32, #tpu.memory_space<hbm>>
    tpu.wait_indirect_dma semaphore(%arg24 : memref<!tpu.dma_semaphore, #tpu.memory_space<semaphore_mem>>) src(%dma_wait3A_128 : memref<100000x128xf32, #tpu.memory_space<hbm>>) dst(%arg16 : memref<128x128xf32, #tpu.memory_space<vmem>>)
    %add3A_129 = arith.constant 0 : i32
    %add3A_130 = arith.addi %mul3A_2, %add3A_129 : i32
    %dma_start3A_131 = arith.constant 0 : i32
    %dma_start3A_132 = tpu.memref_slice %arg11[%add3A_130, %dma_start3A_131] : memref<4096x128xf32, #tpu.memory_space<hbm>> -> memref<128x128xf32, #tpu.memory_space<hbm>>
    %dma_start3A_133 = arith.constant 0 : i32
    %dma_start3A_134 = tpu.memref_slice %arg11[%add3A_130, %dma_start3A_133] : memref<4096x128xf32, #tpu.memory_space<hbm>> -> memref<128x128xf32, #tpu.memory_space<hbm>>
    tpu.enqueue_dma source(%arg16 : memref<128x128xf32, #tpu.memory_space<vmem>>) target(%dma_start3A_134 : memref<128x128xf32, #tpu.memory_space<hbm>>) target_semaphore(%arg28 : memref<!tpu.dma_semaphore, #tpu.memory_space<semaphore_mem>>)
    %dma_wait3A_135 = arith.constant 2 : i32
    %dma_wait3A_136 = arith.constant 0 : i32
    %dma_wait3A_137 = tpu.memref_slice %arg14[%dma_wait3A_135, %dma_wait3A_136] : memref<4x128xi32, #tpu.memory_space<vmem>> -> memref<1x128xi32, #tpu.memory_space<vmem>>
    %dma_wait3A_138 = tpu.memref_squeeze %dma_wait3A_137 : memref<1x128xi32, #tpu.memory_space<vmem>> -> memref<128xi32, #tpu.memory_space<vmem>>
    %dma_wait3A_139 = arith.constant 0 : i32
    %dma_wait3A_140 = arith.constant 0 : i32
    %dma_wait3A_141 = tpu.memref_slice %arg8[%dma_wait3A_139, %dma_wait3A_140] : memref<100000x128xf32, #tpu.memory_space<hbm>> -> memref<100000x128xf32, #tpu.memory_space<hbm>>
    tpu.wait_indirect_dma semaphore(%arg25 : memref<!tpu.dma_semaphore, #tpu.memory_space<semaphore_mem>>) src(%dma_wait3A_141 : memref<100000x128xf32, #tpu.memory_space<hbm>>) dst(%arg17 : memref<128x128xf32, #tpu.memory_space<vmem>>)
    %add3A_142 = arith.constant 0 : i32
    %add3A_143 = arith.addi %mul3A_2, %add3A_142 : i32
    %dma_start3A_144 = arith.constant 0 : i32
    %dma_start3A_145 = tpu.memref_slice %arg12[%add3A_143, %dma_start3A_144] : memref<4096x128xf32, #tpu.memory_space<hbm>> -> memref<128x128xf32, #tpu.memory_space<hbm>>
    %dma_start3A_146 = arith.constant 0 : i32
    %dma_start3A_147 = tpu.memref_slice %arg12[%add3A_143, %dma_start3A_146] : memref<4096x128xf32, #tpu.memory_space<hbm>> -> memref<128x128xf32, #tpu.memory_space<hbm>>
    tpu.enqueue_dma source(%arg17 : memref<128x128xf32, #tpu.memory_space<vmem>>) target(%dma_start3A_147 : memref<128x128xf32, #tpu.memory_space<hbm>>) target_semaphore(%arg29 : memref<!tpu.dma_semaphore, #tpu.memory_space<semaphore_mem>>)
    %dma_wait3A_148 = arith.constant 3 : i32
    %dma_wait3A_149 = arith.constant 0 : i32
    %dma_wait3A_150 = tpu.memref_slice %arg14[%dma_wait3A_148, %dma_wait3A_149] : memref<4x128xi32, #tpu.memory_space<vmem>> -> memref<1x128xi32, #tpu.memory_space<vmem>>
    %dma_wait3A_151 = tpu.memref_squeeze %dma_wait3A_150 : memref<1x128xi32, #tpu.memory_space<vmem>> -> memref<128xi32, #tpu.memory_space<vmem>>
    %dma_wait3A_152 = arith.constant 0 : i32
    %dma_wait3A_153 = arith.constant 0 : i32
    %dma_wait3A_154 = tpu.memref_slice %arg9[%dma_wait3A_152, %dma_wait3A_153] : memref<1000x128xf32, #tpu.memory_space<hbm>> -> memref<1000x128xf32, #tpu.memory_space<hbm>>
    tpu.wait_indirect_dma semaphore(%arg26 : memref<!tpu.dma_semaphore, #tpu.memory_space<semaphore_mem>>) src(%dma_wait3A_154 : memref<1000x128xf32, #tpu.memory_space<hbm>>) dst(%arg18 : memref<128x128xf32, #tpu.memory_space<vmem>>)
    %add3A_155 = arith.constant 0 : i32
    %add3A_156 = arith.addi %mul3A_2, %add3A_155 : i32
    %dma_start3A_157 = arith.constant 0 : i32
    %dma_start3A_158 = tpu.memref_slice %arg13[%add3A_156, %dma_start3A_157] : memref<4096x128xf32, #tpu.memory_space<hbm>> -> memref<128x128xf32, #tpu.memory_space<hbm>>
    %dma_start3A_159 = arith.constant 0 : i32
    %dma_start3A_160 = tpu.memref_slice %arg13[%add3A_156, %dma_start3A_159] : memref<4096x128xf32, #tpu.memory_space<hbm>> -> memref<128x128xf32, #tpu.memory_space<hbm>>
    tpu.enqueue_dma source(%arg18 : memref<128x128xf32, #tpu.memory_space<vmem>>) target(%dma_start3A_160 : memref<128x128xf32, #tpu.memory_space<hbm>>) target_semaphore(%arg30 : memref<!tpu.dma_semaphore, #tpu.memory_space<semaphore_mem>>)
    %dma_wait3A_161 = arith.constant 0 : i32
    %dma_wait3A_162 = tpu.memref_slice %arg10[%add3A_117, %dma_wait3A_161] : memref<4096x128xf32, #tpu.memory_space<hbm>> -> memref<128x128xf32, #tpu.memory_space<hbm>>
    %dma_wait3A_163 = arith.constant 0 : i32
    %dma_wait3A_164 = tpu.memref_slice %arg10[%add3A_117, %dma_wait3A_163] : memref<4096x128xf32, #tpu.memory_space<hbm>> -> memref<128x128xf32, #tpu.memory_space<hbm>>
    tpu.wait_dma2 semaphore(%arg27 : memref<!tpu.dma_semaphore, #tpu.memory_space<semaphore_mem>>) src(%arg15 : memref<128x128xf32, #tpu.memory_space<vmem>>) dst(%dma_wait3A_164 : memref<128x128xf32, #tpu.memory_space<hbm>>)
    %dma_wait3A_165 = arith.constant 0 : i32
    %dma_wait3A_166 = tpu.memref_slice %arg11[%add3A_130, %dma_wait3A_165] : memref<4096x128xf32, #tpu.memory_space<hbm>> -> memref<128x128xf32, #tpu.memory_space<hbm>>
    %dma_wait3A_167 = arith.constant 0 : i32
    %dma_wait3A_168 = tpu.memref_slice %arg11[%add3A_130, %dma_wait3A_167] : memref<4096x128xf32, #tpu.memory_space<hbm>> -> memref<128x128xf32, #tpu.memory_space<hbm>>
    tpu.wait_dma2 semaphore(%arg28 : memref<!tpu.dma_semaphore, #tpu.memory_space<semaphore_mem>>) src(%arg16 : memref<128x128xf32, #tpu.memory_space<vmem>>) dst(%dma_wait3A_168 : memref<128x128xf32, #tpu.memory_space<hbm>>)
    %dma_wait3A_169 = arith.constant 0 : i32
    %dma_wait3A_170 = tpu.memref_slice %arg12[%add3A_143, %dma_wait3A_169] : memref<4096x128xf32, #tpu.memory_space<hbm>> -> memref<128x128xf32, #tpu.memory_space<hbm>>
    %dma_wait3A_171 = arith.constant 0 : i32
    %dma_wait3A_172 = tpu.memref_slice %arg12[%add3A_143, %dma_wait3A_171] : memref<4096x128xf32, #tpu.memory_space<hbm>> -> memref<128x128xf32, #tpu.memory_space<hbm>>
    tpu.wait_dma2 semaphore(%arg29 : memref<!tpu.dma_semaphore, #tpu.memory_space<semaphore_mem>>) src(%arg17 : memref<128x128xf32, #tpu.memory_space<vmem>>) dst(%dma_wait3A_172 : memref<128x128xf32, #tpu.memory_space<hbm>>)
    %dma_wait3A_173 = arith.constant 0 : i32
    %dma_wait3A_174 = tpu.memref_slice %arg13[%add3A_156, %dma_wait3A_173] : memref<4096x128xf32, #tpu.memory_space<hbm>> -> memref<128x128xf32, #tpu.memory_space<hbm>>
    %dma_wait3A_175 = arith.constant 0 : i32
    %dma_wait3A_176 = tpu.memref_slice %arg13[%add3A_156, %dma_wait3A_175] : memref<4096x128xf32, #tpu.memory_space<hbm>> -> memref<128x128xf32, #tpu.memory_space<hbm>>
    tpu.wait_dma2 semaphore(%arg30 : memref<!tpu.dma_semaphore, #tpu.memory_space<semaphore_mem>>) src(%arg18 : memref<128x128xf32, #tpu.memory_space<vmem>>) dst(%dma_wait3A_176 : memref<128x128xf32, #tpu.memory_space<hbm>>)
    return
  }
}

module attributes {stable_mosaic.version = 14 : i64} {
  func.func @_moments_body(%arg0: i32, %arg1: memref<2048x128xf32, #tpu.memory_space<vmem>>, %arg2: memref<2048x128xf32, #tpu.memory_space<vmem>>, %arg3: memref<2048x128xf32, #tpu.memory_space<vmem>>, %arg4: memref<2048x128xf32, #tpu.memory_space<vmem>>, %arg5: memref<512x256xf32, #tpu.memory_space<vmem>>, %arg6: memref<16384x256xbf16, #tpu.memory_space<hbm>>, %arg7: memref<1x256xf32, #tpu.memory_space<vmem>>, %arg8: memref<256x256xf32, #tpu.memory_space<vmem>>, %arg9: memref<2048x256xbf16, #tpu.memory_space<vmem>>) attributes {dimension_semantics = [#tpu.dimension_semantics<arbitrary>], iteration_bounds = array<i64: 2>, scalar_prefetch = 0 : i64, scratch_operands = 0 : i64, tpu.core_type = #tpu.core_type<tc>, window_params = [{transform_indices = @transform_0, window_bounds = array<i64: 2048, 128>}, {transform_indices = @transform_1, window_bounds = array<i64: 2048, 128>}, {transform_indices = @transform_2, window_bounds = array<i64: 2048, 128>}, {transform_indices = @transform_3, window_bounds = array<i64: 2048, 128>}, {pipeline_mode = #tpu.pipeline_mode<synchronous>, transform_indices = @transform_4, window_bounds = array<i64: 512, 256>}, {}, {pipeline_mode = #tpu.pipeline_mode<synchronous>, transform_indices = @transform_6, window_bounds = array<i64: 1, 256>}, {pipeline_mode = #tpu.pipeline_mode<synchronous>, transform_indices = @transform_7, window_bounds = array<i64: 256, 256>}, {transform_indices = @transform_8, window_bounds = array<i64: 2048, 256>}]} {
    %get3A = arith.constant 0 : index
    %get3A_0 = arith.constant 0 : index
    %get3A_1 = vector.load %arg1[%get3A, %get3A_0] : memref<2048x128xf32, #tpu.memory_space<vmem>>, vector<2048x128xf32>
    %get3A_2 = arith.constant 0 : index
    %get3A_3 = arith.constant 0 : index
    %get3A_4 = vector.load %arg5[%get3A_2, %get3A_3] : memref<512x256xf32, #tpu.memory_space<vmem>>, vector<128x256xf32>
    %dot_general3A = arith.constant dense<0.000000e+00> : vector<2048x256xf32>
    %dot_general3A_5 = tpu.matmul %get3A_1, %get3A_4, %dot_general3A {dimension_numbers = #tpu.dot_dimension_numbers<[1], [0], [0], [1], [0, 0, 1, 1], [], []>, transpose_lhs_hint = false} : vector<2048x128xf32>, vector<128x256xf32>, vector<2048x256xf32> -> vector<2048x256xf32>
    %get3A_6 = arith.constant 0 : index
    %get3A_7 = arith.constant 0 : index
    %get3A_8 = vector.load %arg2[%get3A_6, %get3A_7] : memref<2048x128xf32, #tpu.memory_space<vmem>>, vector<2048x128xf32>
    %get3A_9 = arith.constant 128 : index
    %get3A_10 = arith.constant 0 : index
    %get3A_11 = vector.load %arg5[%get3A_9, %get3A_10] : memref<512x256xf32, #tpu.memory_space<vmem>>, vector<128x256xf32>
    %dot_general3A_12 = arith.constant dense<0.000000e+00> : vector<2048x256xf32>
    %dot_general3A_13 = tpu.matmul %get3A_8, %get3A_11, %dot_general3A_12 {dimension_numbers = #tpu.dot_dimension_numbers<[1], [0], [0], [1], [0, 0, 1, 1], [], []>, transpose_lhs_hint = false} : vector<2048x128xf32>, vector<128x256xf32>, vector<2048x256xf32> -> vector<2048x256xf32>
    %add3A = arith.addf %dot_general3A_5, %dot_general3A_13 : vector<2048x256xf32>
    %get3A_14 = arith.constant 0 : index
    %get3A_15 = arith.constant 0 : index
    %get3A_16 = vector.load %arg3[%get3A_14, %get3A_15] : memref<2048x128xf32, #tpu.memory_space<vmem>>, vector<2048x128xf32>
    %get3A_17 = arith.constant 256 : index
    %get3A_18 = arith.constant 0 : index
    %get3A_19 = vector.load %arg5[%get3A_17, %get3A_18] : memref<512x256xf32, #tpu.memory_space<vmem>>, vector<128x256xf32>
    %dot_general3A_20 = arith.constant dense<0.000000e+00> : vector<2048x256xf32>
    %dot_general3A_21 = tpu.matmul %get3A_16, %get3A_19, %dot_general3A_20 {dimension_numbers = #tpu.dot_dimension_numbers<[1], [0], [0], [1], [0, 0, 1, 1], [], []>, transpose_lhs_hint = false} : vector<2048x128xf32>, vector<128x256xf32>, vector<2048x256xf32> -> vector<2048x256xf32>
    %add3A_22 = arith.addf %add3A, %dot_general3A_21 : vector<2048x256xf32>
    %get3A_23 = arith.constant 0 : index
    %get3A_24 = arith.constant 0 : index
    %get3A_25 = vector.load %arg4[%get3A_23, %get3A_24] : memref<2048x128xf32, #tpu.memory_space<vmem>>, vector<2048x128xf32>
    %get3A_26 = arith.constant 384 : index
    %get3A_27 = arith.constant 0 : index
    %get3A_28 = vector.load %arg5[%get3A_26, %get3A_27] : memref<512x256xf32, #tpu.memory_space<vmem>>, vector<128x256xf32>
    %dot_general3A_29 = arith.constant dense<0.000000e+00> : vector<2048x256xf32>
    %dot_general3A_30 = tpu.matmul %get3A_25, %get3A_28, %dot_general3A_29 {dimension_numbers = #tpu.dot_dimension_numbers<[1], [0], [0], [1], [0, 0, 1, 1], [], []>, transpose_lhs_hint = false} : vector<2048x128xf32>, vector<128x256xf32>, vector<2048x256xf32> -> vector<2048x256xf32>
    %add3A_31 = arith.addf %add3A_22, %dot_general3A_30 : vector<2048x256xf32>
    %eq3A = arith.constant 0 : i32
    %eq3A_32 = arith.cmpi eq, %arg0, %eq3A : i32
    %convert_element_type3A = arith.extui %eq3A_32 : i1 to i32
    %cond3A = arith.constant 0 : i32
    %cond3A_33 = arith.cmpi ne, %convert_element_type3A, %cond3A : i32
    scf.if %cond3A_33 {
      %broadcast_in_dim3A_54 = arith.constant 0.000000e+00 : f32
      %broadcast_in_dim3A_55 = vector.broadcast %broadcast_in_dim3A_54 : f32 to vector<1x256xf32>
      %swap3A_56 = arith.constant 0 : index
      %swap3A_57 = arith.constant 0 : index
      %swap3A_58 = vector.load %arg7[%swap3A_56, %swap3A_57] : memref<1x256xf32, #tpu.memory_space<vmem>>, vector<1x256xf32>
      tpu.vector_store %arg7[%swap3A_56, %swap3A_57], %broadcast_in_dim3A_55 {strides = array<i32>} : memref<1x256xf32, #tpu.memory_space<vmem>>, vector<1x256xf32>,
      %broadcast_in_dim3A_59 = arith.constant 0.000000e+00 : f32
      %broadcast_in_dim3A_60 = vector.broadcast %broadcast_in_dim3A_59 : f32 to vector<256x256xf32>
      %swap3A_61 = arith.constant 0 : index
      %swap3A_62 = arith.constant 0 : index
      %swap3A_63 = vector.load %arg8[%swap3A_61, %swap3A_62] : memref<256x256xf32, #tpu.memory_space<vmem>>, vector<256x256xf32>
      tpu.vector_store %arg8[%swap3A_61, %swap3A_62], %broadcast_in_dim3A_60 {strides = array<i32>} : memref<256x256xf32, #tpu.memory_space<vmem>>, vector<256x256xf32>,
    } else {
    }
    %get3A_34 = arith.constant 0 : index
    %get3A_35 = arith.constant 0 : index
    %get3A_36 = vector.load %arg7[%get3A_34, %get3A_35] : memref<1x256xf32, #tpu.memory_space<vmem>>, vector<1x256xf32>
    %reduce_sum3A = arith.constant dense<0.000000e+00> : vector<256xf32>
    %reduce_sum3A_37 = vector.multi_reduction <add>, %add3A_31, %reduce_sum3A [0] : vector<2048x256xf32> to vector<256xf32>
    %broadcast_in_dim3A = vector.shape_cast %reduce_sum3A_37 : vector<256xf32> to vector<1x256xf32>
    %add3A_38 = arith.addf %get3A_36, %broadcast_in_dim3A : vector<1x256xf32>
    %swap3A = arith.constant 0 : index
    %swap3A_39 = arith.constant 0 : index
    %swap3A_40 = vector.load %arg7[%swap3A, %swap3A_39] : memref<1x256xf32, #tpu.memory_space<vmem>>, vector<1x256xf32>
    tpu.vector_store %arg7[%swap3A, %swap3A_39], %add3A_38 {strides = array<i32>} : memref<1x256xf32, #tpu.memory_space<vmem>>, vector<1x256xf32>,
    %get3A_41 = arith.constant 0 : index
    %get3A_42 = arith.constant 0 : index
    %get3A_43 = vector.load %arg8[%get3A_41, %get3A_42] : memref<256x256xf32, #tpu.memory_space<vmem>>, vector<256x256xf32>
    %dot_general3A_44 = arith.constant dense<0.000000e+00> : vector<256x256xf32>
    %dot_general3A_45 = tpu.matmul %add3A_31, %add3A_31, %dot_general3A_44 {dimension_numbers = #tpu.dot_dimension_numbers<[0], [0], [1], [1], [0, 1, 1, 1], [], []>, transpose_lhs_hint = false} : vector<2048x256xf32>, vector<2048x256xf32>, vector<256x256xf32> -> vector<256x256xf32>
    %add3A_46 = arith.addf %get3A_43, %dot_general3A_45 : vector<256x256xf32>
    %swap3A_47 = arith.constant 0 : index
    %swap3A_48 = arith.constant 0 : index
    %swap3A_49 = vector.load %arg8[%swap3A_47, %swap3A_48] : memref<256x256xf32, #tpu.memory_space<vmem>>, vector<256x256xf32>
    tpu.vector_store %arg8[%swap3A_47, %swap3A_48], %add3A_46 {strides = array<i32>} : memref<256x256xf32, #tpu.memory_space<vmem>>, vector<256x256xf32>,
    %convert_element_type3A_50 = arith.truncf %add3A_31 : vector<2048x256xf32> to vector<2048x256xbf16>
    %swap3A_51 = arith.constant 0 : index
    %swap3A_52 = arith.constant 0 : index
    %swap3A_53 = vector.load %arg9[%swap3A_51, %swap3A_52] : memref<2048x256xbf16, #tpu.memory_space<vmem>>, vector<2048x256xbf16>
    tpu.vector_store %arg9[%swap3A_51, %swap3A_52], %convert_element_type3A_50 {strides = array<i32>} : memref<2048x256xbf16, #tpu.memory_space<vmem>>, vector<2048x256xbf16>,
    return
  }
  func.func @transform_0(%arg0: i32) -> (i32, i32) {
    %c0_i32 = arith.constant 0 : i32
    %c0_i32_0 = arith.constant 0 : i32
    return %arg0, %c0_i32 : i32, i32
  }
  func.func @transform_1(%arg0: i32) -> (i32, i32) {
    %c0_i32 = arith.constant 0 : i32
    %c0_i32_0 = arith.constant 0 : i32
    return %arg0, %c0_i32 : i32, i32
  }
  func.func @transform_2(%arg0: i32) -> (i32, i32) {
    %c0_i32 = arith.constant 0 : i32
    %c0_i32_0 = arith.constant 0 : i32
    return %arg0, %c0_i32 : i32, i32
  }
  func.func @transform_3(%arg0: i32) -> (i32, i32) {
    %c0_i32 = arith.constant 0 : i32
    %c0_i32_0 = arith.constant 0 : i32
    return %arg0, %c0_i32 : i32, i32
  }
  func.func @transform_4(%arg0: i32) -> (i32, i32) {
    %c0_i32 = arith.constant 0 : i32
    %c0_i32_0 = arith.constant 0 : i32
    %c0_i32_1 = arith.constant 0 : i32
    return %c0_i32, %c0_i32_0 : i32, i32
  }
  func.func @transform_6(%arg0: i32) -> (i32, i32) {
    %c0_i32 = arith.constant 0 : i32
    %c0_i32_0 = arith.constant 0 : i32
    %c0_i32_1 = arith.constant 0 : i32
    return %c0_i32, %c0_i32_0 : i32, i32
  }
  func.func @transform_7(%arg0: i32) -> (i32, i32) {
    %c0_i32 = arith.constant 0 : i32
    %c0_i32_0 = arith.constant 0 : i32
    %c0_i32_1 = arith.constant 0 : i32
    return %c0_i32, %c0_i32_0 : i32, i32
  }
  func.func @transform_8(%arg0: i32) -> (i32, i32) {
    %add3A = arith.constant 2 : i32
    %add3A_0 = arith.addi %add3A, %arg0 : i32
    %c0_i32 = arith.constant 0 : i32
    %c0_i32_1 = arith.constant 0 : i32
    return %add3A_0, %c0_i32 : i32, i32
  }
}

module attributes {stable_mosaic.version = 14 : i64} {
  func.func @_lambda_(%arg0: i32, %arg1: memref<2048x128xf32, #tpu.memory_space<vmem>>, %arg2: memref<2048x128xf32, #tpu.memory_space<vmem>>, %arg3: memref<2048x128xf32, #tpu.memory_space<vmem>>, %arg4: memref<2048x128xf32, #tpu.memory_space<vmem>>, %arg5: memref<512x256xf32, #tpu.memory_space<vmem>>, %arg6: memref<1x256xf32, #tpu.memory_space<vmem>>, %arg7: memref<256x256xf32, #tpu.memory_space<vmem>>, %arg8: memref<2048x256xbf16, #tpu.memory_space<vmem>>) attributes {dimension_semantics = [#tpu.dimension_semantics<arbitrary>], iteration_bounds = array<i64: 2>, scalar_prefetch = 0 : i64, scratch_operands = 0 : i64, tpu.core_type = #tpu.core_type<tc>, window_params = [{transform_indices = @transform_0, window_bounds = array<i64: 2048, 128>}, {transform_indices = @transform_1, window_bounds = array<i64: 2048, 128>}, {transform_indices = @transform_2, window_bounds = array<i64: 2048, 128>}, {transform_indices = @transform_3, window_bounds = array<i64: 2048, 128>}, {pipeline_mode = #tpu.pipeline_mode<synchronous>, transform_indices = @transform_4, window_bounds = array<i64: 512, 256>}, {pipeline_mode = #tpu.pipeline_mode<synchronous>, transform_indices = @transform_5, window_bounds = array<i64: 1, 256>}, {pipeline_mode = #tpu.pipeline_mode<synchronous>, transform_indices = @transform_6, window_bounds = array<i64: 256, 256>}, {transform_indices = @transform_7, window_bounds = array<i64: 2048, 256>}]} {
    %get3A = arith.constant 0 : index
    %get3A_0 = arith.constant 0 : index
    %get3A_1 = vector.load %arg1[%get3A, %get3A_0] : memref<2048x128xf32, #tpu.memory_space<vmem>>, vector<2048x128xf32>
    %get3A_2 = arith.constant 0 : index
    %get3A_3 = arith.constant 0 : index
    %get3A_4 = vector.load %arg5[%get3A_2, %get3A_3] : memref<512x256xf32, #tpu.memory_space<vmem>>, vector<128x256xf32>
    %dot_general3A = arith.constant dense<0.000000e+00> : vector<2048x256xf32>
    %dot_general3A_5 = tpu.matmul %get3A_1, %get3A_4, %dot_general3A {dimension_numbers = #tpu.dot_dimension_numbers<[1], [0], [0], [1], [0, 0, 1, 1], [], []>, transpose_lhs_hint = false} : vector<2048x128xf32>, vector<128x256xf32>, vector<2048x256xf32> -> vector<2048x256xf32>
    %get3A_6 = arith.constant 0 : index
    %get3A_7 = arith.constant 0 : index
    %get3A_8 = vector.load %arg2[%get3A_6, %get3A_7] : memref<2048x128xf32, #tpu.memory_space<vmem>>, vector<2048x128xf32>
    %get3A_9 = arith.constant 128 : index
    %get3A_10 = arith.constant 0 : index
    %get3A_11 = vector.load %arg5[%get3A_9, %get3A_10] : memref<512x256xf32, #tpu.memory_space<vmem>>, vector<128x256xf32>
    %dot_general3A_12 = arith.constant dense<0.000000e+00> : vector<2048x256xf32>
    %dot_general3A_13 = tpu.matmul %get3A_8, %get3A_11, %dot_general3A_12 {dimension_numbers = #tpu.dot_dimension_numbers<[1], [0], [0], [1], [0, 0, 1, 1], [], []>, transpose_lhs_hint = false} : vector<2048x128xf32>, vector<128x256xf32>, vector<2048x256xf32> -> vector<2048x256xf32>
    %add3A = arith.addf %dot_general3A_5, %dot_general3A_13 : vector<2048x256xf32>
    %get3A_14 = arith.constant 0 : index
    %get3A_15 = arith.constant 0 : index
    %get3A_16 = vector.load %arg3[%get3A_14, %get3A_15] : memref<2048x128xf32, #tpu.memory_space<vmem>>, vector<2048x128xf32>
    %get3A_17 = arith.constant 256 : index
    %get3A_18 = arith.constant 0 : index
    %get3A_19 = vector.load %arg5[%get3A_17, %get3A_18] : memref<512x256xf32, #tpu.memory_space<vmem>>, vector<128x256xf32>
    %dot_general3A_20 = arith.constant dense<0.000000e+00> : vector<2048x256xf32>
    %dot_general3A_21 = tpu.matmul %get3A_16, %get3A_19, %dot_general3A_20 {dimension_numbers = #tpu.dot_dimension_numbers<[1], [0], [0], [1], [0, 0, 1, 1], [], []>, transpose_lhs_hint = false} : vector<2048x128xf32>, vector<128x256xf32>, vector<2048x256xf32> -> vector<2048x256xf32>
    %add3A_22 = arith.addf %add3A, %dot_general3A_21 : vector<2048x256xf32>
    %get3A_23 = arith.constant 0 : index
    %get3A_24 = arith.constant 0 : index
    %get3A_25 = vector.load %arg4[%get3A_23, %get3A_24] : memref<2048x128xf32, #tpu.memory_space<vmem>>, vector<2048x128xf32>
    %get3A_26 = arith.constant 384 : index
    %get3A_27 = arith.constant 0 : index
    %get3A_28 = vector.load %arg5[%get3A_26, %get3A_27] : memref<512x256xf32, #tpu.memory_space<vmem>>, vector<128x256xf32>
    %dot_general3A_29 = arith.constant dense<0.000000e+00> : vector<2048x256xf32>
    %dot_general3A_30 = tpu.matmul %get3A_25, %get3A_28, %dot_general3A_29 {dimension_numbers = #tpu.dot_dimension_numbers<[1], [0], [0], [1], [0, 0, 1, 1], [], []>, transpose_lhs_hint = false} : vector<2048x128xf32>, vector<128x256xf32>, vector<2048x256xf32> -> vector<2048x256xf32>
    %add3A_31 = arith.addf %add3A_22, %dot_general3A_30 : vector<2048x256xf32>
    %eq3A = arith.constant 0 : i32
    %eq3A_32 = arith.cmpi eq, %arg0, %eq3A : i32
    %convert_element_type3A = arith.extui %eq3A_32 : i1 to i32
    %cond3A = arith.constant 0 : i32
    %cond3A_33 = arith.cmpi ne, %convert_element_type3A, %cond3A : i32
    scf.if %cond3A_33 {
      %broadcast_in_dim3A_54 = arith.constant 0.000000e+00 : f32
      %broadcast_in_dim3A_55 = vector.broadcast %broadcast_in_dim3A_54 : f32 to vector<1x256xf32>
      %swap3A_56 = arith.constant 0 : index
      %swap3A_57 = arith.constant 0 : index
      %swap3A_58 = vector.load %arg6[%swap3A_56, %swap3A_57] : memref<1x256xf32, #tpu.memory_space<vmem>>, vector<1x256xf32>
      tpu.vector_store %arg6[%swap3A_56, %swap3A_57], %broadcast_in_dim3A_55 {strides = array<i32>} : memref<1x256xf32, #tpu.memory_space<vmem>>, vector<1x256xf32>,
      %broadcast_in_dim3A_59 = arith.constant 0.000000e+00 : f32
      %broadcast_in_dim3A_60 = vector.broadcast %broadcast_in_dim3A_59 : f32 to vector<256x256xf32>
      %swap3A_61 = arith.constant 0 : index
      %swap3A_62 = arith.constant 0 : index
      %swap3A_63 = vector.load %arg7[%swap3A_61, %swap3A_62] : memref<256x256xf32, #tpu.memory_space<vmem>>, vector<256x256xf32>
      tpu.vector_store %arg7[%swap3A_61, %swap3A_62], %broadcast_in_dim3A_60 {strides = array<i32>} : memref<256x256xf32, #tpu.memory_space<vmem>>, vector<256x256xf32>,
    } else {
    }
    %get3A_34 = arith.constant 0 : index
    %get3A_35 = arith.constant 0 : index
    %get3A_36 = vector.load %arg6[%get3A_34, %get3A_35] : memref<1x256xf32, #tpu.memory_space<vmem>>, vector<1x256xf32>
    %reduce_sum3A = arith.constant dense<0.000000e+00> : vector<256xf32>
    %reduce_sum3A_37 = vector.multi_reduction <add>, %add3A_31, %reduce_sum3A [0] : vector<2048x256xf32> to vector<256xf32>
    %broadcast_in_dim3A = vector.shape_cast %reduce_sum3A_37 : vector<256xf32> to vector<1x256xf32>
    %add3A_38 = arith.addf %get3A_36, %broadcast_in_dim3A : vector<1x256xf32>
    %swap3A = arith.constant 0 : index
    %swap3A_39 = arith.constant 0 : index
    %swap3A_40 = vector.load %arg6[%swap3A, %swap3A_39] : memref<1x256xf32, #tpu.memory_space<vmem>>, vector<1x256xf32>
    tpu.vector_store %arg6[%swap3A, %swap3A_39], %add3A_38 {strides = array<i32>} : memref<1x256xf32, #tpu.memory_space<vmem>>, vector<1x256xf32>,
    %get3A_41 = arith.constant 0 : index
    %get3A_42 = arith.constant 0 : index
    %get3A_43 = vector.load %arg7[%get3A_41, %get3A_42] : memref<256x256xf32, #tpu.memory_space<vmem>>, vector<256x256xf32>
    %dot_general3A_44 = arith.constant dense<0.000000e+00> : vector<256x256xf32>
    %dot_general3A_45 = tpu.matmul %add3A_31, %add3A_31, %dot_general3A_44 {dimension_numbers = #tpu.dot_dimension_numbers<[0], [0], [1], [1], [0, 1, 1, 1], [], []>, transpose_lhs_hint = false} : vector<2048x256xf32>, vector<2048x256xf32>, vector<256x256xf32> -> vector<256x256xf32>
    %add3A_46 = arith.addf %get3A_43, %dot_general3A_45 : vector<256x256xf32>
    %swap3A_47 = arith.constant 0 : index
    %swap3A_48 = arith.constant 0 : index
    %swap3A_49 = vector.load %arg7[%swap3A_47, %swap3A_48] : memref<256x256xf32, #tpu.memory_space<vmem>>, vector<256x256xf32>
    tpu.vector_store %arg7[%swap3A_47, %swap3A_48], %add3A_46 {strides = array<i32>} : memref<256x256xf32, #tpu.memory_space<vmem>>, vector<256x256xf32>,
    %convert_element_type3A_50 = arith.truncf %add3A_31 : vector<2048x256xf32> to vector<2048x256xbf16>
    %swap3A_51 = arith.constant 0 : index
    %swap3A_52 = arith.constant 0 : index
    %swap3A_53 = vector.load %arg8[%swap3A_51, %swap3A_52] : memref<2048x256xbf16, #tpu.memory_space<vmem>>, vector<2048x256xbf16>
    tpu.vector_store %arg8[%swap3A_51, %swap3A_52], %convert_element_type3A_50 {strides = array<i32>} : memref<2048x256xbf16, #tpu.memory_space<vmem>>, vector<2048x256xbf16>,
    return
  }
  func.func @transform_0(%arg0: i32) -> (i32, i32) {
    %c0_i32 = arith.constant 0 : i32
    %c0_i32_0 = arith.constant 0 : i32
    return %arg0, %c0_i32 : i32, i32
  }
  func.func @transform_1(%arg0: i32) -> (i32, i32) {
    %c0_i32 = arith.constant 0 : i32
    %c0_i32_0 = arith.constant 0 : i32
    return %arg0, %c0_i32 : i32, i32
  }
  func.func @transform_2(%arg0: i32) -> (i32, i32) {
    %c0_i32 = arith.constant 0 : i32
    %c0_i32_0 = arith.constant 0 : i32
    return %arg0, %c0_i32 : i32, i32
  }
  func.func @transform_3(%arg0: i32) -> (i32, i32) {
    %c0_i32 = arith.constant 0 : i32
    %c0_i32_0 = arith.constant 0 : i32
    return %arg0, %c0_i32 : i32, i32
  }
  func.func @transform_4(%arg0: i32) -> (i32, i32) {
    %c0_i32 = arith.constant 0 : i32
    %c0_i32_0 = arith.constant 0 : i32
    %c0_i32_1 = arith.constant 0 : i32
    return %c0_i32, %c0_i32_0 : i32, i32
  }
  func.func @transform_5(%arg0: i32) -> (i32, i32) {
    %c0_i32 = arith.constant 0 : i32
    %c0_i32_0 = arith.constant 0 : i32
    %c0_i32_1 = arith.constant 0 : i32
    return %c0_i32, %c0_i32_0 : i32, i32
  }
  func.func @transform_6(%arg0: i32) -> (i32, i32) {
    %c0_i32 = arith.constant 0 : i32
    %c0_i32_0 = arith.constant 0 : i32
    %c0_i32_1 = arith.constant 0 : i32
    return %c0_i32, %c0_i32_0 : i32, i32
  }
  func.func @transform_7(%arg0: i32) -> (i32, i32) {
    %add3A = arith.constant 0 : i32
    %add3A_0 = arith.addi %add3A, %arg0 : i32
    %c0_i32 = arith.constant 0 : i32
    %c0_i32_1 = arith.constant 0 : i32
    return %add3A_0, %c0_i32 : i32, i32
  }
}

module attributes {stable_mosaic.version = 14 : i64} {
  func.func @_moments_body(%arg0: i32, %arg1: memref<2048x128xf32, #tpu.memory_space<vmem>>, %arg2: memref<2048x128xf32, #tpu.memory_space<vmem>>, %arg3: memref<2048x128xf32, #tpu.memory_space<vmem>>, %arg4: memref<2048x128xf32, #tpu.memory_space<vmem>>, %arg5: memref<512x256xf32, #tpu.memory_space<vmem>>, %arg6: memref<16384x256xbf16, #tpu.memory_space<hbm>>, %arg7: memref<1x256xf32, #tpu.memory_space<vmem>>, %arg8: memref<256x256xf32, #tpu.memory_space<vmem>>, %arg9: memref<2048x256xbf16, #tpu.memory_space<vmem>>) attributes {dimension_semantics = [#tpu.dimension_semantics<arbitrary>], iteration_bounds = array<i64: 2>, scalar_prefetch = 0 : i64, scratch_operands = 0 : i64, tpu.core_type = #tpu.core_type<tc>, window_params = [{transform_indices = @transform_0, window_bounds = array<i64: 2048, 128>}, {transform_indices = @transform_1, window_bounds = array<i64: 2048, 128>}, {transform_indices = @transform_2, window_bounds = array<i64: 2048, 128>}, {transform_indices = @transform_3, window_bounds = array<i64: 2048, 128>}, {pipeline_mode = #tpu.pipeline_mode<synchronous>, transform_indices = @transform_4, window_bounds = array<i64: 512, 256>}, {}, {pipeline_mode = #tpu.pipeline_mode<synchronous>, transform_indices = @transform_6, window_bounds = array<i64: 1, 256>}, {pipeline_mode = #tpu.pipeline_mode<synchronous>, transform_indices = @transform_7, window_bounds = array<i64: 256, 256>}, {transform_indices = @transform_8, window_bounds = array<i64: 2048, 256>}]} {
    %get3A = arith.constant 0 : index
    %get3A_0 = arith.constant 0 : index
    %get3A_1 = vector.load %arg1[%get3A, %get3A_0] : memref<2048x128xf32, #tpu.memory_space<vmem>>, vector<2048x128xf32>
    %get3A_2 = arith.constant 0 : index
    %get3A_3 = arith.constant 0 : index
    %get3A_4 = vector.load %arg5[%get3A_2, %get3A_3] : memref<512x256xf32, #tpu.memory_space<vmem>>, vector<128x256xf32>
    %dot_general3A = arith.constant dense<0.000000e+00> : vector<2048x256xf32>
    %dot_general3A_5 = tpu.matmul %get3A_1, %get3A_4, %dot_general3A {dimension_numbers = #tpu.dot_dimension_numbers<[1], [0], [0], [1], [0, 0, 1, 1], [], []>, transpose_lhs_hint = false} : vector<2048x128xf32>, vector<128x256xf32>, vector<2048x256xf32> -> vector<2048x256xf32>
    %get3A_6 = arith.constant 0 : index
    %get3A_7 = arith.constant 0 : index
    %get3A_8 = vector.load %arg2[%get3A_6, %get3A_7] : memref<2048x128xf32, #tpu.memory_space<vmem>>, vector<2048x128xf32>
    %get3A_9 = arith.constant 128 : index
    %get3A_10 = arith.constant 0 : index
    %get3A_11 = vector.load %arg5[%get3A_9, %get3A_10] : memref<512x256xf32, #tpu.memory_space<vmem>>, vector<128x256xf32>
    %dot_general3A_12 = arith.constant dense<0.000000e+00> : vector<2048x256xf32>
    %dot_general3A_13 = tpu.matmul %get3A_8, %get3A_11, %dot_general3A_12 {dimension_numbers = #tpu.dot_dimension_numbers<[1], [0], [0], [1], [0, 0, 1, 1], [], []>, transpose_lhs_hint = false} : vector<2048x128xf32>, vector<128x256xf32>, vector<2048x256xf32> -> vector<2048x256xf32>
    %add3A = arith.addf %dot_general3A_5, %dot_general3A_13 : vector<2048x256xf32>
    %get3A_14 = arith.constant 0 : index
    %get3A_15 = arith.constant 0 : index
    %get3A_16 = vector.load %arg3[%get3A_14, %get3A_15] : memref<2048x128xf32, #tpu.memory_space<vmem>>, vector<2048x128xf32>
    %get3A_17 = arith.constant 256 : index
    %get3A_18 = arith.constant 0 : index
    %get3A_19 = vector.load %arg5[%get3A_17, %get3A_18] : memref<512x256xf32, #tpu.memory_space<vmem>>, vector<128x256xf32>
    %dot_general3A_20 = arith.constant dense<0.000000e+00> : vector<2048x256xf32>
    %dot_general3A_21 = tpu.matmul %get3A_16, %get3A_19, %dot_general3A_20 {dimension_numbers = #tpu.dot_dimension_numbers<[1], [0], [0], [1], [0, 0, 1, 1], [], []>, transpose_lhs_hint = false} : vector<2048x128xf32>, vector<128x256xf32>, vector<2048x256xf32> -> vector<2048x256xf32>
    %add3A_22 = arith.addf %add3A, %dot_general3A_21 : vector<2048x256xf32>
    %get3A_23 = arith.constant 0 : index
    %get3A_24 = arith.constant 0 : index
    %get3A_25 = vector.load %arg4[%get3A_23, %get3A_24] : memref<2048x128xf32, #tpu.memory_space<vmem>>, vector<2048x128xf32>
    %get3A_26 = arith.constant 384 : index
    %get3A_27 = arith.constant 0 : index
    %get3A_28 = vector.load %arg5[%get3A_26, %get3A_27] : memref<512x256xf32, #tpu.memory_space<vmem>>, vector<128x256xf32>
    %dot_general3A_29 = arith.constant dense<0.000000e+00> : vector<2048x256xf32>
    %dot_general3A_30 = tpu.matmul %get3A_25, %get3A_28, %dot_general3A_29 {dimension_numbers = #tpu.dot_dimension_numbers<[1], [0], [0], [1], [0, 0, 1, 1], [], []>, transpose_lhs_hint = false} : vector<2048x128xf32>, vector<128x256xf32>, vector<2048x256xf32> -> vector<2048x256xf32>
    %add3A_31 = arith.addf %add3A_22, %dot_general3A_30 : vector<2048x256xf32>
    %eq3A = arith.constant 0 : i32
    %eq3A_32 = arith.cmpi eq, %arg0, %eq3A : i32
    %convert_element_type3A = arith.extui %eq3A_32 : i1 to i32
    %cond3A = arith.constant 0 : i32
    %cond3A_33 = arith.cmpi ne, %convert_element_type3A, %cond3A : i32
    scf.if %cond3A_33 {
      %broadcast_in_dim3A_54 = arith.constant 0.000000e+00 : f32
      %broadcast_in_dim3A_55 = vector.broadcast %broadcast_in_dim3A_54 : f32 to vector<1x256xf32>
      %swap3A_56 = arith.constant 0 : index
      %swap3A_57 = arith.constant 0 : index
      %swap3A_58 = vector.load %arg7[%swap3A_56, %swap3A_57] : memref<1x256xf32, #tpu.memory_space<vmem>>, vector<1x256xf32>
      tpu.vector_store %arg7[%swap3A_56, %swap3A_57], %broadcast_in_dim3A_55 {strides = array<i32>} : memref<1x256xf32, #tpu.memory_space<vmem>>, vector<1x256xf32>,
      %broadcast_in_dim3A_59 = arith.constant 0.000000e+00 : f32
      %broadcast_in_dim3A_60 = vector.broadcast %broadcast_in_dim3A_59 : f32 to vector<256x256xf32>
      %swap3A_61 = arith.constant 0 : index
      %swap3A_62 = arith.constant 0 : index
      %swap3A_63 = vector.load %arg8[%swap3A_61, %swap3A_62] : memref<256x256xf32, #tpu.memory_space<vmem>>, vector<256x256xf32>
      tpu.vector_store %arg8[%swap3A_61, %swap3A_62], %broadcast_in_dim3A_60 {strides = array<i32>} : memref<256x256xf32, #tpu.memory_space<vmem>>, vector<256x256xf32>,
    } else {
    }
    %get3A_34 = arith.constant 0 : index
    %get3A_35 = arith.constant 0 : index
    %get3A_36 = vector.load %arg7[%get3A_34, %get3A_35] : memref<1x256xf32, #tpu.memory_space<vmem>>, vector<1x256xf32>
    %reduce_sum3A = arith.constant dense<0.000000e+00> : vector<256xf32>
    %reduce_sum3A_37 = vector.multi_reduction <add>, %add3A_31, %reduce_sum3A [0] : vector<2048x256xf32> to vector<256xf32>
    %broadcast_in_dim3A = vector.shape_cast %reduce_sum3A_37 : vector<256xf32> to vector<1x256xf32>
    %add3A_38 = arith.addf %get3A_36, %broadcast_in_dim3A : vector<1x256xf32>
    %swap3A = arith.constant 0 : index
    %swap3A_39 = arith.constant 0 : index
    %swap3A_40 = vector.load %arg7[%swap3A, %swap3A_39] : memref<1x256xf32, #tpu.memory_space<vmem>>, vector<1x256xf32>
    tpu.vector_store %arg7[%swap3A, %swap3A_39], %add3A_38 {strides = array<i32>} : memref<1x256xf32, #tpu.memory_space<vmem>>, vector<1x256xf32>,
    %get3A_41 = arith.constant 0 : index
    %get3A_42 = arith.constant 0 : index
    %get3A_43 = vector.load %arg8[%get3A_41, %get3A_42] : memref<256x256xf32, #tpu.memory_space<vmem>>, vector<256x256xf32>
    %dot_general3A_44 = arith.constant dense<0.000000e+00> : vector<256x256xf32>
    %dot_general3A_45 = tpu.matmul %add3A_31, %add3A_31, %dot_general3A_44 {dimension_numbers = #tpu.dot_dimension_numbers<[0], [0], [1], [1], [0, 1, 1, 1], [], []>, transpose_lhs_hint = false} : vector<2048x256xf32>, vector<2048x256xf32>, vector<256x256xf32> -> vector<256x256xf32>
    %add3A_46 = arith.addf %get3A_43, %dot_general3A_45 : vector<256x256xf32>
    %swap3A_47 = arith.constant 0 : index
    %swap3A_48 = arith.constant 0 : index
    %swap3A_49 = vector.load %arg8[%swap3A_47, %swap3A_48] : memref<256x256xf32, #tpu.memory_space<vmem>>, vector<256x256xf32>
    tpu.vector_store %arg8[%swap3A_47, %swap3A_48], %add3A_46 {strides = array<i32>} : memref<256x256xf32, #tpu.memory_space<vmem>>, vector<256x256xf32>,
    %convert_element_type3A_50 = arith.truncf %add3A_31 : vector<2048x256xf32> to vector<2048x256xbf16>
    %swap3A_51 = arith.constant 0 : index
    %swap3A_52 = arith.constant 0 : index
    %swap3A_53 = vector.load %arg9[%swap3A_51, %swap3A_52] : memref<2048x256xbf16, #tpu.memory_space<vmem>>, vector<2048x256xbf16>
    tpu.vector_store %arg9[%swap3A_51, %swap3A_52], %convert_element_type3A_50 {strides = array<i32>} : memref<2048x256xbf16, #tpu.memory_space<vmem>>, vector<2048x256xbf16>,
    return
  }
  func.func @transform_0(%arg0: i32) -> (i32, i32) {
    %c0_i32 = arith.constant 0 : i32
    %c0_i32_0 = arith.constant 0 : i32
    return %arg0, %c0_i32 : i32, i32
  }
  func.func @transform_1(%arg0: i32) -> (i32, i32) {
    %c0_i32 = arith.constant 0 : i32
    %c0_i32_0 = arith.constant 0 : i32
    return %arg0, %c0_i32 : i32, i32
  }
  func.func @transform_2(%arg0: i32) -> (i32, i32) {
    %c0_i32 = arith.constant 0 : i32
    %c0_i32_0 = arith.constant 0 : i32
    return %arg0, %c0_i32 : i32, i32
  }
  func.func @transform_3(%arg0: i32) -> (i32, i32) {
    %c0_i32 = arith.constant 0 : i32
    %c0_i32_0 = arith.constant 0 : i32
    return %arg0, %c0_i32 : i32, i32
  }
  func.func @transform_4(%arg0: i32) -> (i32, i32) {
    %c0_i32 = arith.constant 0 : i32
    %c0_i32_0 = arith.constant 0 : i32
    %c0_i32_1 = arith.constant 0 : i32
    return %c0_i32, %c0_i32_0 : i32, i32
  }
  func.func @transform_6(%arg0: i32) -> (i32, i32) {
    %c0_i32 = arith.constant 0 : i32
    %c0_i32_0 = arith.constant 0 : i32
    %c0_i32_1 = arith.constant 0 : i32
    return %c0_i32, %c0_i32_0 : i32, i32
  }
  func.func @transform_7(%arg0: i32) -> (i32, i32) {
    %c0_i32 = arith.constant 0 : i32
    %c0_i32_0 = arith.constant 0 : i32
    %c0_i32_1 = arith.constant 0 : i32
    return %c0_i32, %c0_i32_0 : i32, i32
  }
  func.func @transform_8(%arg0: i32) -> (i32, i32) {
    %add3A = arith.constant 4 : i32
    %add3A_0 = arith.addi %add3A, %arg0 : i32
    %c0_i32 = arith.constant 0 : i32
    %c0_i32_1 = arith.constant 0 : i32
    return %add3A_0, %c0_i32 : i32, i32
  }
}

module attributes {stable_mosaic.version = 14 : i64} {
  func.func @_moments_body(%arg0: i32, %arg1: memref<2048x128xf32, #tpu.memory_space<vmem>>, %arg2: memref<2048x128xf32, #tpu.memory_space<vmem>>, %arg3: memref<2048x128xf32, #tpu.memory_space<vmem>>, %arg4: memref<2048x128xf32, #tpu.memory_space<vmem>>, %arg5: memref<512x256xf32, #tpu.memory_space<vmem>>, %arg6: memref<16384x256xbf16, #tpu.memory_space<hbm>>, %arg7: memref<1x256xf32, #tpu.memory_space<vmem>>, %arg8: memref<256x256xf32, #tpu.memory_space<vmem>>, %arg9: memref<2048x256xbf16, #tpu.memory_space<vmem>>) attributes {dimension_semantics = [#tpu.dimension_semantics<arbitrary>], iteration_bounds = array<i64: 2>, scalar_prefetch = 0 : i64, scratch_operands = 0 : i64, tpu.core_type = #tpu.core_type<tc>, window_params = [{transform_indices = @transform_0, window_bounds = array<i64: 2048, 128>}, {transform_indices = @transform_1, window_bounds = array<i64: 2048, 128>}, {transform_indices = @transform_2, window_bounds = array<i64: 2048, 128>}, {transform_indices = @transform_3, window_bounds = array<i64: 2048, 128>}, {pipeline_mode = #tpu.pipeline_mode<synchronous>, transform_indices = @transform_4, window_bounds = array<i64: 512, 256>}, {}, {pipeline_mode = #tpu.pipeline_mode<synchronous>, transform_indices = @transform_6, window_bounds = array<i64: 1, 256>}, {pipeline_mode = #tpu.pipeline_mode<synchronous>, transform_indices = @transform_7, window_bounds = array<i64: 256, 256>}, {transform_indices = @transform_8, window_bounds = array<i64: 2048, 256>}]} {
    %get3A = arith.constant 0 : index
    %get3A_0 = arith.constant 0 : index
    %get3A_1 = vector.load %arg1[%get3A, %get3A_0] : memref<2048x128xf32, #tpu.memory_space<vmem>>, vector<2048x128xf32>
    %get3A_2 = arith.constant 0 : index
    %get3A_3 = arith.constant 0 : index
    %get3A_4 = vector.load %arg5[%get3A_2, %get3A_3] : memref<512x256xf32, #tpu.memory_space<vmem>>, vector<128x256xf32>
    %dot_general3A = arith.constant dense<0.000000e+00> : vector<2048x256xf32>
    %dot_general3A_5 = tpu.matmul %get3A_1, %get3A_4, %dot_general3A {dimension_numbers = #tpu.dot_dimension_numbers<[1], [0], [0], [1], [0, 0, 1, 1], [], []>, transpose_lhs_hint = false} : vector<2048x128xf32>, vector<128x256xf32>, vector<2048x256xf32> -> vector<2048x256xf32>
    %get3A_6 = arith.constant 0 : index
    %get3A_7 = arith.constant 0 : index
    %get3A_8 = vector.load %arg2[%get3A_6, %get3A_7] : memref<2048x128xf32, #tpu.memory_space<vmem>>, vector<2048x128xf32>
    %get3A_9 = arith.constant 128 : index
    %get3A_10 = arith.constant 0 : index
    %get3A_11 = vector.load %arg5[%get3A_9, %get3A_10] : memref<512x256xf32, #tpu.memory_space<vmem>>, vector<128x256xf32>
    %dot_general3A_12 = arith.constant dense<0.000000e+00> : vector<2048x256xf32>
    %dot_general3A_13 = tpu.matmul %get3A_8, %get3A_11, %dot_general3A_12 {dimension_numbers = #tpu.dot_dimension_numbers<[1], [0], [0], [1], [0, 0, 1, 1], [], []>, transpose_lhs_hint = false} : vector<2048x128xf32>, vector<128x256xf32>, vector<2048x256xf32> -> vector<2048x256xf32>
    %add3A = arith.addf %dot_general3A_5, %dot_general3A_13 : vector<2048x256xf32>
    %get3A_14 = arith.constant 0 : index
    %get3A_15 = arith.constant 0 : index
    %get3A_16 = vector.load %arg3[%get3A_14, %get3A_15] : memref<2048x128xf32, #tpu.memory_space<vmem>>, vector<2048x128xf32>
    %get3A_17 = arith.constant 256 : index
    %get3A_18 = arith.constant 0 : index
    %get3A_19 = vector.load %arg5[%get3A_17, %get3A_18] : memref<512x256xf32, #tpu.memory_space<vmem>>, vector<128x256xf32>
    %dot_general3A_20 = arith.constant dense<0.000000e+00> : vector<2048x256xf32>
    %dot_general3A_21 = tpu.matmul %get3A_16, %get3A_19, %dot_general3A_20 {dimension_numbers = #tpu.dot_dimension_numbers<[1], [0], [0], [1], [0, 0, 1, 1], [], []>, transpose_lhs_hint = false} : vector<2048x128xf32>, vector<128x256xf32>, vector<2048x256xf32> -> vector<2048x256xf32>
    %add3A_22 = arith.addf %add3A, %dot_general3A_21 : vector<2048x256xf32>
    %get3A_23 = arith.constant 0 : index
    %get3A_24 = arith.constant 0 : index
    %get3A_25 = vector.load %arg4[%get3A_23, %get3A_24] : memref<2048x128xf32, #tpu.memory_space<vmem>>, vector<2048x128xf32>
    %get3A_26 = arith.constant 384 : index
    %get3A_27 = arith.constant 0 : index
    %get3A_28 = vector.load %arg5[%get3A_26, %get3A_27] : memref<512x256xf32, #tpu.memory_space<vmem>>, vector<128x256xf32>
    %dot_general3A_29 = arith.constant dense<0.000000e+00> : vector<2048x256xf32>
    %dot_general3A_30 = tpu.matmul %get3A_25, %get3A_28, %dot_general3A_29 {dimension_numbers = #tpu.dot_dimension_numbers<[1], [0], [0], [1], [0, 0, 1, 1], [], []>, transpose_lhs_hint = false} : vector<2048x128xf32>, vector<128x256xf32>, vector<2048x256xf32> -> vector<2048x256xf32>
    %add3A_31 = arith.addf %add3A_22, %dot_general3A_30 : vector<2048x256xf32>
    %eq3A = arith.constant 0 : i32
    %eq3A_32 = arith.cmpi eq, %arg0, %eq3A : i32
    %convert_element_type3A = arith.extui %eq3A_32 : i1 to i32
    %cond3A = arith.constant 0 : i32
    %cond3A_33 = arith.cmpi ne, %convert_element_type3A, %cond3A : i32
    scf.if %cond3A_33 {
      %broadcast_in_dim3A_54 = arith.constant 0.000000e+00 : f32
      %broadcast_in_dim3A_55 = vector.broadcast %broadcast_in_dim3A_54 : f32 to vector<1x256xf32>
      %swap3A_56 = arith.constant 0 : index
      %swap3A_57 = arith.constant 0 : index
      %swap3A_58 = vector.load %arg7[%swap3A_56, %swap3A_57] : memref<1x256xf32, #tpu.memory_space<vmem>>, vector<1x256xf32>
      tpu.vector_store %arg7[%swap3A_56, %swap3A_57], %broadcast_in_dim3A_55 {strides = array<i32>} : memref<1x256xf32, #tpu.memory_space<vmem>>, vector<1x256xf32>,
      %broadcast_in_dim3A_59 = arith.constant 0.000000e+00 : f32
      %broadcast_in_dim3A_60 = vector.broadcast %broadcast_in_dim3A_59 : f32 to vector<256x256xf32>
      %swap3A_61 = arith.constant 0 : index
      %swap3A_62 = arith.constant 0 : index
      %swap3A_63 = vector.load %arg8[%swap3A_61, %swap3A_62] : memref<256x256xf32, #tpu.memory_space<vmem>>, vector<256x256xf32>
      tpu.vector_store %arg8[%swap3A_61, %swap3A_62], %broadcast_in_dim3A_60 {strides = array<i32>} : memref<256x256xf32, #tpu.memory_space<vmem>>, vector<256x256xf32>,
    } else {
    }
    %get3A_34 = arith.constant 0 : index
    %get3A_35 = arith.constant 0 : index
    %get3A_36 = vector.load %arg7[%get3A_34, %get3A_35] : memref<1x256xf32, #tpu.memory_space<vmem>>, vector<1x256xf32>
    %reduce_sum3A = arith.constant dense<0.000000e+00> : vector<256xf32>
    %reduce_sum3A_37 = vector.multi_reduction <add>, %add3A_31, %reduce_sum3A [0] : vector<2048x256xf32> to vector<256xf32>
    %broadcast_in_dim3A = vector.shape_cast %reduce_sum3A_37 : vector<256xf32> to vector<1x256xf32>
    %add3A_38 = arith.addf %get3A_36, %broadcast_in_dim3A : vector<1x256xf32>
    %swap3A = arith.constant 0 : index
    %swap3A_39 = arith.constant 0 : index
    %swap3A_40 = vector.load %arg7[%swap3A, %swap3A_39] : memref<1x256xf32, #tpu.memory_space<vmem>>, vector<1x256xf32>
    tpu.vector_store %arg7[%swap3A, %swap3A_39], %add3A_38 {strides = array<i32>} : memref<1x256xf32, #tpu.memory_space<vmem>>, vector<1x256xf32>,
    %get3A_41 = arith.constant 0 : index
    %get3A_42 = arith.constant 0 : index
    %get3A_43 = vector.load %arg8[%get3A_41, %get3A_42] : memref<256x256xf32, #tpu.memory_space<vmem>>, vector<256x256xf32>
    %dot_general3A_44 = arith.constant dense<0.000000e+00> : vector<256x256xf32>
    %dot_general3A_45 = tpu.matmul %add3A_31, %add3A_31, %dot_general3A_44 {dimension_numbers = #tpu.dot_dimension_numbers<[0], [0], [1], [1], [0, 1, 1, 1], [], []>, transpose_lhs_hint = false} : vector<2048x256xf32>, vector<2048x256xf32>, vector<256x256xf32> -> vector<256x256xf32>
    %add3A_46 = arith.addf %get3A_43, %dot_general3A_45 : vector<256x256xf32>
    %swap3A_47 = arith.constant 0 : index
    %swap3A_48 = arith.constant 0 : index
    %swap3A_49 = vector.load %arg8[%swap3A_47, %swap3A_48] : memref<256x256xf32, #tpu.memory_space<vmem>>, vector<256x256xf32>
    tpu.vector_store %arg8[%swap3A_47, %swap3A_48], %add3A_46 {strides = array<i32>} : memref<256x256xf32, #tpu.memory_space<vmem>>, vector<256x256xf32>,
    %convert_element_type3A_50 = arith.truncf %add3A_31 : vector<2048x256xf32> to vector<2048x256xbf16>
    %swap3A_51 = arith.constant 0 : index
    %swap3A_52 = arith.constant 0 : index
    %swap3A_53 = vector.load %arg9[%swap3A_51, %swap3A_52] : memref<2048x256xbf16, #tpu.memory_space<vmem>>, vector<2048x256xbf16>
    tpu.vector_store %arg9[%swap3A_51, %swap3A_52], %convert_element_type3A_50 {strides = array<i32>} : memref<2048x256xbf16, #tpu.memory_space<vmem>>, vector<2048x256xbf16>,
    return
  }
  func.func @transform_0(%arg0: i32) -> (i32, i32) {
    %c0_i32 = arith.constant 0 : i32
    %c0_i32_0 = arith.constant 0 : i32
    return %arg0, %c0_i32 : i32, i32
  }
  func.func @transform_1(%arg0: i32) -> (i32, i32) {
    %c0_i32 = arith.constant 0 : i32
    %c0_i32_0 = arith.constant 0 : i32
    return %arg0, %c0_i32 : i32, i32
  }
  func.func @transform_2(%arg0: i32) -> (i32, i32) {
    %c0_i32 = arith.constant 0 : i32
    %c0_i32_0 = arith.constant 0 : i32
    return %arg0, %c0_i32 : i32, i32
  }
  func.func @transform_3(%arg0: i32) -> (i32, i32) {
    %c0_i32 = arith.constant 0 : i32
    %c0_i32_0 = arith.constant 0 : i32
    return %arg0, %c0_i32 : i32, i32
  }
  func.func @transform_4(%arg0: i32) -> (i32, i32) {
    %c0_i32 = arith.constant 0 : i32
    %c0_i32_0 = arith.constant 0 : i32
    %c0_i32_1 = arith.constant 0 : i32
    return %c0_i32, %c0_i32_0 : i32, i32
  }
  func.func @transform_6(%arg0: i32) -> (i32, i32) {
    %c0_i32 = arith.constant 0 : i32
    %c0_i32_0 = arith.constant 0 : i32
    %c0_i32_1 = arith.constant 0 : i32
    return %c0_i32, %c0_i32_0 : i32, i32
  }
  func.func @transform_7(%arg0: i32) -> (i32, i32) {
    %c0_i32 = arith.constant 0 : i32
    %c0_i32_0 = arith.constant 0 : i32
    %c0_i32_1 = arith.constant 0 : i32
    return %c0_i32, %c0_i32_0 : i32, i32
  }
  func.func @transform_8(%arg0: i32) -> (i32, i32) {
    %add3A = arith.constant 6 : i32
    %add3A_0 = arith.addi %add3A, %arg0 : i32
    %c0_i32 = arith.constant 0 : i32
    %c0_i32_1 = arith.constant 0 : i32
    return %add3A_0, %c0_i32 : i32, i32
  }
}

module attributes {stable_mosaic.version = 14 : i64} {
  func.func @_output_body(%arg0: i32, %arg1: memref<4096x256xbf16, #tpu.memory_space<vmem>>, %arg2: memref<1x256xf32, #tpu.memory_space<vmem>>, %arg3: memref<1x256xf32, #tpu.memory_space<vmem>>, %arg4: memref<1x256xf32, #tpu.memory_space<vmem>>, %arg5: memref<1x256xf32, #tpu.memory_space<vmem>>, %arg6: memref<256x256xf32, #tpu.memory_space<vmem>>, %arg7: memref<256x256xf32, #tpu.memory_space<vmem>>, %arg8: memref<256x256xf32, #tpu.memory_space<vmem>>, %arg9: memref<256x256xf32, #tpu.memory_space<vmem>>, %arg10: memref<1x256xf32, #tpu.memory_space<vmem>>, %arg11: memref<1x256xf32, #tpu.memory_space<vmem>>, %arg12: memref<256x128xf32, #tpu.memory_space<vmem>>, %arg13: memref<1x128xf32, #tpu.memory_space<vmem>>, %arg14: memref<1x128xf32, #tpu.memory_space<vmem>>, %arg15: memref<128x2xf32, #tpu.memory_space<vmem>>, %arg16: memref<1x2xf32, #tpu.memory_space<vmem>>, %arg17: memref<1x2xf32, #tpu.memory_space<vmem>>, %arg18: memref<2x4096xf32, #tpu.memory_space<vmem>>, %arg19: memref<256x2xf32, #tpu.memory_space<vmem>>, %arg20: memref<2x1xf32, #tpu.memory_space<vmem>>) attributes {dimension_semantics = [#tpu.dimension_semantics<arbitrary>], iteration_bounds = array<i64: 4>, scalar_prefetch = 0 : i64, scratch_operands = 2 : i64, tpu.core_type = #tpu.core_type<tc>, window_params = [{transform_indices = @transform_0, window_bounds = array<i64: 4096, 256>}, {pipeline_mode = #tpu.pipeline_mode<synchronous>, transform_indices = @transform_1, window_bounds = array<i64: 1, 256>}, {pipeline_mode = #tpu.pipeline_mode<synchronous>, transform_indices = @transform_2, window_bounds = array<i64: 1, 256>}, {pipeline_mode = #tpu.pipeline_mode<synchronous>, transform_indices = @transform_3, window_bounds = array<i64: 1, 256>}, {pipeline_mode = #tpu.pipeline_mode<synchronous>, transform_indices = @transform_4, window_bounds = array<i64: 1, 256>}, {pipeline_mode = #tpu.pipeline_mode<synchronous>, transform_indices = @transform_5, window_bounds = array<i64: 256, 256>}, {pipeline_mode = #tpu.pipeline_mode<synchronous>, transform_indices = @transform_6, window_bounds = array<i64: 256, 256>}, {pipeline_mode = #tpu.pipeline_mode<synchronous>, transform_indices = @transform_7, window_bounds = array<i64: 256, 256>}, {pipeline_mode = #tpu.pipeline_mode<synchronous>, transform_indices = @transform_8, window_bounds = array<i64: 256, 256>}, {pipeline_mode = #tpu.pipeline_mode<synchronous>, transform_indices = @transform_9, window_bounds = array<i64: 1, 256>}, {pipeline_mode = #tpu.pipeline_mode<synchronous>, transform_indices = @transform_10, window_bounds = array<i64: 1, 256>}, {pipeline_mode = #tpu.pipeline_mode<synchronous>, transform_indices = @transform_11, window_bounds = array<i64: 256, 128>}, {pipeline_mode = #tpu.pipeline_mode<synchronous>, transform_indices = @transform_12, window_bounds = array<i64: 1, 128>}, {pipeline_mode = #tpu.pipeline_mode<synchronous>, transform_indices = @transform_13, window_bounds = array<i64: 1, 128>}, {pipeline_mode = #tpu.pipeline_mode<synchronous>, transform_indices = @transform_14, window_bounds = array<i64: 128, 2>}, {pipeline_mode = #tpu.pipeline_mode<synchronous>, transform_indices = @transform_15, window_bounds = array<i64: 1, 2>}, {pipeline_mode = #tpu.pipeline_mode<synchronous>, transform_indices = @transform_16, window_bounds = array<i64: 1, 2>}, {transform_indices = @transform_17, window_bounds = array<i64: 2, 4096>}]} {
    %eq3A = arith.constant 0 : i32
    %eq3A_0 = arith.cmpi eq, %arg0, %eq3A : i32
    %convert_element_type3A = arith.extui %eq3A_0 : i1 to i32
    %cond3A = arith.constant 0 : i32
    %cond3A_1 = arith.cmpi ne, %convert_element_type3A, %cond3A : i32
    scf.if %cond3A_1 {
      %get3A_20 = arith.constant 0 : index
      %get3A_21 = arith.constant 0 : index
      %get3A_22 = vector.load %arg2[%get3A_20, %get3A_21] : memref<1x256xf32, #tpu.memory_space<vmem>>, vector<1x256xf32>
      %add3A_23 = arith.constant 0.000000e+00 : f32
      %add3A_24 = vector.broadcast %add3A_23 : f32 to vector<1x256xf32>
      %add3A_25 = arith.addf %add3A_24, %get3A_22 : vector<1x256xf32>
      %get3A_26 = arith.constant 0 : index
      %get3A_27 = arith.constant 0 : index
      %get3A_28 = vector.load %arg3[%get3A_26, %get3A_27] : memref<1x256xf32, #tpu.memory_space<vmem>>, vector<1x256xf32>
      %add3A_29 = arith.addf %add3A_25, %get3A_28 : vector<1x256xf32>
      %get3A_30 = arith.constant 0 : index
      %get3A_31 = arith.constant 0 : index
      %get3A_32 = vector.load %arg4[%get3A_30, %get3A_31] : memref<1x256xf32, #tpu.memory_space<vmem>>, vector<1x256xf32>
      %add3A_33 = arith.addf %add3A_29, %get3A_32 : vector<1x256xf32>
      %get3A_34 = arith.constant 0 : index
      %get3A_35 = arith.constant 0 : index
      %get3A_36 = vector.load %arg5[%get3A_34, %get3A_35] : memref<1x256xf32, #tpu.memory_space<vmem>>, vector<1x256xf32>
      %add3A_37 = arith.addf %add3A_33, %get3A_36 : vector<1x256xf32>
      %get3A_38 = arith.constant 0 : index
      %get3A_39 = arith.constant 0 : index
      %get3A_40 = vector.load %arg6[%get3A_38, %get3A_39] : memref<256x256xf32, #tpu.memory_space<vmem>>, vector<256x256xf32>
      %add3A_41 = arith.constant 0.000000e+00 : f32
      %add3A_42 = vector.broadcast %add3A_41 : f32 to vector<256x256xf32>
      %add3A_43 = arith.addf %add3A_42, %get3A_40 : vector<256x256xf32>
      %get3A_44 = arith.constant 0 : index
      %get3A_45 = arith.constant 0 : index
      %get3A_46 = vector.load %arg7[%get3A_44, %get3A_45] : memref<256x256xf32, #tpu.memory_space<vmem>>, vector<256x256xf32>
      %add3A_47 = arith.addf %add3A_43, %get3A_46 : vector<256x256xf32>
      %get3A_48 = arith.constant 0 : index
      %get3A_49 = arith.constant 0 : index
      %get3A_50 = vector.load %arg8[%get3A_48, %get3A_49] : memref<256x256xf32, #tpu.memory_space<vmem>>, vector<256x256xf32>
      %add3A_51 = arith.addf %add3A_47, %get3A_50 : vector<256x256xf32>
      %get3A_52 = arith.constant 0 : index
      %get3A_53 = arith.constant 0 : index
      %get3A_54 = vector.load %arg9[%get3A_52, %get3A_53] : memref<256x256xf32, #tpu.memory_space<vmem>>, vector<256x256xf32>
      %add3A_55 = arith.addf %add3A_51, %get3A_54 : vector<256x256xf32>
      %get3A_56 = arith.constant 0 : index
      %get3A_57 = arith.constant 0 : index
      %get3A_58 = vector.load %arg10[%get3A_56, %get3A_57] : memref<1x256xf32, #tpu.memory_space<vmem>>, vector<1x256xf32>
      %get3A_59 = arith.constant 0 : index
      %get3A_60 = arith.constant 0 : index
      %get3A_61 = vector.load %arg11[%get3A_59, %get3A_60] : memref<1x256xf32, #tpu.memory_space<vmem>>, vector<1x256xf32>
      %get3A_62 = arith.constant 0 : index
      %get3A_63 = arith.constant 0 : index
      %get3A_64 = vector.load %arg12[%get3A_62, %get3A_63] : memref<256x128xf32, #tpu.memory_space<vmem>>, vector<256x128xf32>
      %get3A_65 = arith.constant 0 : index
      %get3A_66 = arith.constant 0 : index
      %get3A_67 = vector.load %arg13[%get3A_65, %get3A_66] : memref<1x128xf32, #tpu.memory_space<vmem>>, vector<1x128xf32>
      %get3A_68 = arith.constant 0 : index
      %get3A_69 = arith.constant 0 : index
      %get3A_70 = vector.load %arg14[%get3A_68, %get3A_69] : memref<1x128xf32, #tpu.memory_space<vmem>>, vector<1x128xf32>
      %get3A_71 = arith.constant 0 : index
      %get3A_72 = arith.constant 0 : index
      %get3A_73 = vector.load %arg15[%get3A_71, %get3A_72] : memref<128x2xf32, #tpu.memory_space<vmem>>, vector<128x2xf32>
      %get3A_74 = arith.constant 0 : index
      %get3A_75 = arith.constant 0 : index
      %get3A_76 = vector.load %arg16[%get3A_74, %get3A_75] : memref<1x2xf32, #tpu.memory_space<vmem>>, vector<1x2xf32>
      %get3A_77 = arith.constant 0 : index
      %get3A_78 = arith.constant 0 : index
      %get3A_79 = vector.load %arg17[%get3A_77, %get3A_78] : memref<1x2xf32, #tpu.memory_space<vmem>>, vector<1x2xf32>
      %div3A = arith.constant 1.638400e+04 : f32
      %div3A_80 = vector.broadcast %div3A : f32 to vector<1x256xf32>
      %div3A_81 = arith.divf %add3A_37, %div3A_80 : vector<1x256xf32>
      %div3A_82 = arith.constant 1.638400e+04 : f32
      %div3A_83 = vector.broadcast %div3A_82 : f32 to vector<256x256xf32>
      %div3A_84 = arith.divf %add3A_55, %div3A_83 : vector<256x256xf32>
      %broadcast_in_dim3A = vector.shape_cast %div3A_81 : vector<1x256xf32> to vector<1x256xf32>
      %broadcast_in_dim3A_85 = vector.broadcast %broadcast_in_dim3A : vector<1x256xf32> to vector<256x256xf32>
      %iota3A = tpu.iota {dimensions = array<i32: 0>} : vector<256x256xi32>
      %iota3A_86 = tpu.iota {dimensions = array<i32: 1>} : vector<256x256xi32>
      %eq3A_87 = arith.cmpi eq, %iota3A, %iota3A_86 : vector<256x256xi32>
      %jit3A = arith.constant 0.000000e+00 : f32
      %broadcast_in_dim3A_88 = vector.broadcast %jit3A : f32 to vector<256x256xf32>
      %select_n3A = arith.select %eq3A_87, %broadcast_in_dim3A_85, %broadcast_in_dim3A_88 : vector<256x256xi1>, vector<256x256xf32>
      %reduce_sum3A = arith.constant dense<0.000000e+00> : vector<256xf32>
      %reduce_sum3A_89 = vector.multi_reduction <add>, %select_n3A, %reduce_sum3A [1] : vector<256x256xf32> to vector<256xf32>
      %broadcast_in_dim3A_90 = vector.shape_cast %reduce_sum3A_89 : vector<256xf32> to vector<256x1xf32>
      %mul3A = vector.broadcast %broadcast_in_dim3A_90 : vector<256x1xf32> to vector<256x256xf32>
      %mul3A_91 = vector.broadcast %div3A_81 : vector<1x256xf32> to vector<256x256xf32>
      %mul3A_92 = arith.mulf %mul3A, %mul3A_91 : vector<256x256xf32>
      %sub3A = arith.subf %div3A_84, %mul3A_92 : vector<256x256xf32>
      %iota3A_93 = tpu.iota {dimensions = array<i32: 0>} : vector<256x256xi32>
      %iota3A_94 = tpu.iota {dimensions = array<i32: 1>} : vector<256x256xi32>
      %eq3A_95 = arith.cmpi eq, %iota3A_93, %iota3A_94 : vector<256x256xi32>
      %jit3A_96 = arith.constant 0.000000e+00 : f32
      %broadcast_in_dim3A_97 = vector.broadcast %jit3A_96 : f32 to vector<256x256xf32>
      %select_n3A_98 = arith.select %eq3A_95, %sub3A, %broadcast_in_dim3A_97 : vector<256x256xi1>, vector<256x256xf32>
      %reduce_sum3A_99 = arith.constant dense<0.000000e+00> : vector<256xf32>
      %reduce_sum3A_100 = vector.multi_reduction <add>, %select_n3A_98, %reduce_sum3A_99 [0] : vector<256x256xf32> to vector<256xf32>
      %broadcast_in_dim3A_101 = vector.shape_cast %reduce_sum3A_100 : vector<256xf32> to vector<1x256xf32>
      %add3A_102 = arith.constant 9.99999974E-6 : f32
      %add3A_103 = vector.broadcast %add3A_102 : f32 to vector<1x256xf32>
      %add3A_104 = arith.addf %broadcast_in_dim3A_101, %add3A_103 : vector<1x256xf32>
      %rsqrt3A = math.rsqrt %add3A_104 : vector<1x256xf32>
      %mul3A_105 = arith.mulf %get3A_58, %rsqrt3A : vector<1x256xf32>
      %mul3A_106 = arith.mulf %div3A_81, %mul3A_105 : vector<1x256xf32>
      %sub3A_107 = arith.subf %get3A_61, %mul3A_106 : vector<1x256xf32>
      %broadcast_in_dim3A_108 = vector.shape_cast %mul3A_105 : vector<1x256xf32> to vector<1x256xf32>
      %broadcast_in_dim3A_109 = vector.broadcast %broadcast_in_dim3A_108 : vector<1x256xf32> to vector<256x256xf32>
      %iota3A_110 = tpu.iota {dimensions = array<i32: 0>} : vector<256x256xi32>
      %iota3A_111 = tpu.iota {dimensions = array<i32: 1>} : vector<256x256xi32>
      %eq3A_112 = arith.cmpi eq, %iota3A_110, %iota3A_111 : vector<256x256xi32>
      %jit3A_113 = arith.constant 0.000000e+00 : f32
      %broadcast_in_dim3A_114 = vector.broadcast %jit3A_113 : f32 to vector<256x256xf32>
      %select_n3A_115 = arith.select %eq3A_112, %broadcast_in_dim3A_109, %broadcast_in_dim3A_114 : vector<256x256xi1>, vector<256x256xf32>
      %reduce_sum3A_116 = arith.constant dense<0.000000e+00> : vector<256xf32>
      %reduce_sum3A_117 = vector.multi_reduction <add>, %select_n3A_115, %reduce_sum3A_116 [1] : vector<256x256xf32> to vector<256xf32>
      %broadcast_in_dim3A_118 = vector.shape_cast %reduce_sum3A_117 : vector<256xf32> to vector<256x1xf32>
      %mul3A_119 = vector.broadcast %broadcast_in_dim3A_118 : vector<256x1xf32> to vector<256x256xf32>
      %mul3A_120 = vector.broadcast %mul3A_105 : vector<1x256xf32> to vector<256x256xf32>
      %mul3A_121 = arith.mulf %mul3A_119, %mul3A_120 : vector<256x256xf32>
      %mul3A_122 = arith.mulf %sub3A, %mul3A_121 : vector<256x256xf32>
      %dot_general3A_123 = arith.constant dense<0.000000e+00> : vector<256x128xf32>
      %dot_general3A_124 = tpu.matmul %mul3A_122, %get3A_64, %dot_general3A_123 {dimension_numbers = #tpu.dot_dimension_numbers<[1], [0], [0], [1], [0, 0, 1, 1], [], []>, transpose_lhs_hint = false} : vector<256x256xf32>, vector<256x128xf32>, vector<256x128xf32> -> vector<256x128xf32>
      %mul3A_125 = arith.mulf %get3A_64, %dot_general3A_124 : vector<256x128xf32>
      %reduce_sum3A_126 = arith.constant dense<0.000000e+00> : vector<128xf32>
      %reduce_sum3A_127 = vector.multi_reduction <add>, %mul3A_125, %reduce_sum3A_126 [0] : vector<256x128xf32> to vector<128xf32>
      %broadcast_in_dim3A_128 = vector.shape_cast %reduce_sum3A_127 : vector<128xf32> to vector<1x128xf32>
      %mul3A_129 = arith.mulf %div3A_81, %mul3A_105 : vector<1x256xf32>
      %add3A_130 = arith.addf %mul3A_129, %sub3A_107 : vector<1x256xf32>
      %dot_general3A_131 = arith.constant dense<0.000000e+00> : vector<1x128xf32>
      %dot_general3A_132 = tpu.matmul %add3A_130, %get3A_64, %dot_general3A_131 {dimension_numbers = #tpu.dot_dimension_numbers<[1], [0], [0], [1], [0, 0, 1, 1], [], []>, transpose_lhs_hint = false} : vector<1x256xf32>, vector<256x128xf32>, vector<1x128xf32> -> vector<1x128xf32>
      %add3A_133 = arith.constant 9.99999974E-6 : f32
      %add3A_134 = vector.broadcast %add3A_133 : f32 to vector<1x128xf32>
      %add3A_135 = arith.addf %broadcast_in_dim3A_128, %add3A_134 : vector<1x128xf32>
      %rsqrt3A_136 = math.rsqrt %add3A_135 : vector<1x128xf32>
      %mul3A_137 = arith.mulf %get3A_67, %rsqrt3A_136 : vector<1x128xf32>
      %mul3A_138 = arith.mulf %dot_general3A_132, %mul3A_137 : vector<1x128xf32>
      %sub3A_139 = arith.subf %get3A_70, %mul3A_138 : vector<1x128xf32>
      %dot_general3A_140 = arith.constant dense<0.000000e+00> : vector<128x128xf32>
      %dot_general3A_141 = tpu.matmul %get3A_64, %dot_general3A_124, %dot_general3A_140 {dimension_numbers = #tpu.dot_dimension_numbers<[0], [0], [1], [1], [0, 1, 1, 1], [], []>, transpose_lhs_hint = false} : vector<256x128xf32>, vector<256x128xf32>, vector<128x128xf32> -> vector<128x128xf32>
      %broadcast_in_dim3A_142 = vector.shape_cast %mul3A_137 : vector<1x128xf32> to vector<1x128xf32>
      %broadcast_in_dim3A_143 = vector.broadcast %broadcast_in_dim3A_142 : vector<1x128xf32> to vector<128x128xf32>
      %iota3A_144 = tpu.iota {dimensions = array<i32: 0>} : vector<128x128xi32>
      %iota3A_145 = tpu.iota {dimensions = array<i32: 1>} : vector<128x128xi32>
      %eq3A_146 = arith.cmpi eq, %iota3A_144, %iota3A_145 : vector<128x128xi32>
      %jit3A_147 = arith.constant 0.000000e+00 : f32
      %broadcast_in_dim3A_148 = vector.broadcast %jit3A_147 : f32 to vector<128x128xf32>
      %select_n3A_149 = arith.select %eq3A_146, %broadcast_in_dim3A_143, %broadcast_in_dim3A_148 : vector<128x128xi1>, vector<128x128xf32>
      %reduce_sum3A_150 = arith.constant dense<0.000000e+00> : vector<128xf32>
      %reduce_sum3A_151 = vector.multi_reduction <add>, %select_n3A_149, %reduce_sum3A_150 [1] : vector<128x128xf32> to vector<128xf32>
      %broadcast_in_dim3A_152 = vector.shape_cast %reduce_sum3A_151 : vector<128xf32> to vector<128x1xf32>
      %mul3A_153 = vector.broadcast %broadcast_in_dim3A_152 : vector<128x1xf32> to vector<128x128xf32>
      %mul3A_154 = vector.broadcast %mul3A_137 : vector<1x128xf32> to vector<128x128xf32>
      %mul3A_155 = arith.mulf %mul3A_153, %mul3A_154 : vector<128x128xf32>
      %mul3A_156 = arith.mulf %dot_general3A_141, %mul3A_155 : vector<128x128xf32>
      %dot_general3A_157 = arith.constant dense<0.000000e+00> : vector<128x2xf32>
      %dot_general3A_158 = tpu.matmul %mul3A_156, %get3A_73, %dot_general3A_157 {dimension_numbers = #tpu.dot_dimension_numbers<[1], [0], [0], [1], [0, 0, 1, 1], [], []>, transpose_lhs_hint = false} : vector<128x128xf32>, vector<128x2xf32>, vector<128x2xf32> -> vector<128x2xf32>
      %mul3A_159 = arith.mulf %get3A_73, %dot_general3A_158 : vector<128x2xf32>
      %reduce_sum3A_160 = arith.constant dense<0.000000e+00> : vector<2xf32>
      %reduce_sum3A_161 = vector.multi_reduction <add>, %mul3A_159, %reduce_sum3A_160 [0] : vector<128x2xf32> to vector<2xf32>
      %broadcast_in_dim3A_162 = vector.shape_cast %reduce_sum3A_161 : vector<2xf32> to vector<1x2xf32>
      %mul3A_163 = arith.mulf %dot_general3A_132, %mul3A_137 : vector<1x128xf32>
      %add3A_164 = arith.addf %mul3A_163, %sub3A_139 : vector<1x128xf32>
      %dot_general3A_165 = arith.constant dense<0.000000e+00> : vector<1x2xf32>
      %dot_general3A_166 = tpu.matmul %add3A_164, %get3A_73, %dot_general3A_165 {dimension_numbers = #tpu.dot_dimension_numbers<[1], [0], [0], [1], [0, 0, 1, 1], [], []>, transpose_lhs_hint = false} : vector<1x128xf32>, vector<128x2xf32>, vector<1x2xf32> -> vector<1x2xf32>
      %add3A_167 = arith.constant 9.99999974E-6 : f32
      %add3A_168 = vector.broadcast %add3A_167 : f32 to vector<1x2xf32>
      %add3A_169 = arith.addf %broadcast_in_dim3A_162, %add3A_168 : vector<1x2xf32>
      %rsqrt3A_170 = math.rsqrt %add3A_169 : vector<1x2xf32>
      %mul3A_171 = arith.mulf %get3A_76, %rsqrt3A_170 : vector<1x2xf32>
      %mul3A_172 = arith.mulf %dot_general3A_166, %mul3A_171 : vector<1x2xf32>
      %sub3A_173 = arith.subf %get3A_79, %mul3A_172 : vector<1x2xf32>
      %mul3A_174 = vector.broadcast %broadcast_in_dim3A_118 : vector<256x1xf32> to vector<256x128xf32>
      %mul3A_175 = arith.mulf %mul3A_174, %get3A_64 : vector<256x128xf32>
      %mul3A_176 = vector.broadcast %mul3A_137 : vector<1x128xf32> to vector<256x128xf32>
      %mul3A_177 = arith.mulf %mul3A_175, %mul3A_176 : vector<256x128xf32>
      %dot_general3A_178 = arith.constant dense<0.000000e+00> : vector<256x2xf32>
      %dot_general3A_179 = tpu.matmul %mul3A_177, %get3A_73, %dot_general3A_178 {dimension_numbers = #tpu.dot_dimension_numbers<[1], [0], [0], [1], [0, 0, 1, 1], [], []>, transpose_lhs_hint = false} : vector<256x128xf32>, vector<128x2xf32>, vector<256x2xf32> -> vector<256x2xf32>
      %mul3A_180 = vector.broadcast %mul3A_171 : vector<1x2xf32> to vector<256x2xf32>
      %mul3A_181 = arith.mulf %dot_general3A_179, %mul3A_180 : vector<256x2xf32>
      %dot_general3A_182 = arith.constant dense<0.000000e+00> : vector<1x128xf32>
      %dot_general3A_183 = tpu.matmul %sub3A_107, %get3A_64, %dot_general3A_182 {dimension_numbers = #tpu.dot_dimension_numbers<[1], [0], [0], [1], [0, 0, 1, 1], [], []>, transpose_lhs_hint = false} : vector<1x256xf32>, vector<256x128xf32>, vector<1x128xf32> -> vector<1x128xf32>
      %mul3A_184 = arith.mulf %dot_general3A_183, %mul3A_137 : vector<1x128xf32>
      %add3A_185 = arith.addf %mul3A_184, %sub3A_139 : vector<1x128xf32>
      %dot_general3A_186 = arith.constant dense<0.000000e+00> : vector<1x2xf32>
      %dot_general3A_187 = tpu.matmul %add3A_185, %get3A_73, %dot_general3A_186 {dimension_numbers = #tpu.dot_dimension_numbers<[1], [0], [0], [1], [0, 0, 1, 1], [], []>, transpose_lhs_hint = false} : vector<1x128xf32>, vector<128x2xf32>, vector<1x2xf32> -> vector<1x2xf32>
      %mul3A_188 = arith.mulf %dot_general3A_187, %mul3A_171 : vector<1x2xf32>
      %add3A_189 = arith.addf %mul3A_188, %sub3A_173 : vector<1x2xf32>
      %broadcast_in_dim3A_190 = vector.shape_cast %add3A_189 : vector<1x2xf32> to vector<1x2xf32>
      %broadcast_in_dim3A_191 = vector.broadcast %broadcast_in_dim3A_190 : vector<1x2xf32> to vector<2x2xf32>
      %iota3A_192 = tpu.iota {dimensions = array<i32: 0>} : vector<2x2xi32>
      %iota3A_193 = tpu.iota {dimensions = array<i32: 1>} : vector<2x2xi32>
      %eq3A_194 = arith.cmpi eq, %iota3A_192, %iota3A_193 : vector<2x2xi32>
      %jit3A_195 = arith.constant 0.000000e+00 : f32
      %broadcast_in_dim3A_196 = vector.broadcast %jit3A_195 : f32 to vector<2x2xf32>
      %select_n3A_197 = arith.select %eq3A_194, %broadcast_in_dim3A_191, %broadcast_in_dim3A_196 : vector<2x2xi1>, vector<2x2xf32>
      %reduce_sum3A_198 = arith.constant dense<0.000000e+00> : vector<2xf32>
      %reduce_sum3A_199 = vector.multi_reduction <add>, %select_n3A_197, %reduce_sum3A_198 [1] : vector<2x2xf32> to vector<2xf32>
      %broadcast_in_dim3A_200 = vector.shape_cast %reduce_sum3A_199 : vector<2xf32> to vector<2x1xf32>
      %swap3A_201 = arith.constant 0 : index
      %swap3A_202 = arith.constant 0 : index
      %swap3A_203 = vector.load %arg19[%swap3A_201, %swap3A_202] : memref<256x2xf32, #tpu.memory_space<vmem>>, vector<256x2xf32>
      tpu.vector_store %arg19[%swap3A_201, %swap3A_202], %mul3A_181 {strides = array<i32>} : memref<256x2xf32, #tpu.memory_space<vmem>>, vector<256x2xf32>,
      %swap3A_204 = arith.constant 0 : index
      %swap3A_205 = arith.constant 0 : index
      %swap3A_206 = vector.load %arg20[%swap3A_204, %swap3A_205] : memref<2x1xf32, #tpu.memory_space<vmem>>, vector<2x1xf32>
      tpu.vector_store %arg20[%swap3A_204, %swap3A_205], %broadcast_in_dim3A_200 {strides = array<i32>} : memref<2x1xf32, #tpu.memory_space<vmem>>, vector<2x1xf32>,
    } else {
    }
    %get3A = arith.constant 0 : index
    %get3A_2 = arith.constant 0 : index
    %get3A_3 = vector.load %arg19[%get3A, %get3A_2] : memref<256x2xf32, #tpu.memory_space<vmem>>, vector<256x2xf32>
    %get3A_4 = arith.constant 0 : index
    %get3A_5 = arith.constant 0 : index
    %get3A_6 = vector.load %arg1[%get3A_4, %get3A_5] : memref<4096x256xbf16, #tpu.memory_space<vmem>>, vector<4096x256xbf16>
    %convert_element_type3A_7 = arith.extf %get3A_6 : vector<4096x256xbf16> to vector<4096x256xf32>
    %dot_general3A = arith.constant dense<0.000000e+00> : vector<2x4096xf32>
    %dot_general3A_8 = tpu.matmul %get3A_3, %convert_element_type3A_7, %dot_general3A {dimension_numbers = #tpu.dot_dimension_numbers<[0], [1], [1], [0], [0, 1, 1, 0], [], []>, transpose_lhs_hint = false} : vector<256x2xf32>, vector<4096x256xf32>, vector<2x4096xf32> -> vector<2x4096xf32>
    %get3A_9 = arith.constant 0 : index
    %get3A_10 = arith.constant 0 : index
    %get3A_11 = vector.load %arg20[%get3A_9, %get3A_10] : memref<2x1xf32, #tpu.memory_space<vmem>>, vector<2x1xf32>
    %add3A = vector.broadcast %get3A_11 : vector<2x1xf32> to vector<2x4096xf32>
    %add3A_12 = arith.addf %dot_general3A_8, %add3A : vector<2x4096xf32>
    %logistic3A = arith.negf %add3A_12 : vector<2x4096xf32>
    %logistic3A_13 = math.exp %logistic3A : vector<2x4096xf32>
    %logistic3A_14 = arith.constant 1.000000e+00 : f32
    %logistic3A_15 = vector.broadcast %logistic3A_14 : f32 to vector<2x4096xf32>
    %logistic3A_16 = arith.addf %logistic3A_15, %logistic3A_13 : vector<2x4096xf32>
    %logistic3A_17 = arith.divf %logistic3A_15, %logistic3A_16 : vector<2x4096xf32>
    %swap3A = arith.constant 0 : index
    %swap3A_18 = arith.constant 0 : index
    %swap3A_19 = vector.load %arg18[%swap3A, %swap3A_18] : memref<2x4096xf32, #tpu.memory_space<vmem>>, vector<2x4096xf32>
    tpu.vector_store %arg18[%swap3A, %swap3A_18], %logistic3A_17 {strides = array<i32>} : memref<2x4096xf32, #tpu.memory_space<vmem>>, vector<2x4096xf32>,
    return
  }
  func.func @transform_0(%arg0: i32) -> (i32, i32) {
    %c0_i32 = arith.constant 0 : i32
    %c0_i32_0 = arith.constant 0 : i32
    return %arg0, %c0_i32 : i32, i32
  }
  func.func @transform_1(%arg0: i32) -> (i32, i32) {
    %c0_i32 = arith.constant 0 : i32
    %c0_i32_0 = arith.constant 0 : i32
    %c0_i32_1 = arith.constant 0 : i32
    return %c0_i32, %c0_i32_0 : i32, i32
  }
  func.func @transform_2(%arg0: i32) -> (i32, i32) {
    %c0_i32 = arith.constant 0 : i32
    %c0_i32_0 = arith.constant 0 : i32
    %c0_i32_1 = arith.constant 0 : i32
    return %c0_i32, %c0_i32_0 : i32, i32
  }
  func.func @transform_3(%arg0: i32) -> (i32, i32) {
    %c0_i32 = arith.constant 0 : i32
    %c0_i32_0 = arith.constant 0 : i32
    %c0_i32_1 = arith.constant 0 : i32
    return %c0_i32, %c0_i32_0 : i32, i32
  }
  func.func @transform_4(%arg0: i32) -> (i32, i32) {
    %c0_i32 = arith.constant 0 : i32
    %c0_i32_0 = arith.constant 0 : i32
    %c0_i32_1 = arith.constant 0 : i32
    return %c0_i32, %c0_i32_0 : i32, i32
  }
  func.func @transform_5(%arg0: i32) -> (i32, i32) {
    %c0_i32 = arith.constant 0 : i32
    %c0_i32_0 = arith.constant 0 : i32
    %c0_i32_1 = arith.constant 0 : i32
    return %c0_i32, %c0_i32_0 : i32, i32
  }
  func.func @transform_6(%arg0: i32) -> (i32, i32) {
    %c0_i32 = arith.constant 0 : i32
    %c0_i32_0 = arith.constant 0 : i32
    %c0_i32_1 = arith.constant 0 : i32
    return %c0_i32, %c0_i32_0 : i32, i32
  }
  func.func @transform_7(%arg0: i32) -> (i32, i32) {
    %c0_i32 = arith.constant 0 : i32
    %c0_i32_0 = arith.constant 0 : i32
    %c0_i32_1 = arith.constant 0 : i32
    return %c0_i32, %c0_i32_0 : i32, i32
  }
  func.func @transform_8(%arg0: i32) -> (i32, i32) {
    %c0_i32 = arith.constant 0 : i32
    %c0_i32_0 = arith.constant 0 : i32
    %c0_i32_1 = arith.constant 0 : i32
    return %c0_i32, %c0_i32_0 : i32, i32
  }
  func.func @transform_9(%arg0: i32) -> (i32, i32) {
    %c0_i32 = arith.constant 0 : i32
    %c0_i32_0 = arith.constant 0 : i32
    %c0_i32_1 = arith.constant 0 : i32
    return %c0_i32, %c0_i32_0 : i32, i32
  }
  func.func @transform_10(%arg0: i32) -> (i32, i32) {
    %c0_i32 = arith.constant 0 : i32
    %c0_i32_0 = arith.constant 0 : i32
    %c0_i32_1 = arith.constant 0 : i32
    return %c0_i32, %c0_i32_0 : i32, i32
  }
  func.func @transform_11(%arg0: i32) -> (i32, i32) {
    %c0_i32 = arith.constant 0 : i32
    %c0_i32_0 = arith.constant 0 : i32
    %c0_i32_1 = arith.constant 0 : i32
    return %c0_i32, %c0_i32_0 : i32, i32
  }
  func.func @transform_12(%arg0: i32) -> (i32, i32) {
    %c0_i32 = arith.constant 0 : i32
    %c0_i32_0 = arith.constant 0 : i32
    %c0_i32_1 = arith.constant 0 : i32
    return %c0_i32, %c0_i32_0 : i32, i32
  }
  func.func @transform_13(%arg0: i32) -> (i32, i32) {
    %c0_i32 = arith.constant 0 : i32
    %c0_i32_0 = arith.constant 0 : i32
    %c0_i32_1 = arith.constant 0 : i32
    return %c0_i32, %c0_i32_0 : i32, i32
  }
  func.func @transform_14(%arg0: i32) -> (i32, i32) {
    %c0_i32 = arith.constant 0 : i32
    %c0_i32_0 = arith.constant 0 : i32
    %c0_i32_1 = arith.constant 0 : i32
    return %c0_i32, %c0_i32_0 : i32, i32
  }
  func.func @transform_15(%arg0: i32) -> (i32, i32) {
    %c0_i32 = arith.constant 0 : i32
    %c0_i32_0 = arith.constant 0 : i32
    %c0_i32_1 = arith.constant 0 : i32
    return %c0_i32, %c0_i32_0 : i32, i32
  }
  func.func @transform_16(%arg0: i32) -> (i32, i32) {
    %c0_i32 = arith.constant 0 : i32
    %c0_i32_0 = arith.constant 0 : i32
    %c0_i32_1 = arith.constant 0 : i32
    return %c0_i32, %c0_i32_0 : i32, i32
  }
  func.func @transform_17(%arg0: i32) -> (i32, i32) {
    %c0_i32 = arith.constant 0 : i32
    %c0_i32_0 = arith.constant 0 : i32
    return %c0_i32, %arg0 : i32, i32
  }
}

</mosaic_0001>

<sc_bundles>
// kernel: kernel.11.cloned.1.call-start
scs
__scs_entry_jumppad:
0x0: {  	(pc) =	sbr.rel $0x88, $3  }
0x1: {  	(tag) =	ssettag $0x0;
	lr =	simm.s32 $0x1  }
0x2: {  	[smem:$0x3F90] =	sst lr;
	_ =	strace $0xD0000000  }
0x3: {  	_ = 	snop  }
0x4: {  	_ = 	snop  }
0x5: {  	_ = 	snop  }
0x6: {  	_ = 	snop  }
0x7: {  	_ = 	snop  }
__scs_overlays_trampoline_lowered:
0x8: {  	[smem:$0x3F9F] =	sst s0  }
0x9: {  	[smem:$0x3FA0] =	sst s1  }
0xa: {  	[smem:$0x3FA1] =	sst s2  }
0xb: {  	[smem:$0x3FA2] =	sst s3  }
0xc: {  	[smem:$0x3FA3] =	sst s4  }
0xd: {  	[smem:$0x3FA4] =	sst s5  }
0xe: {  	[smem:$0x3FA5] =	sst s6  }
0xf: {  	[smem:$0x3FA6] =	sst s7  }
0x10: {  	[smem:$0x3FA7] =	sst s8  }
0x11: {  	[smem:$0x3FA8] =	sst s9;
	s0 =	simm.s32 @!p0 $0x0  }
0x12: {  	s1 =	sld [smem:$0x3F8E];
	s0 =	simm.s32 @p0 $0x1  }
0x13: {  	[smem:$0x3FA9] =	sst s0;
	s0 =	simm.s32 @!p1 $0x0  }
0x14: {  	s2 =	sld [smem:$0x3F8D];
	s0 =	simm.s32 @p1 $0x1  }
0x15: {  	[smem:$0x3FAA] =	sst s0;
	s0 =	simm.s32 @!p2 $0x0  }
0x16: {  	s3 =	sld [smem:$0x3FDB];
	s0 =	simm.s32 @p2 $0x1  }
0x17: {  	s4 =	simm.s32 $0x1BF5;
	[smem:$0x3FAC] =	sst s0  }
0x18: {  	s0 =	sld [smem:$0x3F8F];
	_ =	swait.ge [sflag:s4], $0x0  }
0x19: {  	s7 =	sld [smem:$0x3F90]  }
0x1a: {  	s8 =	sadd.s32 $0xFFFFE003, lr  }
0x1b: {  	s9 =	sadd.s32 $0xFFFFFEF7, lr;
	s5 =	simm.s32 $0xFFFFFFFF;
	p2 =	slt.u32 s8, $0xFFFFF086  }
0x1c: {  	p1 =	slt.u32 s9, $0xF7A;
	s5 =	simm.s32 @!p2 $0x0  }
0x1d: {  	s5 =	simm.s32 @p1 $0x1;
	p0 =	seq.s32 s7, s2  }
0x1e: {  	s7 =	smul.u32 @!p0 $0xF7A, s2;
	p2 =	seq.s32 @!p0 s5, $0x0  }
0x1f: {  	s9 =	smul.u32 $0xF7A, s1;
	s8 =	simm.s32 @!p0 $0x1BF5;
	p2 =	por !p2, p0  }
0x20: {  	[sflag:s8] =	ssyncset.s32 @!p0 $0xFFFFF086;
	s6 =	sadd.s32 @!p0 s3, s7;
	s7 =	simm.s32 @!p0 $0x108  }
0x21: {  	s3 =	sadd.s32 s3, s9;
	s6 =	sadd.s32 @!p0 $0x88, s6;
	s7 =	simm.s32 @p2 $0x1082  }
0x22: {  	[simem:s7], [sflag:s8] =	dma.local @!p0 [hbm:s6], $0xF7A  }
0x23: {  	s9 =	sor.u32 $0xD0000000, s2;
	s6 =	simm.s32 $0x108;
	_ =	swait.ge @!p0 [sflag:s8], $0x0  }
0x24: {  	s3 =	sadd.s32 $0x88, s3;
	s6 =	simm.s32 @!p1 $0x1082;
	[sflag:s4] =	ssyncset.s32 $0xFFFFF086  }
0x25: {  	[simem:s6], [sflag:s4] =	dma.local [hbm:s3], $0xF7A  }
0x26: {  	[smem:$0x3F90] =	sst s1;
	(tag) =	ssettag s2;
	_ =	strace s9  }
0x27: {  	s1 =	sld [smem:$0x3FA0]  }
0x28: {  	s2 =	sld [smem:$0x3FA1]  }
0x29: {  	s4 =	sld [smem:$0x3FA3]  }
0x2a: {  	p0 =	seq.s32 s5, $0x0;
	s5 =	sld [smem:$0x3FA4]  }
0x2b: {  	s6 =	sld [smem:$0x3FA5]  }
0x2c: {  	s7 =	sld [smem:$0x3FA6]  }
0x2d: {  	s3 =	simm.s32 $0x108;
	s8 =	sld [smem:$0x3FA7]  }
0x2e: {  	s3 =	simm.s32 @!p0 $0x1082;
	s9 =	sld [smem:$0x3FA8]  }
0x2f: {  	lr =	sadd.s32 s0, s3;
	s0 =	sld [smem:$0x3F9F]  }
0x30: {  	s3 =	sld [smem:$0x3FA2]  }
0x31: {  	[smem:$0x3FAB] =	sst s10  }
0x32: {  	s10 =	sld [smem:$0x3FA9];
	_ =	sdelay $0x3  }
0x33: {  	p0 =	seq.s32 s10, $0x1;
	s10 =	sld [smem:$0x3FAB];
	_ =	sdelay $0x3  }
0x34: {  	[smem:$0x3FAB] =	sst s10  }
0x35: {  	s10 =	sld [smem:$0x3FAA];
	_ =	sdelay $0x3  }
0x36: {  	p1 =	seq.s32 s10, $0x1;
	s10 =	sld [smem:$0x3FAB];
	_ =	sdelay $0x3  }
0x37: {  	[smem:$0x3FAB] =	sst s10  }
0x38: {  	s10 =	sld [smem:$0x3FAC]  }
0x39: {  	_ = 	snop;
	(pc) =	sbr.ind lr, $3  }
0x3a: {  	_ = 	snop  }
0x3b: {  	_ = 	snop  }
0x3c: {  	p2 =	seq.s32 s10, $0x1;
	s10 =	sld [smem:$0x3FAB]  }
0x3d: {  	_ =	shalt  }
0x3e: {  	_ =	shalt  }
0x3f: {  	_ =	shalt  }
0x40: {  	_ =	shalt  }
0x41: {  	_ =	shalt  }
0x42: {  	_ =	shalt  }
0x43: {  	_ =	shalt  }
0x44: {  	_ =	shalt  }
0x45: {  	_ =	shalt  }
0x46: {  	_ =	shalt  }
0x47: {  	_ =	shalt  }
0x48: {  	_ =	shalt  }
0x49: {  	_ =	shalt  }
0x4a: {  	_ =	shalt  }
0x4b: {  	_ =	shalt  }
0x4c: {  	_ =	shalt  }
0x4d: {  	_ =	shalt  }
0x4e: {  	_ =	shalt  }
0x4f: {  	_ =	shalt  }
0x50: {  	_ =	shalt  }
0x51: {  	_ =	shalt  }
0x52: {  	_ =	shalt  }
0x53: {  	_ =	shalt  }
0x54: {  	_ =	shalt  }
0x55: {  	_ =	shalt  }
0x56: {  	_ =	shalt  }
0x57: {  	_ =	shalt  }
0x58: {  	_ =	shalt  }
0x59: {  	_ =	shalt  }
0x5a: {  	_ =	shalt  }
0x5b: {  	_ =	shalt  }
0x5c: {  	_ =	shalt  }
0x5d: {  	_ =	shalt  }
0x5e: {  	_ =	shalt  }
0x5f: {  	_ =	shalt  }
0x60: {  	_ =	shalt  }
0x61: {  	_ =	shalt  }
0x62: {  	_ =	shalt  }
0x63: {  	_ =	shalt  }
0x64: {  	_ =	shalt  }
0x65: {  	_ =	shalt  }
0x66: {  	_ =	shalt  }
0x67: {  	_ =	shalt  }
0x68: {  	_ =	shalt  }
0x69: {  	_ =	shalt  }
0x6a: {  	_ =	shalt  }
0x6b: {  	_ =	shalt  }
0x6c: {  	_ =	shalt  }
0x6d: {  	_ =	shalt  }
0x6e: {  	_ =	shalt  }
0x6f: {  	_ =	shalt  }
0x70: {  	_ =	shalt  }
0x71: {  	_ =	shalt  }
0x72: {  	_ =	shalt  }
0x73: {  	_ =	shalt  }
0x74: {  	_ =	shalt  }
0x75: {  	_ =	shalt  }
0x76: {  	_ =	shalt  }
0x77: {  	_ =	shalt  }
0x78: {  	_ =	shalt  }
0x79: {  	_ =	shalt  }
0x7a: {  	_ =	shalt  }
0x7b: {  	_ =	shalt  }
0x7c: {  	_ =	shalt  }
0x7d: {  	_ =	shalt  }
0x7e: {  	_ =	shalt  }
0x7f: {  	_ =	shalt  }
0x80: {  	_ =	shalt  }
0x81: {  	_ =	shalt  }
0x82: {  	_ =	shalt  }
0x83: {  	_ =	shalt  }
0x84: {  	_ =	shalt  }
0x85: {  	_ =	shalt  }
0x86: {  	_ =	shalt  }
0x87: {  	_ =	shalt  }
.Lfunc_end0:
.L_simem_size_0:
called_computation_lowered:
.L_overlay_start_0:
0x88: {  	s2 =	sld [smem:$0x3FD9]  }
0x89: {  	s3 =	sld [smem:$0x3FFE];
	_ =	sdelay $0x1  }
0x8a: {  	s1 =	srdreg.scid  }
0x8b: {  	s0 =	sand.u32 $0x1, s1  }
0x8c: {  	s17 =	sshll.u32 s0, $0xA;
	s2 =	sadd.s32 s3, s2  }
0x8d: {  	s2 =	sadd.s32 s2, s17  }
0x8e: {  	[smem:$0x3FB7] =	sst s2  }
0x8f: {  	_ = 	snop  }
0x90: {  	s2 =	sld [smem:$0x3FC9]  }
0x91: {  	s18 =	sld [smem:$0x3FC8]  }
0x92: {  	s4 =	sld [smem:$0x3FC7]  }
0x93: {  	s5 =	sld [smem:$0x3FC6]  }
0x94: {  	s6 =	sld [smem:$0x3FC5]  }
0x95: {  	s7 =	sld [smem:$0x3FC4]  }
0x96: {  	s8 =	sld [smem:$0x3FC3]  }
0x97: {  	s9 =	sld [smem:$0x3FC2];
	(tm) =	ssettm $0x1  }
0x98: {  	s10 =	sld [smem:$0x3FFB];
	_ =	sdelay $0x3  }
0x99: {  	_ =	strace s10  }
0x9a: {  	s10 =	sld [smem:$0x3FFC];
	_ =	sdelay $0x3  }
0x9b: {  	_ =	strace s10  }
0x9c: {  	s10 =	sld [smem:$0x3FFD];
	_ =	sdelay $0x3  }
0x9d: {  	_ =	strace s10  }
0x9e: {  	_ =	strace $0x8FFFFFFF  }
0x9f: {  	s19 =	sld [smem:$0x3FDB];
	_ =	sdelay $0x1  }
0xa0: {  	s11 =	simm.s32 $_scs_section_size  }
0xa1: {  	s12 =	simm.s32 $_size__tile_overlayer_lowered;
	s13 =	simm.s32 $_tile_overlayer_lowered  }
0xa2: {  	s22 =	simm.s32 $0x1BFF;
	s21 =	sshll.u32 s13, $0x1;
	s10 =	sadd.s32 s11, s19  }
0xa3: {  	s14 =	simm.s32 $0x0;
	s20 =	sshll.u32 s12, $0x1;
	s12 =	sadd.s32 s21, s10  }
0xa4: {  	[timem:s14], [sflag:s22] =	dma.local [hbm:s12], s20  }
0xa5: {  	_ =	swait.ge [sflag:s22], s20  }
0xa6: {  	s11 =	ssub.s32 $0x0, s20;
	[sflag:s22] =	ssyncset.done $0x0  }
0xa7: {  	[sflag:s22] =	ssyncadd.s32 s11;
	_ =	sdelay $0x1  }
0xa8: {  	s23 =	simm.s32 $0x1B8B  }
0xa9: {  	_ =	swait.ge [sflag:s23], $0x1  }
0xaa: {  	[sflag:s23] =	ssyncset.done $0x0  }
0xab: {  	s25 =	simm.s32 $0x1B8E;
	s24 =	sld [smem:$0x3FFE];
	[sflag:s23] =	ssyncadd.s32 $0xFFFFFFFF  }
0xac: {  	s26 =	simm.s32 $execute0_lowered;
	[smem:$0x3FD2] =	sst s25  }
0xad: {  	s12 =	sshll.u32 s26, $0x1;
	_ =	strace $0x80000046;
	[dreg:$0x1] =	wrdreg $0xFFFFFFFF  }
0xae: {  	s28 =	simm.s32 $_size_execute0_lowered;
	s10 =	sadd.s32 s10, s12;
	[dreg:$0x0] =	wrdreg $0x0  }
0xaf: {  	s12 =	sshll.u32 s28, $0x1;
	[dreg:$0x2] =	wrdreg s10  }
0xb0: {  	[dreg:$0x3] =	wrdreg s12  }
0xb1: {  	[dreg:$0x4] =	wrdreg $0xC0  }
0xb2: {  	_ =	task [dreg:s14], $0x5FFFF  }
0xb3: {  	[dreg:$0x1] =	wrdreg $0xFFFFFFFF  }
0xb4: {  	[dreg:$0x0] =	wrdreg $0x60  }
0xb5: {  	[dreg:$0x2] =	wrdreg s2  }
0xb6: {  	[dreg:$0x3] =	wrdreg s18  }
0xb7: {  	[dreg:$0x4] =	wrdreg s4  }
0xb8: {  	[dreg:$0x5] =	wrdreg s5  }
0xb9: {  	[dreg:$0x6] =	wrdreg s6  }
0xba: {  	[dreg:$0x7] =	wrdreg s7  }
0xbb: {  	[dreg:$0x8] =	wrdreg s8  }
0xbc: {  	[dreg:$0x9] =	wrdreg s9  }
0xbd: {  	[dreg:$0xa] =	wrdreg s24  }
0xbe: {  	[dreg:$0xb] =	wrdreg $0x9  }
0xbf: {  	_ =	task.clear_ibuf [dreg:s14], $0xCFFFF;
	_ =	strace $0x90000046  }
0xc0: {  	s29 =	simm.s32 $0x9;
	_ =	strace $0x80000048  }
0xc1: {  	_ =	swait.ge [sflag:s29], $0x1  }
0xc2: {  	[sflag:s29] =	ssyncadd.s32 $0xFFFFFFFF  }
0xc3: {  	_ =	strace $0x90000048  }
0xc4: {  	_ =	sfence  }
0xc5: {  	s30 =	sld [smem:$0x0];
	_ =	sdelay $0x2  }
0xc6: {  	s31 =	sshll.u32 s1, $0xD;
	s1 =	sshrl.u32 s1, $0x2  }
0xc7: {  	s3 =	sand.u32 $0x4000, s31;
	s1 =	sadd.s32 s1, s30  }
0xc8: {  	s0 =	sor.u32 s3, s0;
	s1 =	sshll.u32 s1, $0x11  }
0xc9: {  	s0 =	sor.u32 s1, s0  }
0xca: {  	s0 =	sadd.s32 $0x8F2B, s0  }
0xcb: {  	[sflag:s0] =	ssyncadd.remote.s32 $0x1  }
0xcc: {  	_ =	sfence.sel $0xFFFF  }
0xcd: {  	[dreg:$0x0] =	wrdreg $0xFFFFFFFF;
	(pc) =	sbr.abs _section_cstart, $3  }
0xce: {  	[dreg:$0x1] =	wrdreg $0xFFFFFFFF  }
0xcf: {  	_ =	task.clear_ibuf [dreg:s14], $0x2FFFF;
	_ =	strace $0x9FFFFFFF  }
0xd0: {  	(tm) =	ssettm $0x7FFFFFFF  }
0xd1: {  	_ =	shalt  }
tec
execute0_lowered:
.L_overlay_start_1:
0x0: {  	(tag) =	ssettag $0x1  }
0x1: {  	s4 =	rddreg [dreg:$0x0]  }
0x2: {  	s5 =	rddreg [dreg:$0x1]  }
0x3: {  	s7 =	rddreg [dreg:$0x2]  }
0x4: {  	s9 =	rddreg [dreg:$0x3]  }
0x5: {  	s0 =	rddreg [dreg:$0x4]  }
0x6: {  	s24 =	rddreg [dreg:$0x5]  }
0x7: {  	s25 =	rddreg [dreg:$0x6]  }
0x8: {  	s1 =	srdreg.scid;
	s2 =	rddreg [dreg:$0x7]  }
0x9: {  	s26 =	stileid.u32;
	[dreg:$0xa] =	wrdreg s0;
	s1 =	sand.u32 $0x1, s1  }
0xa: {  	[dreg:$0xb] =	wrdreg s24;
	s6 =	sshll.u32 s26, $0x8;
	s8 =	sshll.u32 s1, $0x7  }
0xb: {  	s3 =	simm.s32 $0x0;
	[dreg:$0xc] =	wrdreg s25;
	s21 =	sor.u32 s8, s6  }
0xc: {  	[smem:$0x7FF] =	sst s3;
	s10 =	sshrl.u32 s21, $0x3  }
0xd: {  	s20 =	rddreg [dreg:$0x8];
	_ =	strace $0x80000047;
	s4 =	sadd.s32 s4, s10  }
0xe: {  	[tilespmem:s3], [sflag:$0x1] =	stream.linear.gather [hbm4b:s4+s3], $0x80, $0x38;
	[tilespmem:$0x10200] =	vst v63  }
0xf: {  	s6 =	simm.s32 $0x80;
	s5 =	sadd.s32 s5, s10  }
0x10: {  	[tilespmem:s6], [sflag:$0x2] =	stream.linear.gather [hbm4b:s5+s3], $0x80, $0x38;
	[tilespmem:$0x10200] =	vst v63  }
0x11: {  	s8 =	simm.s32 $0x100;
	s7 =	sadd.s32 s7, s10  }
0x12: {  	[tilespmem:s8], [sflag:$0x3] =	stream.linear.gather [hbm4b:s7+s3], $0x80, $0x38;
	[tilespmem:$0x10200] =	vst v63  }
0x13: {  	s11 =	simm.s32 $0x1;
	s9 =	sadd.s32 s9, s10;
	s10 =	simm.s32 $0x180  }
0x14: {  	[tilespmem:s10], [sflag:$0x4] =	stream.linear.gather [hbm4b:s9+s3], $0x80, $0x38;
	[tilespmem:$0x10200] =	vst v63  }
0x15: {  	_ =	swait.ge [sflag:s11], $0x80  }
0x16: {  	s12 =	simm.s32 $0x200;
	[sflag:s11] =	ssyncset.done $0x0  }
0x17: {  	s13 =	simm.s32 $0x2;
	s14 =	rddreg [dreg:$0xa];
	[sflag:s11] =	ssyncadd.s32 $0xFFFFFF80  }
0x18: {  	[tilespmem:s12], [sflag:$0x5] =	stream.indirect.gather [hbm4b:s14+s6], $0x80, s3, s6, $0xb8;
	[tilespmem:$0x10200] =	vst v63  }
0x19: {  	_ =	swait.ge [sflag:s13], $0x80  }
0x1a: {  	s15 =	simm.s32 $0x3;
	[sflag:s13] =	ssyncset.done $0x0  }
0x1b: {  	s14 =	simm.s32 $0x4200;
	s16 =	rddreg [dreg:$0xb];
	[sflag:s13] =	ssyncadd.s32 $0xFFFFFF80  }
0x1c: {  	[tilespmem:s14], [sflag:$0x6] =	stream.indirect.gather [hbm4b:s16+s6], $0x80, s6, s6, $0xb8;
	[tilespmem:$0x10200] =	vst v63  }
0x1d: {  	_ =	swait.ge [sflag:s15], $0x80  }
0x1e: {  	s17 =	simm.s32 $0x4;
	[sflag:s15] =	ssyncset.done $0x0  }
0x1f: {  	s16 =	simm.s32 $0x8200;
	s18 =	rddreg [dreg:$0xc];
	[sflag:s15] =	ssyncadd.s32 $0xFFFFFF80  }
0x20: {  	[tilespmem:s16], [sflag:$0x7] =	stream.indirect.gather [hbm4b:s18+s6], $0x80, s8, s6, $0xb8;
	[tilespmem:$0x10200] =	vst v63  }
0x21: {  	_ =	swait.ge [sflag:s17], $0x80  }
0x22: {  	[sflag:s17] =	ssyncset.done $0x0  }
0x23: {  	s19 =	simm.s32 $0x5;
	s18 =	simm.s32 $0xC200;
	[sflag:s17] =	ssyncadd.s32 $0xFFFFFF80  }
0x24: {  	[tilespmem:s18], [sflag:$0x8] =	stream.indirect.gather [hbm4b:s2+s6], $0x80, s10, s6, $0xb8;
	[tilespmem:$0x10200] =	vst v63  }
0x25: {  	s21 =	sshll.u32 s21, $0x4;
	_ =	swait.ge [sflag:s19], $0x4000  }
0x26: {  	s26 =	sadd.s32 s21, s20;
	[sflag:s19] =	ssyncset.done $0x0  }
0x27: {  	s21 =	simm.s32 $0x6;
	s20 =	sadd.s32 $0x5A00, s26;
	[sflag:s19] =	ssyncadd.s32 $0xFFFFC000  }
0x28: {  	[hbm4b:s20+s3] =	stream.linear.scatter [tilespmem:s12], [sflag:$0x9], $0x4000, $0x38;
	[tilespmem:$0x10200] =	vst v63  }
0x29: {  	_ =	swait.ge [sflag:s21], $0x4000  }
0x2a: {  	[sflag:s21] =	ssyncset.done $0x0  }
0x2b: {  	s23 =	simm.s32 $0x7;
	s22 =	sadd.s32 $0x15A00, s26;
	[sflag:s21] =	ssyncadd.s32 $0xFFFFC000  }
0x2c: {  	[hbm4b:s22+s3] =	stream.linear.scatter [tilespmem:s14], [sflag:$0xA], $0x4000, $0x38;
	[tilespmem:$0x10200] =	vst v63  }
0x2d: {  	_ =	swait.ge [sflag:s23], $0x4000  }
0x2e: {  	[sflag:s23] =	ssyncset.done $0x0  }
0x2f: {  	s25 =	simm.s32 $0x8;
	s24 =	sadd.s32 $0x25A00, s26;
	[sflag:s23] =	ssyncadd.s32 $0xFFFFC000  }
0x30: {  	[hbm4b:s24+s3] =	stream.linear.scatter [tilespmem:s16], [sflag:$0xB], $0x4000, $0x38;
	[tilespmem:$0x10200] =	vst v63  }
0x31: {  	_ =	swait.ge [sflag:s25], $0x4000  }
0x32: {  	[sflag:s25] =	ssyncset.done $0x0  }
0x33: {  	s28 =	simm.s32 $0x9;
	s26 =	sadd.s32 $0x35A00, s26;
	[sflag:s25] =	ssyncadd.s32 $0xFFFFC000  }
0x34: {  	[hbm4b:s26+s3] =	stream.linear.scatter [tilespmem:s18], [sflag:$0xC], $0x4000, $0x38;
	[tilespmem:$0x10200] =	vst v63  }
0x35: {  	_ =	swait.ge [sflag:s28], $0x4000  }
0x36: {  	s1 =	ssub.s32 $0x2, s1;
	[sflag:s28] =	ssyncset.done $0x0  }
0x37: {  	s29 =	simm.s32 $0xA;
	s31 =	sshrl.u32 s1, $0x1;
	[sflag:s28] =	ssyncadd.s32 $0xFFFFC000  }
0x38: {  	s1 =	ssub.s32 s1, s31;
	_ =	swait.ge [sflag:s29], $0x4000  }
0x39: {  	s1 =	smax.u32 s1, $0x1;
	[sflag:s29] =	ssyncset.done $0x0  }
0x3a: {  	s30 =	simm.s32 $0xB;
	p0 =	sne.s32 s1, $0x1;
	[sflag:s29] =	ssyncadd.s32 $0xFFFFC000  }
.Ltmp0:
0x3b: {  	_ =	swait.ge [sflag:s30], $0x4000;
	(pc) =	sbr.rel @!p0 .LBB2_2-.Ltmp0, $4  }
0x3c: {  	[sflag:s30] =	ssyncset.done $0x0  }
0x3d: {  	s31 =	simm.s32 $0xC;
	[sflag:s30] =	ssyncadd.s32 $0xFFFFC000  }
0x3e: {  	_ =	swait.ge [sflag:s31], $0x4000  }
0x3f: {  	s1 =	sadd.s32 $0xFFFFFFFF, s1;
	[sflag:s31] =	ssyncset.done $0x0  }
.LBB2_1:
0x40: {  	[sflag:s31] =	ssyncadd.s32 $0xFFFFC000  }
0x41: {  	[tilespmem:s3], [sflag:$0x1] =	stream.linear.gather [hbm4b:s4+s3], $0x80, $0x38;
	[tilespmem:$0x10200] =	vst v63  }
0x42: {  	_ = 	snop  }
0x43: {  	[tilespmem:s6], [sflag:$0x2] =	stream.linear.gather [hbm4b:s5+s3], $0x80, $0x38;
	[tilespmem:$0x10200] =	vst v63  }
0x44: {  	_ = 	snop  }
0x45: {  	[tilespmem:s8], [sflag:$0x3] =	stream.linear.gather [hbm4b:s7+s3], $0x80, $0x38;
	[tilespmem:$0x10200] =	vst v63  }
0x46: {  	_ = 	snop  }
0x47: {  	[tilespmem:s10], [sflag:$0x4] =	stream.linear.gather [hbm4b:s9+s3], $0x80, $0x38;
	[tilespmem:$0x10200] =	vst v63  }
0x48: {  	_ =	swait.ge [sflag:s11], $0x80  }
0x49: {  	[sflag:s11] =	ssyncset.done $0x0  }
0x4a: {  	s0 =	rddreg [dreg:$0xa];
	[sflag:s11] =	ssyncadd.s32 $0xFFFFFF80  }
0x4b: {  	[tilespmem:s12], [sflag:$0x5] =	stream.indirect.gather [hbm4b:s0+s6], $0x80, s3, s6, $0xb8;
	[tilespmem:$0x10200] =	vst v63  }
0x4c: {  	_ =	swait.ge [sflag:s13], $0x80  }
0x4d: {  	[sflag:s13] =	ssyncset.done $0x0  }
0x4e: {  	s0 =	rddreg [dreg:$0xb];
	[sflag:s13] =	ssyncadd.s32 $0xFFFFFF80  }
0x4f: {  	[tilespmem:s14], [sflag:$0x6] =	stream.indirect.gather [hbm4b:s0+s6], $0x80, s6, s6, $0xb8;
	[tilespmem:$0x10200] =	vst v63  }
0x50: {  	_ =	swait.ge [sflag:s15], $0x80  }
0x51: {  	[sflag:s15] =	ssyncset.done $0x0  }
0x52: {  	s0 =	rddreg [dreg:$0xc];
	[sflag:s15] =	ssyncadd.s32 $0xFFFFFF80  }
0x53: {  	[tilespmem:s16], [sflag:$0x7] =	stream.indirect.gather [hbm4b:s0+s6], $0x80, s8, s6, $0xb8;
	[tilespmem:$0x10200] =	vst v63  }
0x54: {  	_ =	swait.ge [sflag:s17], $0x80  }
0x55: {  	[sflag:s17] =	ssyncset.done $0x0  }
0x56: {  	[sflag:s17] =	ssyncadd.s32 $0xFFFFFF80  }
0x57: {  	[tilespmem:s18], [sflag:$0x8] =	stream.indirect.gather [hbm4b:s2+s6], $0x80, s10, s6, $0xb8;
	[tilespmem:$0x10200] =	vst v63  }
0x58: {  	_ =	swait.ge [sflag:s19], $0x4000  }
0x59: {  	[sflag:s19] =	ssyncset.done $0x0  }
0x5a: {  	[sflag:s19] =	ssyncadd.s32 $0xFFFFC000  }
0x5b: {  	[hbm4b:s20+s3] =	stream.linear.scatter [tilespmem:s12], [sflag:$0x9], $0x4000, $0x38;
	[tilespmem:$0x10200] =	vst v63  }
0x5c: {  	_ =	swait.ge [sflag:s21], $0x4000  }
0x5d: {  	[sflag:s21] =	ssyncset.done $0x0  }
0x5e: {  	[sflag:s21] =	ssyncadd.s32 $0xFFFFC000  }
0x5f: {  	[hbm4b:s22+s3] =	stream.linear.scatter [tilespmem:s14], [sflag:$0xA], $0x4000, $0x38;
	[tilespmem:$0x10200] =	vst v63  }
0x60: {  	_ =	swait.ge [sflag:s23], $0x4000  }
0x61: {  	[sflag:s23] =	ssyncset.done $0x0  }
0x62: {  	[sflag:s23] =	ssyncadd.s32 $0xFFFFC000  }
0x63: {  	[hbm4b:s24+s3] =	stream.linear.scatter [tilespmem:s16], [sflag:$0xB], $0x4000, $0x38;
	[tilespmem:$0x10200] =	vst v63  }
0x64: {  	_ =	swait.ge [sflag:s25], $0x4000  }
0x65: {  	[sflag:s25] =	ssyncset.done $0x0  }
0x66: {  	[sflag:s25] =	ssyncadd.s32 $0xFFFFC000  }
0x67: {  	[hbm4b:s26+s3] =	stream.linear.scatter [tilespmem:s18], [sflag:$0xC], $0x4000, $0x38;
	[tilespmem:$0x10200] =	vst v63  }
0x68: {  	_ =	swait.ge [sflag:s28], $0x4000  }
0x69: {  	[sflag:s28] =	ssyncset.done $0x0  }
0x6a: {  	[sflag:s28] =	ssyncadd.s32 $0xFFFFC000  }
0x6b: {  	_ =	swait.ge [sflag:s29], $0x4000  }
0x6c: {  	[sflag:s29] =	ssyncset.done $0x0  }
0x6d: {  	p0 =	sne.s32 s1, $0x1;
	[sflag:s29] =	ssyncadd.s32 $0xFFFFC000  }
.Ltmp1:
0x6e: {  	_ =	swait.ge [sflag:s30], $0x4000;
	(pc) =	sbr.rel @p0 .LBB2_1-.Ltmp1, $4  }
0x6f: {  	[sflag:s30] =	ssyncset.done $0x0  }
0x70: {  	[sflag:s30] =	ssyncadd.s32 $0xFFFFC000  }
0x71: {  	_ =	swait.ge [sflag:s31], $0x4000  }
0x72: {  	s1 =	sadd.s32 $0xFFFFFFFF, s1;
	[sflag:s31] =	ssyncset.done $0x0  }
.LBB2_2:
0x73: {  	[sflag:s31] =	ssyncadd.s32 $0xFFFFC000  }
0x74: {  	_ =	sfence.sel $0x180000  }
0x75: {  	[bflag:$0x0] =	sbarrier.arrive $0xFFFF  }
0x76: {  	_ =	strace $0x90000047  }
0x77: {  	s0 =	stileid.u32;
	[bflag:$0x2] =	sbarrier.arrive $0xFFFF  }
0x78: {  	p0 =	sne.s32 s0, $0x0;
	s0 =	rddreg [dreg:$0x9]  }
0x79: {  	s0 =	sadd.s32 @!p0 $0x100000, s0  }
0x7a: {  	[sflag:s0] =	ssyncadd.tile.s32 @!p0 $0x1;
	_ =	shalt  }
.Lfunc_end2:
_tile_overlayer_lowered:
.L_overlay_start_2:
0x7b: {  	(tag) =	ssettag $0x2  }
0x7c: {  	s0 =	rddreg [dreg:$0x0];
	s2 =	stileid.u32  }
0x7d: {  	s1 =	rddreg [dreg:$0x1];
	p0 =	sne.s32 s2, $0x0  }
0x7e: {  	s3 =	rddreg [dreg:$0x2];
	[bflag:$0x3] =	sbarrier.arrive $0xFFFF;
	s2 =	simm.s32 @!p0 $0x1C0D  }
0x7f: {  	[timem:s3], [sflag:s2] =	dma.local @!p0 [hbm:s0], s1  }
0x80: {  	s0 =	simm.s32 @!p0 $0xD  }
0x81: {  	_ =	swait.ge @!p0 [sflag:s0], s1  }
0x82: {  	s1 =	ssub.s32 @!p0 $0x0, s1;
	[sflag:s0] =	ssyncset.done @!p0 $0x0  }
0x83: {  	[sflag:s0] =	ssyncadd.s32 @!p0 s1  }
0x84: {  	[bflag:$0x3] =	sbarrier.arrive $0xFFFF  }
0x85: {  	_ =	shalt  }

// kernel: kernel.14.cloned.1.call-start
scs
__scs_entry_jumppad:
0x0: {  	(pc) =	sbr.rel $0x88, $3  }
0x1: {  	(tag) =	ssettag $0x0;
	lr =	simm.s32 $0x1  }
0x2: {  	[smem:$0x3F90] =	sst lr;
	_ =	strace $0xD0000000  }
0x3: {  	_ = 	snop  }
0x4: {  	_ = 	snop  }
0x5: {  	_ = 	snop  }
0x6: {  	_ = 	snop  }
0x7: {  	_ = 	snop  }
__scs_overlays_trampoline_lowered:
0x8: {  	[smem:$0x3F9F] =	sst s0  }
0x9: {  	[smem:$0x3FA0] =	sst s1  }
0xa: {  	[smem:$0x3FA1] =	sst s2  }
0xb: {  	[smem:$0x3FA2] =	sst s3  }
0xc: {  	[smem:$0x3FA3] =	sst s4  }
0xd: {  	[smem:$0x3FA4] =	sst s5  }
0xe: {  	[smem:$0x3FA5] =	sst s6  }
0xf: {  	[smem:$0x3FA6] =	sst s7  }
0x10: {  	[smem:$0x3FA7] =	sst s8  }
0x11: {  	[smem:$0x3FA8] =	sst s9;
	s0 =	simm.s32 @!p0 $0x0  }
0x12: {  	s1 =	sld [smem:$0x3F8E];
	s0 =	simm.s32 @p0 $0x1  }
0x13: {  	[smem:$0x3FA9] =	sst s0;
	s0 =	simm.s32 @!p1 $0x0  }
0x14: {  	s2 =	sld [smem:$0x3F8D];
	s0 =	simm.s32 @p1 $0x1  }
0x15: {  	[smem:$0x3FAA] =	sst s0;
	s0 =	simm.s32 @!p2 $0x0  }
0x16: {  	s3 =	sld [smem:$0x3FDB];
	s0 =	simm.s32 @p2 $0x1  }
0x17: {  	s4 =	simm.s32 $0x1BF5;
	[smem:$0x3FAC] =	sst s0  }
0x18: {  	s0 =	sld [smem:$0x3F8F];
	_ =	swait.ge [sflag:s4], $0x0  }
0x19: {  	s7 =	sld [smem:$0x3F90]  }
0x1a: {  	s8 =	sadd.s32 $0xFFFFE003, lr  }
0x1b: {  	s9 =	sadd.s32 $0xFFFFFEF7, lr;
	s5 =	simm.s32 $0xFFFFFFFF;
	p2 =	slt.u32 s8, $0xFFFFF086  }
0x1c: {  	p1 =	slt.u32 s9, $0xF7A;
	s5 =	simm.s32 @!p2 $0x0  }
0x1d: {  	s5 =	simm.s32 @p1 $0x1;
	p0 =	seq.s32 s7, s2  }
0x1e: {  	s7 =	smul.u32 @!p0 $0xF7A, s2;
	p2 =	seq.s32 @!p0 s5, $0x0  }
0x1f: {  	s9 =	smul.u32 $0xF7A, s1;
	s8 =	simm.s32 @!p0 $0x1BF5;
	p2 =	por !p2, p0  }
0x20: {  	[sflag:s8] =	ssyncset.s32 @!p0 $0xFFFFF086;
	s6 =	sadd.s32 @!p0 s3, s7;
	s7 =	simm.s32 @!p0 $0x108  }
0x21: {  	s3 =	sadd.s32 s3, s9;
	s6 =	sadd.s32 @!p0 $0x88, s6;
	s7 =	simm.s32 @p2 $0x1082  }
0x22: {  	[simem:s7], [sflag:s8] =	dma.local @!p0 [hbm:s6], $0xF7A  }
0x23: {  	s9 =	sor.u32 $0xD0000000, s2;
	s6 =	simm.s32 $0x108;
	_ =	swait.ge @!p0 [sflag:s8], $0x0  }
0x24: {  	s3 =	sadd.s32 $0x88, s3;
	s6 =	simm.s32 @!p1 $0x1082;
	[sflag:s4] =	ssyncset.s32 $0xFFFFF086  }
0x25: {  	[simem:s6], [sflag:s4] =	dma.local [hbm:s3], $0xF7A  }
0x26: {  	[smem:$0x3F90] =	sst s1;
	(tag) =	ssettag s2;
	_ =	strace s9  }
0x27: {  	s1 =	sld [smem:$0x3FA0]  }
0x28: {  	s2 =	sld [smem:$0x3FA1]  }
0x29: {  	s4 =	sld [smem:$0x3FA3]  }
0x2a: {  	p0 =	seq.s32 s5, $0x0;
	s5 =	sld [smem:$0x3FA4]  }
0x2b: {  	s6 =	sld [smem:$0x3FA5]  }
0x2c: {  	s7 =	sld [smem:$0x3FA6]  }
0x2d: {  	s3 =	simm.s32 $0x108;
	s8 =	sld [smem:$0x3FA7]  }
0x2e: {  	s3 =	simm.s32 @!p0 $0x1082;
	s9 =	sld [smem:$0x3FA8]  }
0x2f: {  	lr =	sadd.s32 s0, s3;
	s0 =	sld [smem:$0x3F9F]  }
0x30: {  	s3 =	sld [smem:$0x3FA2]  }
0x31: {  	[smem:$0x3FAB] =	sst s10  }
0x32: {  	s10 =	sld [smem:$0x3FA9];
	_ =	sdelay $0x3  }
0x33: {  	p0 =	seq.s32 s10, $0x1;
	s10 =	sld [smem:$0x3FAB];
	_ =	sdelay $0x3  }
0x34: {  	[smem:$0x3FAB] =	sst s10  }
0x35: {  	s10 =	sld [smem:$0x3FAA];
	_ =	sdelay $0x3  }
0x36: {  	p1 =	seq.s32 s10, $0x1;
	s10 =	sld [smem:$0x3FAB];
	_ =	sdelay $0x3  }
0x37: {  	[smem:$0x3FAB] =	sst s10  }
0x38: {  	s10 =	sld [smem:$0x3FAC]  }
0x39: {  	_ = 	snop;
	(pc) =	sbr.ind lr, $3  }
0x3a: {  	_ = 	snop  }
0x3b: {  	_ = 	snop  }
0x3c: {  	p2 =	seq.s32 s10, $0x1;
	s10 =	sld [smem:$0x3FAB]  }
0x3d: {  	_ =	shalt  }
0x3e: {  	_ =	shalt  }
0x3f: {  	_ =	shalt  }
0x40: {  	_ =	shalt  }
0x41: {  	_ =	shalt  }
0x42: {  	_ =	shalt  }
0x43: {  	_ =	shalt  }
0x44: {  	_ =	shalt  }
0x45: {  	_ =	shalt  }
0x46: {  	_ =	shalt  }
0x47: {  	_ =	shalt  }
0x48: {  	_ =	shalt  }
0x49: {  	_ =	shalt  }
0x4a: {  	_ =	shalt  }
0x4b: {  	_ =	shalt  }
0x4c: {  	_ =	shalt  }
0x4d: {  	_ =	shalt  }
0x4e: {  	_ =	shalt  }
0x4f: {  	_ =	shalt  }
0x50: {  	_ =	shalt  }
0x51: {  	_ =	shalt  }
0x52: {  	_ =	shalt  }
0x53: {  	_ =	shalt  }
0x54: {  	_ =	shalt  }
0x55: {  	_ =	shalt  }
0x56: {  	_ =	shalt  }
0x57: {  	_ =	shalt  }
0x58: {  	_ =	shalt  }
0x59: {  	_ =	shalt  }
0x5a: {  	_ =	shalt  }
0x5b: {  	_ =	shalt  }
0x5c: {  	_ =	shalt  }
0x5d: {  	_ =	shalt  }
0x5e: {  	_ =	shalt  }
0x5f: {  	_ =	shalt  }
0x60: {  	_ =	shalt  }
0x61: {  	_ =	shalt  }
0x62: {  	_ =	shalt  }
0x63: {  	_ =	shalt  }
0x64: {  	_ =	shalt  }
0x65: {  	_ =	shalt  }
0x66: {  	_ =	shalt  }
0x67: {  	_ =	shalt  }
0x68: {  	_ =	shalt  }
0x69: {  	_ =	shalt  }
0x6a: {  	_ =	shalt  }
0x6b: {  	_ =	shalt  }
0x6c: {  	_ =	shalt  }
0x6d: {  	_ =	shalt  }
0x6e: {  	_ =	shalt  }
0x6f: {  	_ =	shalt  }
0x70: {  	_ =	shalt  }
0x71: {  	_ =	shalt  }
0x72: {  	_ =	shalt  }
0x73: {  	_ =	shalt  }
0x74: {  	_ =	shalt  }
0x75: {  	_ =	shalt  }
0x76: {  	_ =	shalt  }
0x77: {  	_ =	shalt  }
0x78: {  	_ =	shalt  }
0x79: {  	_ =	shalt  }
0x7a: {  	_ =	shalt  }
0x7b: {  	_ =	shalt  }
0x7c: {  	_ =	shalt  }
0x7d: {  	_ =	shalt  }
0x7e: {  	_ =	shalt  }
0x7f: {  	_ =	shalt  }
0x80: {  	_ =	shalt  }
0x81: {  	_ =	shalt  }
0x82: {  	_ =	shalt  }
0x83: {  	_ =	shalt  }
0x84: {  	_ =	shalt  }
0x85: {  	_ =	shalt  }
0x86: {  	_ =	shalt  }
0x87: {  	_ =	shalt  }
.Lfunc_end0:
.L_simem_size_0:
called_computation.1_lowered:
.L_overlay_start_0:
0x88: {  	s2 =	sld [smem:$0x3FD9]  }
0x89: {  	s3 =	sld [smem:$0x3FFE];
	_ =	sdelay $0x1  }
0x8a: {  	s1 =	srdreg.scid  }
0x8b: {  	s0 =	sand.u32 $0x1, s1  }
0x8c: {  	s17 =	sshll.u32 s0, $0xA;
	s2 =	sadd.s32 s3, s2  }
0x8d: {  	s2 =	sadd.s32 s2, s17  }
0x8e: {  	[smem:$0x3FB7] =	sst s2  }
0x8f: {  	_ = 	snop  }
0x90: {  	s18 =	sld [smem:$0x3FC9]  }
0x91: {  	s4 =	sld [smem:$0x3FC8]  }
0x92: {  	s5 =	sld [smem:$0x3FC7]  }
0x93: {  	s6 =	sld [smem:$0x3FC6]  }
0x94: {  	s7 =	sld [smem:$0x3FC5]  }
0x95: {  	s8 =	sld [smem:$0x3FC4]  }
0x96: {  	s9 =	sld [smem:$0x3FC3]  }
0x97: {  	s10 =	sld [smem:$0x3FC2];
	(tm) =	ssettm $0x1  }
0x98: {  	s19 =	sld [smem:$0x3FFB];
	_ =	sdelay $0x3  }
0x99: {  	_ =	strace s19  }
0x9a: {  	s2 =	sld [smem:$0x3FFC];
	_ =	sdelay $0x3  }
0x9b: {  	_ =	strace s2  }
0x9c: {  	s2 =	sld [smem:$0x3FFD];
	_ =	sdelay $0x3  }
0x9d: {  	_ =	strace s2  }
0x9e: {  	_ =	strace $0x8FFFFFFF  }
0x9f: {  	s20 =	sld [smem:$0x3FDB];
	_ =	sdelay $0x1  }
0xa0: {  	s11 =	simm.s32 $_scs_section_size  }
0xa1: {  	s12 =	simm.s32 $_size__tile_overlayer_lowered;
	s13 =	simm.s32 $_tile_overlayer_lowered  }
0xa2: {  	s14 =	simm.s32 $0x1BFF;
	s21 =	sshll.u32 s13, $0x1;
	s11 =	sadd.s32 s11, s20  }
0xa3: {  	s22 =	simm.s32 $0x0;
	s12 =	sshll.u32 s12, $0x1;
	s13 =	sadd.s32 s21, s11  }
0xa4: {  	[timem:s22], [sflag:s14] =	dma.local [hbm:s13], s12  }
0xa5: {  	_ =	swait.ge [sflag:s14], s12  }
0xa6: {  	s12 =	ssub.s32 $0x0, s12;
	[sflag:s14] =	ssyncset.done $0x0  }
0xa7: {  	[sflag:s14] =	ssyncadd.s32 s12;
	_ =	sdelay $0x1  }
0xa8: {  	s23 =	simm.s32 $0x1B8B  }
0xa9: {  	_ =	swait.ge [sflag:s23], $0x1  }
0xaa: {  	[sflag:s23] =	ssyncset.done $0x0  }
0xab: {  	[sflag:s23] =	ssyncadd.s32 $0xFFFFFFFF  }
0xac: {  	s12 =	sld [smem:$0x0]  }
0xad: {  	s13 =	sand.u32 $0xFFFFFFFE, s1  }
0xae: {  	p0 =	sne.s32 s1, s13  }
0xaf: {  	s13 =	sshll.u32 @p0 s13, $0xE  }
0xb0: {  	s13 =	sadd.s32 @p0 $0x11B8D, s13;
	s14 =	sshll.u32 @p0 s12, $0x11  }
0xb1: {  	s13 =	sor.u32 @p0 s14, s13  }
0xb2: {  	[sflag:s13] =	ssyncadd.remote.s32 @p0 $0x1;
	_ =	sdelay $0x1  }
0xb3: {  	s13 =	simm.s32 @p0 $0x1B8D  }
0xb4: {  	_ =	swait.eq @p0 [sflag:s13], $0x1  }
0xb5: {  	[sflag:s13] =	ssyncadd.s32 @p0 $0xFFFFFFFF  }
0xb6: {  	s14 =	sshll.u32 @!p0 s1, $0xE  }
0xb7: {  	s14 =	sor.u32 @!p0 $0x4000, s14;
	s13 =	simm.s32 @!p0 $0x1B8D  }
0xb8: {  	s12 =	sshll.u32 @!p0 s12, $0x11;
	s14 =	sadd.s32 @!p0 $0x11B8D, s14;
	_ =	swait.eq @!p0 [sflag:s13], $0x1  }
0xb9: {  	s12 =	sor.u32 @!p0 s12, s14;
	[sflag:s13] =	ssyncadd.s32 @!p0 $0xFFFFFFFF  }
0xba: {  	s25 =	simm.s32 $0x1B8E;
	s24 =	sld [smem:$0x3FFE];
	[sflag:s12] =	ssyncadd.remote.s32 @!p0 $0x1  }
0xbb: {  	s26 =	simm.s32 $execute0_lowered;
	[smem:$0x3FD2] =	sst s25  }
0xbc: {  	s13 =	sshll.u32 s26, $0x1;
	_ =	strace $0x80000049;
	[dreg:$0x1] =	wrdreg $0xFFFFFFFF  }
0xbd: {  	s28 =	simm.s32 $_size_execute0_lowered;
	s11 =	sadd.s32 s11, s13;
	[dreg:$0x0] =	wrdreg $0x0  }
0xbe: {  	s13 =	sshll.u32 s28, $0x1;
	[dreg:$0x2] =	wrdreg s11  }
0xbf: {  	[dreg:$0x3] =	wrdreg s13  }
0xc0: {  	[dreg:$0x4] =	wrdreg $0xC0  }
0xc1: {  	_ =	task [dreg:s22], $0x5FFFF  }
0xc2: {  	[dreg:$0x1] =	wrdreg $0xFFFFFFFF  }
0xc3: {  	[dreg:$0x0] =	wrdreg $0x60  }
0xc4: {  	[dreg:$0x2] =	wrdreg s18  }
0xc5: {  	[dreg:$0x3] =	wrdreg s4  }
0xc6: {  	[dreg:$0x4] =	wrdreg s5  }
0xc7: {  	[dreg:$0x5] =	wrdreg s6  }
0xc8: {  	[dreg:$0x6] =	wrdreg s7  }
0xc9: {  	[dreg:$0x7] =	wrdreg s8  }
0xca: {  	[dreg:$0x8] =	wrdreg s9  }
0xcb: {  	[dreg:$0x9] =	wrdreg s10  }
0xcc: {  	[dreg:$0xa] =	wrdreg s24  }
0xcd: {  	[dreg:$0xb] =	wrdreg $0xA  }
0xce: {  	_ =	task.clear_ibuf [dreg:s22], $0xCFFFF;
	_ =	strace $0x90000049  }
0xcf: {  	s29 =	simm.s32 $0xA;
	_ =	strace $0x8000004B  }
0xd0: {  	_ =	swait.ge [sflag:s29], $0x1  }
0xd1: {  	[sflag:s29] =	ssyncadd.s32 $0xFFFFFFFF  }
0xd2: {  	_ =	strace $0x9000004B  }
0xd3: {  	_ =	sfence  }
0xd4: {  	s30 =	sld [smem:$0x0];
	_ =	sdelay $0x2  }
0xd5: {  	s31 =	sshll.u32 s1, $0xD;
	s1 =	sshrl.u32 s1, $0x2  }
0xd6: {  	s4 =	sand.u32 $0x4000, s31;
	s1 =	sadd.s32 s1, s30  }
0xd7: {  	s0 =	sor.u32 s4, s0;
	s1 =	sshll.u32 s1, $0x11  }
0xd8: {  	s0 =	sor.u32 s1, s0  }
0xd9: {  	s0 =	sadd.s32 $0x8F2B, s0  }
0xda: {  	[sflag:s0] =	ssyncadd.remote.s32 $0x1  }
0xdb: {  	_ =	sfence.sel $0xFFFF  }
0xdc: {  	[dreg:$0x0] =	wrdreg $0xFFFFFFFF;
	(pc) =	sbr.abs _section_cstart, $3  }
0xdd: {  	[dreg:$0x1] =	wrdreg $0xFFFFFFFF  }
0xde: {  	_ =	task.clear_ibuf [dreg:s22], $0x2FFFF;
	_ =	strace $0x9FFFFFFF  }
0xdf: {  	(tm) =	ssettm $0x7FFFFFFF  }
tec
execute0_lowered:
.L_overlay_start_1:
0x0: {  	(tag) =	ssettag $0x1  }
0x1: {  	s4 =	rddreg [dreg:$0x0]  }
0x2: {  	s5 =	rddreg [dreg:$0x1]  }
0x3: {  	s7 =	rddreg [dreg:$0x2]  }
0x4: {  	s9 =	rddreg [dreg:$0x3]  }
0x5: {  	s0 =	rddreg [dreg:$0x4]  }
0x6: {  	s24 =	rddreg [dreg:$0x5]  }
0x7: {  	s25 =	rddreg [dreg:$0x6];
	s1 =	srdreg.scid  }
0x8: {  	s26 =	stileid.u32;
	s2 =	rddreg [dreg:$0x7];
	s1 =	sand.u32 $0x1, s1  }
0x9: {  	[dreg:$0xa] =	wrdreg s0;
	s3 =	sshll.u32 s26, $0x8;
	s6 =	sshll.u32 s1, $0x7  }
0xa: {  	[dreg:$0xb] =	wrdreg s24;
	s21 =	sor.u32 s6, s3  }
0xb: {  	[dreg:$0xc] =	wrdreg s25;
	s3 =	simm.s32 $0x0;
	s6 =	sshrl.u32 s21, $0x3  }
0xc: {  	[smem:$0x7FF] =	sst s3;
	s10 =	sor.u32 $0x200, s6  }
0xd: {  	s20 =	rddreg [dreg:$0x8];
	_ =	strace $0x8000004A;
	s4 =	sadd.s32 s4, s10  }
0xe: {  	[tilespmem:s3], [sflag:$0x1] =	stream.linear.gather [hbm4b:s4+s3], $0x80, $0x38;
	[tilespmem:$0x10200] =	vst v63  }
0xf: {  	s6 =	simm.s32 $0x80;
	s5 =	sadd.s32 s5, s10  }
0x10: {  	[tilespmem:s6], [sflag:$0x2] =	stream.linear.gather [hbm4b:s5+s3], $0x80, $0x38;
	[tilespmem:$0x10200] =	vst v63  }
0x11: {  	s8 =	simm.s32 $0x100;
	s7 =	sadd.s32 s7, s10  }
0x12: {  	[tilespmem:s8], [sflag:$0x3] =	stream.linear.gather [hbm4b:s7+s3], $0x80, $0x38;
	[tilespmem:$0x10200] =	vst v63  }
0x13: {  	s11 =	simm.s32 $0x1;
	s9 =	sadd.s32 s9, s10;
	s10 =	simm.s32 $0x180  }
0x14: {  	[tilespmem:s10], [sflag:$0x4] =	stream.linear.gather [hbm4b:s9+s3], $0x80, $0x38;
	[tilespmem:$0x10200] =	vst v63  }
0x15: {  	_ =	swait.ge [sflag:s11], $0x80  }
0x16: {  	s12 =	simm.s32 $0x200;
	[sflag:s11] =	ssyncset.done $0x0  }
0x17: {  	s13 =	simm.s32 $0x2;
	s14 =	rddreg [dreg:$0xa];
	[sflag:s11] =	ssyncadd.s32 $0xFFFFFF80  }
0x18: {  	[tilespmem:s12], [sflag:$0x5] =	stream.indirect.gather [hbm4b:s14+s6], $0x80, s3, s6, $0xb8;
	[tilespmem:$0x10200] =	vst v63  }
0x19: {  	_ =	swait.ge [sflag:s13], $0x80  }
0x1a: {  	s15 =	simm.s32 $0x3;
	[sflag:s13] =	ssyncset.done $0x0  }
0x1b: {  	s14 =	simm.s32 $0x4200;
	s16 =	rddreg [dreg:$0xb];
	[sflag:s13] =	ssyncadd.s32 $0xFFFFFF80  }
0x1c: {  	[tilespmem:s14], [sflag:$0x6] =	stream.indirect.gather [hbm4b:s16+s6], $0x80, s6, s6, $0xb8;
	[tilespmem:$0x10200] =	vst v63  }
0x1d: {  	_ =	swait.ge [sflag:s15], $0x80  }
0x1e: {  	s17 =	simm.s32 $0x4;
	[sflag:s15] =	ssyncset.done $0x0  }
0x1f: {  	s16 =	simm.s32 $0x8200;
	s18 =	rddreg [dreg:$0xc];
	[sflag:s15] =	ssyncadd.s32 $0xFFFFFF80  }
0x20: {  	[tilespmem:s16], [sflag:$0x7] =	stream.indirect.gather [hbm4b:s18+s6], $0x80, s8, s6, $0xb8;
	[tilespmem:$0x10200] =	vst v63  }
0x21: {  	_ =	swait.ge [sflag:s17], $0x80  }
0x22: {  	[sflag:s17] =	ssyncset.done $0x0  }
0x23: {  	s19 =	simm.s32 $0x5;
	s18 =	simm.s32 $0xC200;
	[sflag:s17] =	ssyncadd.s32 $0xFFFFFF80  }
0x24: {  	[tilespmem:s18], [sflag:$0x8] =	stream.indirect.gather [hbm4b:s2+s6], $0x80, s10, s6, $0xb8;
	[tilespmem:$0x10200] =	vst v63  }
0x25: {  	s21 =	sshll.u32 s21, $0x4;
	_ =	swait.ge [sflag:s19], $0x4000  }
0x26: {  	s26 =	sadd.s32 s21, s20;
	[sflag:s19] =	ssyncset.done $0x0  }
0x27: {  	s21 =	simm.s32 $0x6;
	s20 =	sadd.s32 $0x45A00, s26;
	[sflag:s19] =	ssyncadd.s32 $0xFFFFC000  }
0x28: {  	[hbm4b:s20+s3] =	stream.linear.scatter [tilespmem:s12], [sflag:$0x9], $0x4000, $0x38;
	[tilespmem:$0x10200] =	vst v63  }
0x29: {  	_ =	swait.ge [sflag:s21], $0x4000  }
0x2a: {  	[sflag:s21] =	ssyncset.done $0x0  }
0x2b: {  	s23 =	simm.s32 $0x7;
	s22 =	sadd.s32 $0x55A00, s26;
	[sflag:s21] =	ssyncadd.s32 $0xFFFFC000  }
0x2c: {  	[hbm4b:s22+s3] =	stream.linear.scatter [tilespmem:s14], [sflag:$0xA], $0x4000, $0x38;
	[tilespmem:$0x10200] =	vst v63  }
0x2d: {  	_ =	swait.ge [sflag:s23], $0x4000  }
0x2e: {  	[sflag:s23] =	ssyncset.done $0x0  }
0x2f: {  	s25 =	simm.s32 $0x8;
	s24 =	sadd.s32 $0x65A00, s26;
	[sflag:s23] =	ssyncadd.s32 $0xFFFFC000  }
0x30: {  	[hbm4b:s24+s3] =	stream.linear.scatter [tilespmem:s16], [sflag:$0xB], $0x4000, $0x38;
	[tilespmem:$0x10200] =	vst v63  }
0x31: {  	_ =	swait.ge [sflag:s25], $0x4000  }
0x32: {  	[sflag:s25] =	ssyncset.done $0x0  }
0x33: {  	s28 =	simm.s32 $0x9;
	s26 =	sadd.s32 $0x75A00, s26;
	[sflag:s25] =	ssyncadd.s32 $0xFFFFC000  }
0x34: {  	[hbm4b:s26+s3] =	stream.linear.scatter [tilespmem:s18], [sflag:$0xC], $0x4000, $0x38;
	[tilespmem:$0x10200] =	vst v63  }
0x35: {  	_ =	swait.ge [sflag:s28], $0x4000  }
0x36: {  	s1 =	ssub.s32 $0x2, s1;
	[sflag:s28] =	ssyncset.done $0x0  }
0x37: {  	s29 =	simm.s32 $0xA;
	s31 =	sshrl.u32 s1, $0x1;
	[sflag:s28] =	ssyncadd.s32 $0xFFFFC000  }
0x38: {  	s1 =	ssub.s32 s1, s31;
	_ =	swait.ge [sflag:s29], $0x4000  }
0x39: {  	s1 =	smax.u32 s1, $0x1;
	[sflag:s29] =	ssyncset.done $0x0  }
0x3a: {  	s30 =	simm.s32 $0xB;
	p0 =	sne.s32 s1, $0x1;
	[sflag:s29] =	ssyncadd.s32 $0xFFFFC000  }
.Ltmp0:
0x3b: {  	_ =	swait.ge [sflag:s30], $0x4000;
	(pc) =	sbr.rel @!p0 .LBB2_2-.Ltmp0, $4  }
0x3c: {  	[sflag:s30] =	ssyncset.done $0x0  }
0x3d: {  	s31 =	simm.s32 $0xC;
	[sflag:s30] =	ssyncadd.s32 $0xFFFFC000  }
0x3e: {  	_ =	swait.ge [sflag:s31], $0x4000  }
0x3f: {  	s1 =	sadd.s32 $0xFFFFFFFF, s1;
	[sflag:s31] =	ssyncset.done $0x0  }
.LBB2_1:
0x40: {  	[sflag:s31] =	ssyncadd.s32 $0xFFFFC000  }
0x41: {  	[tilespmem:s3], [sflag:$0x1] =	stream.linear.gather [hbm4b:s4+s3], $0x80, $0x38;
	[tilespmem:$0x10200] =	vst v63  }
0x42: {  	_ = 	snop  }
0x43: {  	[tilespmem:s6], [sflag:$0x2] =	stream.linear.gather [hbm4b:s5+s3], $0x80, $0x38;
	[tilespmem:$0x10200] =	vst v63  }
0x44: {  	_ = 	snop  }
0x45: {  	[tilespmem:s8], [sflag:$0x3] =	stream.linear.gather [hbm4b:s7+s3], $0x80, $0x38;
	[tilespmem:$0x10200] =	vst v63  }
0x46: {  	_ = 	snop  }
0x47: {  	[tilespmem:s10], [sflag:$0x4] =	stream.linear.gather [hbm4b:s9+s3], $0x80, $0x38;
	[tilespmem:$0x10200] =	vst v63  }
0x48: {  	_ =	swait.ge [sflag:s11], $0x80  }
0x49: {  	[sflag:s11] =	ssyncset.done $0x0  }
0x4a: {  	s0 =	rddreg [dreg:$0xa];
	[sflag:s11] =	ssyncadd.s32 $0xFFFFFF80  }
0x4b: {  	[tilespmem:s12], [sflag:$0x5] =	stream.indirect.gather [hbm4b:s0+s6], $0x80, s3, s6, $0xb8;
	[tilespmem:$0x10200] =	vst v63  }
0x4c: {  	_ =	swait.ge [sflag:s13], $0x80  }
0x4d: {  	[sflag:s13] =	ssyncset.done $0x0  }
0x4e: {  	s0 =	rddreg [dreg:$0xb];
	[sflag:s13] =	ssyncadd.s32 $0xFFFFFF80  }
0x4f: {  	[tilespmem:s14], [sflag:$0x6] =	stream.indirect.gather [hbm4b:s0+s6], $0x80, s6, s6, $0xb8;
	[tilespmem:$0x10200] =	vst v63  }
0x50: {  	_ =	swait.ge [sflag:s15], $0x80  }
0x51: {  	[sflag:s15] =	ssyncset.done $0x0  }
0x52: {  	s0 =	rddreg [dreg:$0xc];
	[sflag:s15] =	ssyncadd.s32 $0xFFFFFF80  }
0x53: {  	[tilespmem:s16], [sflag:$0x7] =	stream.indirect.gather [hbm4b:s0+s6], $0x80, s8, s6, $0xb8;
	[tilespmem:$0x10200] =	vst v63  }
0x54: {  	_ =	swait.ge [sflag:s17], $0x80  }
0x55: {  	[sflag:s17] =	ssyncset.done $0x0  }
0x56: {  	[sflag:s17] =	ssyncadd.s32 $0xFFFFFF80  }
0x57: {  	[tilespmem:s18], [sflag:$0x8] =	stream.indirect.gather [hbm4b:s2+s6], $0x80, s10, s6, $0xb8;
	[tilespmem:$0x10200] =	vst v63  }
0x58: {  	_ =	swait.ge [sflag:s19], $0x4000  }
0x59: {  	[sflag:s19] =	ssyncset.done $0x0  }
0x5a: {  	[sflag:s19] =	ssyncadd.s32 $0xFFFFC000  }
0x5b: {  	[hbm4b:s20+s3] =	stream.linear.scatter [tilespmem:s12], [sflag:$0x9], $0x4000, $0x38;
	[tilespmem:$0x10200] =	vst v63  }
0x5c: {  	_ =	swait.ge [sflag:s21], $0x4000  }
0x5d: {  	[sflag:s21] =	ssyncset.done $0x0  }
0x5e: {  	[sflag:s21] =	ssyncadd.s32 $0xFFFFC000  }
0x5f: {  	[hbm4b:s22+s3] =	stream.linear.scatter [tilespmem:s14], [sflag:$0xA], $0x4000, $0x38;
	[tilespmem:$0x10200] =	vst v63  }
0x60: {  	_ =	swait.ge [sflag:s23], $0x4000  }
0x61: {  	[sflag:s23] =	ssyncset.done $0x0  }
0x62: {  	[sflag:s23] =	ssyncadd.s32 $0xFFFFC000  }
0x63: {  	[hbm4b:s24+s3] =	stream.linear.scatter [tilespmem:s16], [sflag:$0xB], $0x4000, $0x38;
	[tilespmem:$0x10200] =	vst v63  }
0x64: {  	_ =	swait.ge [sflag:s25], $0x4000  }
0x65: {  	[sflag:s25] =	ssyncset.done $0x0  }
0x66: {  	[sflag:s25] =	ssyncadd.s32 $0xFFFFC000  }
0x67: {  	[hbm4b:s26+s3] =	stream.linear.scatter [tilespmem:s18], [sflag:$0xC], $0x4000, $0x38;
	[tilespmem:$0x10200] =	vst v63  }
0x68: {  	_ =	swait.ge [sflag:s28], $0x4000  }
0x69: {  	[sflag:s28] =	ssyncset.done $0x0  }
0x6a: {  	[sflag:s28] =	ssyncadd.s32 $0xFFFFC000  }
0x6b: {  	_ =	swait.ge [sflag:s29], $0x4000  }
0x6c: {  	[sflag:s29] =	ssyncset.done $0x0  }
0x6d: {  	p0 =	sne.s32 s1, $0x1;
	[sflag:s29] =	ssyncadd.s32 $0xFFFFC000  }
.Ltmp1:
0x6e: {  	_ =	swait.ge [sflag:s30], $0x4000;
	(pc) =	sbr.rel @p0 .LBB2_1-.Ltmp1, $4  }
0x6f: {  	[sflag:s30] =	ssyncset.done $0x0  }
0x70: {  	[sflag:s30] =	ssyncadd.s32 $0xFFFFC000  }
0x71: {  	_ =	swait.ge [sflag:s31], $0x4000  }
0x72: {  	s1 =	sadd.s32 $0xFFFFFFFF, s1;
	[sflag:s31] =	ssyncset.done $0x0  }
.LBB2_2:
0x73: {  	[sflag:s31] =	ssyncadd.s32 $0xFFFFC000  }
0x74: {  	_ =	sfence.sel $0x180000  }
0x75: {  	[bflag:$0x0] =	sbarrier.arrive $0xFFFF  }
0x76: {  	_ =	strace $0x9000004A  }
0x77: {  	s0 =	stileid.u32;
	[bflag:$0x2] =	sbarrier.arrive $0xFFFF  }
0x78: {  	p0 =	sne.s32 s0, $0x0;
	s0 =	rddreg [dreg:$0x9]  }
0x79: {  	s0 =	sadd.s32 @!p0 $0x100000, s0  }
0x7a: {  	[sflag:s0] =	ssyncadd.tile.s32 @!p0 $0x1;
	_ =	shalt  }
.Lfunc_end2:
_tile_overlayer_lowered:
.L_overlay_start_2:
0x7b: {  	(tag) =	ssettag $0x2  }
0x7c: {  	s0 =	rddreg [dreg:$0x0];
	s2 =	stileid.u32  }
0x7d: {  	s1 =	rddreg [dreg:$0x1];
	p0 =	sne.s32 s2, $0x0  }
0x7e: {  	s3 =	rddreg [dreg:$0x2];
	[bflag:$0x3] =	sbarrier.arrive $0xFFFF;
	s2 =	simm.s32 @!p0 $0x1C0D  }
0x7f: {  	[timem:s3], [sflag:s2] =	dma.local @!p0 [hbm:s0], s1  }
0x80: {  	s0 =	simm.s32 @!p0 $0xD  }
0x81: {  	_ =	swait.ge @!p0 [sflag:s0], s1  }
0x82: {  	s1 =	ssub.s32 @!p0 $0x0, s1;
	[sflag:s0] =	ssyncset.done @!p0 $0x0  }
0x83: {  	[sflag:s0] =	ssyncadd.s32 @!p0 s1  }
0x84: {  	[bflag:$0x3] =	sbarrier.arrive $0xFFFF  }
0x85: {  	_ =	shalt  }

// kernel: kernel.17.cloned.1.call-start
scs
__scs_entry_jumppad:
0x0: {  	(pc) =	sbr.rel $0x88, $3  }
0x1: {  	(tag) =	ssettag $0x0;
	lr =	simm.s32 $0x1  }
0x2: {  	[smem:$0x3F90] =	sst lr;
	_ =	strace $0xD0000000  }
0x3: {  	_ = 	snop  }
0x4: {  	_ = 	snop  }
0x5: {  	_ = 	snop  }
0x6: {  	_ = 	snop  }
0x7: {  	_ = 	snop  }
__scs_overlays_trampoline_lowered:
0x8: {  	[smem:$0x3F9F] =	sst s0  }
0x9: {  	[smem:$0x3FA0] =	sst s1  }
0xa: {  	[smem:$0x3FA1] =	sst s2  }
0xb: {  	[smem:$0x3FA2] =	sst s3  }
0xc: {  	[smem:$0x3FA3] =	sst s4  }
0xd: {  	[smem:$0x3FA4] =	sst s5  }
0xe: {  	[smem:$0x3FA5] =	sst s6  }
0xf: {  	[smem:$0x3FA6] =	sst s7  }
0x10: {  	[smem:$0x3FA7] =	sst s8  }
0x11: {  	[smem:$0x3FA8] =	sst s9;
	s0 =	simm.s32 @!p0 $0x0  }
0x12: {  	s1 =	sld [smem:$0x3F8E];
	s0 =	simm.s32 @p0 $0x1  }
0x13: {  	[smem:$0x3FA9] =	sst s0;
	s0 =	simm.s32 @!p1 $0x0  }
0x14: {  	s2 =	sld [smem:$0x3F8D];
	s0 =	simm.s32 @p1 $0x1  }
0x15: {  	[smem:$0x3FAA] =	sst s0;
	s0 =	simm.s32 @!p2 $0x0  }
0x16: {  	s3 =	sld [smem:$0x3FDB];
	s0 =	simm.s32 @p2 $0x1  }
0x17: {  	s4 =	simm.s32 $0x1BF5;
	[smem:$0x3FAC] =	sst s0  }
0x18: {  	s0 =	sld [smem:$0x3F8F];
	_ =	swait.ge [sflag:s4], $0x0  }
0x19: {  	s7 =	sld [smem:$0x3F90]  }
0x1a: {  	s8 =	sadd.s32 $0xFFFFE003, lr  }
0x1b: {  	s9 =	sadd.s32 $0xFFFFFEF7, lr;
	s5 =	simm.s32 $0xFFFFFFFF;
	p2 =	slt.u32 s8, $0xFFFFF086  }
0x1c: {  	p1 =	slt.u32 s9, $0xF7A;
	s5 =	simm.s32 @!p2 $0x0  }
0x1d: {  	s5 =	simm.s32 @p1 $0x1;
	p0 =	seq.s32 s7, s2  }
0x1e: {  	s7 =	smul.u32 @!p0 $0xF7A, s2;
	p2 =	seq.s32 @!p0 s5, $0x0  }
0x1f: {  	s9 =	smul.u32 $0xF7A, s1;
	s8 =	simm.s32 @!p0 $0x1BF5;
	p2 =	por !p2, p0  }
0x20: {  	[sflag:s8] =	ssyncset.s32 @!p0 $0xFFFFF086;
	s6 =	sadd.s32 @!p0 s3, s7;
	s7 =	simm.s32 @!p0 $0x108  }
0x21: {  	s3 =	sadd.s32 s3, s9;
	s6 =	sadd.s32 @!p0 $0x88, s6;
	s7 =	simm.s32 @p2 $0x1082  }
0x22: {  	[simem:s7], [sflag:s8] =	dma.local @!p0 [hbm:s6], $0xF7A  }
0x23: {  	s9 =	sor.u32 $0xD0000000, s2;
	s6 =	simm.s32 $0x108;
	_ =	swait.ge @!p0 [sflag:s8], $0x0  }
0x24: {  	s3 =	sadd.s32 $0x88, s3;
	s6 =	simm.s32 @!p1 $0x1082;
	[sflag:s4] =	ssyncset.s32 $0xFFFFF086  }
0x25: {  	[simem:s6], [sflag:s4] =	dma.local [hbm:s3], $0xF7A  }
0x26: {  	[smem:$0x3F90] =	sst s1;
	(tag) =	ssettag s2;
	_ =	strace s9  }
0x27: {  	s1 =	sld [smem:$0x3FA0]  }
0x28: {  	s2 =	sld [smem:$0x3FA1]  }
0x29: {  	s4 =	sld [smem:$0x3FA3]  }
0x2a: {  	p0 =	seq.s32 s5, $0x0;
	s5 =	sld [smem:$0x3FA4]  }
0x2b: {  	s6 =	sld [smem:$0x3FA5]  }
0x2c: {  	s7 =	sld [smem:$0x3FA6]  }
0x2d: {  	s3 =	simm.s32 $0x108;
	s8 =	sld [smem:$0x3FA7]  }
0x2e: {  	s3 =	simm.s32 @!p0 $0x1082;
	s9 =	sld [smem:$0x3FA8]  }
0x2f: {  	lr =	sadd.s32 s0, s3;
	s0 =	sld [smem:$0x3F9F]  }
0x30: {  	s3 =	sld [smem:$0x3FA2]  }
0x31: {  	[smem:$0x3FAB] =	sst s10  }
0x32: {  	s10 =	sld [smem:$0x3FA9];
	_ =	sdelay $0x3  }
0x33: {  	p0 =	seq.s32 s10, $0x1;
	s10 =	sld [smem:$0x3FAB];
	_ =	sdelay $0x3  }
0x34: {  	[smem:$0x3FAB] =	sst s10  }
0x35: {  	s10 =	sld [smem:$0x3FAA];
	_ =	sdelay $0x3  }
0x36: {  	p1 =	seq.s32 s10, $0x1;
	s10 =	sld [smem:$0x3FAB];
	_ =	sdelay $0x3  }
0x37: {  	[smem:$0x3FAB] =	sst s10  }
0x38: {  	s10 =	sld [smem:$0x3FAC]  }
0x39: {  	_ = 	snop;
	(pc) =	sbr.ind lr, $3  }
0x3a: {  	_ = 	snop  }
0x3b: {  	_ = 	snop  }
0x3c: {  	p2 =	seq.s32 s10, $0x1;
	s10 =	sld [smem:$0x3FAB]  }
0x3d: {  	_ =	shalt  }
0x3e: {  	_ =	shalt  }
0x3f: {  	_ =	shalt  }
0x40: {  	_ =	shalt  }
0x41: {  	_ =	shalt  }
0x42: {  	_ =	shalt  }
0x43: {  	_ =	shalt  }
0x44: {  	_ =	shalt  }
0x45: {  	_ =	shalt  }
0x46: {  	_ =	shalt  }
0x47: {  	_ =	shalt  }
0x48: {  	_ =	shalt  }
0x49: {  	_ =	shalt  }
0x4a: {  	_ =	shalt  }
0x4b: {  	_ =	shalt  }
0x4c: {  	_ =	shalt  }
0x4d: {  	_ =	shalt  }
0x4e: {  	_ =	shalt  }
0x4f: {  	_ =	shalt  }
0x50: {  	_ =	shalt  }
0x51: {  	_ =	shalt  }
0x52: {  	_ =	shalt  }
0x53: {  	_ =	shalt  }
0x54: {  	_ =	shalt  }
0x55: {  	_ =	shalt  }
0x56: {  	_ =	shalt  }
0x57: {  	_ =	shalt  }
0x58: {  	_ =	shalt  }
0x59: {  	_ =	shalt  }
0x5a: {  	_ =	shalt  }
0x5b: {  	_ =	shalt  }
0x5c: {  	_ =	shalt  }
0x5d: {  	_ =	shalt  }
0x5e: {  	_ =	shalt  }
0x5f: {  	_ =	shalt  }
0x60: {  	_ =	shalt  }
0x61: {  	_ =	shalt  }
0x62: {  	_ =	shalt  }
0x63: {  	_ =	shalt  }
0x64: {  	_ =	shalt  }
0x65: {  	_ =	shalt  }
0x66: {  	_ =	shalt  }
0x67: {  	_ =	shalt  }
0x68: {  	_ =	shalt  }
0x69: {  	_ =	shalt  }
0x6a: {  	_ =	shalt  }
0x6b: {  	_ =	shalt  }
0x6c: {  	_ =	shalt  }
0x6d: {  	_ =	shalt  }
0x6e: {  	_ =	shalt  }
0x6f: {  	_ =	shalt  }
0x70: {  	_ =	shalt  }
0x71: {  	_ =	shalt  }
0x72: {  	_ =	shalt  }
0x73: {  	_ =	shalt  }
0x74: {  	_ =	shalt  }
0x75: {  	_ =	shalt  }
0x76: {  	_ =	shalt  }
0x77: {  	_ =	shalt  }
0x78: {  	_ =	shalt  }
0x79: {  	_ =	shalt  }
0x7a: {  	_ =	shalt  }
0x7b: {  	_ =	shalt  }
0x7c: {  	_ =	shalt  }
0x7d: {  	_ =	shalt  }
0x7e: {  	_ =	shalt  }
0x7f: {  	_ =	shalt  }
0x80: {  	_ =	shalt  }
0x81: {  	_ =	shalt  }
0x82: {  	_ =	shalt  }
0x83: {  	_ =	shalt  }
0x84: {  	_ =	shalt  }
0x85: {  	_ =	shalt  }
0x86: {  	_ =	shalt  }
0x87: {  	_ =	shalt  }
.Lfunc_end0:
.L_simem_size_0:
called_computation.2_lowered:
.L_overlay_start_0:
0x88: {  	s2 =	sld [smem:$0x3FD9]  }
0x89: {  	s3 =	sld [smem:$0x3FFE];
	_ =	sdelay $0x1  }
0x8a: {  	s1 =	srdreg.scid  }
0x8b: {  	s0 =	sand.u32 $0x1, s1  }
0x8c: {  	s17 =	sshll.u32 s0, $0xA;
	s2 =	sadd.s32 s3, s2  }
0x8d: {  	s2 =	sadd.s32 s2, s17  }
0x8e: {  	[smem:$0x3FB7] =	sst s2  }
0x8f: {  	_ = 	snop  }
0x90: {  	s18 =	sld [smem:$0x3FC9]  }
0x91: {  	s4 =	sld [smem:$0x3FC8]  }
0x92: {  	s5 =	sld [smem:$0x3FC7]  }
0x93: {  	s6 =	sld [smem:$0x3FC6]  }
0x94: {  	s7 =	sld [smem:$0x3FC5]  }
0x95: {  	s8 =	sld [smem:$0x3FC4]  }
0x96: {  	s9 =	sld [smem:$0x3FC3]  }
0x97: {  	s10 =	sld [smem:$0x3FC2];
	(tm) =	ssettm $0x1  }
0x98: {  	s19 =	sld [smem:$0x3FFB];
	_ =	sdelay $0x3  }
0x99: {  	_ =	strace s19  }
0x9a: {  	s2 =	sld [smem:$0x3FFC];
	_ =	sdelay $0x3  }
0x9b: {  	_ =	strace s2  }
0x9c: {  	s2 =	sld [smem:$0x3FFD];
	_ =	sdelay $0x3  }
0x9d: {  	_ =	strace s2  }
0x9e: {  	_ =	strace $0x8FFFFFFF  }
0x9f: {  	s20 =	sld [smem:$0x3FDB];
	_ =	sdelay $0x1  }
0xa0: {  	s11 =	simm.s32 $_scs_section_size  }
0xa1: {  	s12 =	simm.s32 $_size__tile_overlayer_lowered;
	s13 =	simm.s32 $_tile_overlayer_lowered  }
0xa2: {  	s14 =	simm.s32 $0x1BFF;
	s21 =	sshll.u32 s13, $0x1;
	s11 =	sadd.s32 s11, s20  }
0xa3: {  	s22 =	simm.s32 $0x0;
	s12 =	sshll.u32 s12, $0x1;
	s13 =	sadd.s32 s21, s11  }
0xa4: {  	[timem:s22], [sflag:s14] =	dma.local [hbm:s13], s12  }
0xa5: {  	_ =	swait.ge [sflag:s14], s12  }
0xa6: {  	s12 =	ssub.s32 $0x0, s12;
	[sflag:s14] =	ssyncset.done $0x0  }
0xa7: {  	[sflag:s14] =	ssyncadd.s32 s12;
	_ =	sdelay $0x1  }
0xa8: {  	s23 =	simm.s32 $0x1B8B  }
0xa9: {  	_ =	swait.ge [sflag:s23], $0x1  }
0xaa: {  	[sflag:s23] =	ssyncset.done $0x0  }
0xab: {  	[sflag:s23] =	ssyncadd.s32 $0xFFFFFFFF  }
0xac: {  	s12 =	sld [smem:$0x0]  }
0xad: {  	s13 =	sand.u32 $0xFFFFFFFE, s1  }
0xae: {  	p0 =	sne.s32 s1, s13  }
0xaf: {  	s13 =	sshll.u32 @p0 s13, $0xE  }
0xb0: {  	s13 =	sadd.s32 @p0 $0x11B8D, s13;
	s14 =	sshll.u32 @p0 s12, $0x11  }
0xb1: {  	s13 =	sor.u32 @p0 s14, s13  }
0xb2: {  	[sflag:s13] =	ssyncadd.remote.s32 @p0 $0x1;
	_ =	sdelay $0x1  }
0xb3: {  	s13 =	simm.s32 @p0 $0x1B8D  }
0xb4: {  	_ =	swait.eq @p0 [sflag:s13], $0x1  }
0xb5: {  	[sflag:s13] =	ssyncadd.s32 @p0 $0xFFFFFFFF  }
0xb6: {  	s14 =	sshll.u32 @!p0 s1, $0xE  }
0xb7: {  	s14 =	sor.u32 @!p0 $0x4000, s14;
	s13 =	simm.s32 @!p0 $0x1B8D  }
0xb8: {  	s12 =	sshll.u32 @!p0 s12, $0x11;
	s14 =	sadd.s32 @!p0 $0x11B8D, s14;
	_ =	swait.eq @!p0 [sflag:s13], $0x1  }
0xb9: {  	s12 =	sor.u32 @!p0 s12, s14;
	[sflag:s13] =	ssyncadd.s32 @!p0 $0xFFFFFFFF  }
0xba: {  	s25 =	simm.s32 $0x1B8E;
	s24 =	sld [smem:$0x3FFE];
	[sflag:s12] =	ssyncadd.remote.s32 @!p0 $0x1  }
0xbb: {  	s26 =	simm.s32 $execute0_lowered;
	[smem:$0x3FD2] =	sst s25  }
0xbc: {  	s13 =	sshll.u32 s26, $0x1;
	_ =	strace $0x8000004C;
	[dreg:$0x1] =	wrdreg $0xFFFFFFFF  }
0xbd: {  	s28 =	simm.s32 $_size_execute0_lowered;
	s11 =	sadd.s32 s11, s13;
	[dreg:$0x0] =	wrdreg $0x0  }
0xbe: {  	s13 =	sshll.u32 s28, $0x1;
	[dreg:$0x2] =	wrdreg s11  }
0xbf: {  	[dreg:$0x3] =	wrdreg s13  }
0xc0: {  	[dreg:$0x4] =	wrdreg $0xC0  }
0xc1: {  	_ =	task [dreg:s22], $0x5FFFF  }
0xc2: {  	[dreg:$0x1] =	wrdreg $0xFFFFFFFF  }
0xc3: {  	[dreg:$0x0] =	wrdreg $0x60  }
0xc4: {  	[dreg:$0x2] =	wrdreg s18  }
0xc5: {  	[dreg:$0x3] =	wrdreg s4  }
0xc6: {  	[dreg:$0x4] =	wrdreg s5  }
0xc7: {  	[dreg:$0x5] =	wrdreg s6  }
0xc8: {  	[dreg:$0x6] =	wrdreg s7  }
0xc9: {  	[dreg:$0x7] =	wrdreg s8  }
0xca: {  	[dreg:$0x8] =	wrdreg s9  }
0xcb: {  	[dreg:$0x9] =	wrdreg s10  }
0xcc: {  	[dreg:$0xa] =	wrdreg s24  }
0xcd: {  	[dreg:$0xb] =	wrdreg $0xB  }
0xce: {  	_ =	task.clear_ibuf [dreg:s22], $0xCFFFF;
	_ =	strace $0x9000004C  }
0xcf: {  	s29 =	simm.s32 $0xB;
	_ =	strace $0x8000004E  }
0xd0: {  	_ =	swait.ge [sflag:s29], $0x1  }
0xd1: {  	[sflag:s29] =	ssyncadd.s32 $0xFFFFFFFF  }
0xd2: {  	_ =	strace $0x9000004E  }
0xd3: {  	_ =	sfence  }
0xd4: {  	s30 =	sld [smem:$0x0];
	_ =	sdelay $0x2  }
0xd5: {  	s31 =	sshll.u32 s1, $0xD;
	s1 =	sshrl.u32 s1, $0x2  }
0xd6: {  	s4 =	sand.u32 $0x4000, s31;
	s1 =	sadd.s32 s1, s30  }
0xd7: {  	s0 =	sor.u32 s4, s0;
	s1 =	sshll.u32 s1, $0x11  }
0xd8: {  	s0 =	sor.u32 s1, s0  }
0xd9: {  	s0 =	sadd.s32 $0x8F2B, s0  }
0xda: {  	[sflag:s0] =	ssyncadd.remote.s32 $0x1  }
0xdb: {  	_ =	sfence.sel $0xFFFF  }
0xdc: {  	[dreg:$0x0] =	wrdreg $0xFFFFFFFF;
	(pc) =	sbr.abs _section_cstart, $3  }
0xdd: {  	[dreg:$0x1] =	wrdreg $0xFFFFFFFF  }
0xde: {  	_ =	task.clear_ibuf [dreg:s22], $0x2FFFF;
	_ =	strace $0x9FFFFFFF  }
0xdf: {  	(tm) =	ssettm $0x7FFFFFFF  }
tec
execute0_lowered:
.L_overlay_start_1:
0x0: {  	(tag) =	ssettag $0x1  }
0x1: {  	s4 =	rddreg [dreg:$0x0]  }
0x2: {  	s5 =	rddreg [dreg:$0x1]  }
0x3: {  	s7 =	rddreg [dreg:$0x2]  }
0x4: {  	s9 =	rddreg [dreg:$0x3]  }
0x5: {  	s0 =	rddreg [dreg:$0x4]  }
0x6: {  	s24 =	rddreg [dreg:$0x5]  }
0x7: {  	s25 =	rddreg [dreg:$0x6];
	s1 =	srdreg.scid  }
0x8: {  	s26 =	stileid.u32;
	s2 =	rddreg [dreg:$0x7];
	s1 =	sand.u32 $0x1, s1  }
0x9: {  	[dreg:$0xa] =	wrdreg s0;
	s3 =	sshll.u32 s26, $0x8;
	s6 =	sshll.u32 s1, $0x7  }
0xa: {  	[dreg:$0xb] =	wrdreg s24;
	s21 =	sor.u32 s6, s3  }
0xb: {  	[dreg:$0xc] =	wrdreg s25;
	s3 =	simm.s32 $0x0;
	s6 =	sshrl.u32 s21, $0x3  }
0xc: {  	[smem:$0x7FF] =	sst s3;
	s10 =	sor.u32 $0x400, s6  }
0xd: {  	s20 =	rddreg [dreg:$0x8];
	_ =	strace $0x8000004D;
	s4 =	sadd.s32 s4, s10  }
0xe: {  	[tilespmem:s3], [sflag:$0x1] =	stream.linear.gather [hbm4b:s4+s3], $0x80, $0x38;
	[tilespmem:$0x10200] =	vst v63  }
0xf: {  	s6 =	simm.s32 $0x80;
	s5 =	sadd.s32 s5, s10  }
0x10: {  	[tilespmem:s6], [sflag:$0x2] =	stream.linear.gather [hbm4b:s5+s3], $0x80, $0x38;
	[tilespmem:$0x10200] =	vst v63  }
0x11: {  	s8 =	simm.s32 $0x100;
	s7 =	sadd.s32 s7, s10  }
0x12: {  	[tilespmem:s8], [sflag:$0x3] =	stream.linear.gather [hbm4b:s7+s3], $0x80, $0x38;
	[tilespmem:$0x10200] =	vst v63  }
0x13: {  	s11 =	simm.s32 $0x1;
	s9 =	sadd.s32 s9, s10;
	s10 =	simm.s32 $0x180  }
0x14: {  	[tilespmem:s10], [sflag:$0x4] =	stream.linear.gather [hbm4b:s9+s3], $0x80, $0x38;
	[tilespmem:$0x10200] =	vst v63  }
0x15: {  	_ =	swait.ge [sflag:s11], $0x80  }
0x16: {  	s12 =	simm.s32 $0x200;
	[sflag:s11] =	ssyncset.done $0x0  }
0x17: {  	s13 =	simm.s32 $0x2;
	s14 =	rddreg [dreg:$0xa];
	[sflag:s11] =	ssyncadd.s32 $0xFFFFFF80  }
0x18: {  	[tilespmem:s12], [sflag:$0x5] =	stream.indirect.gather [hbm4b:s14+s6], $0x80, s3, s6, $0xb8;
	[tilespmem:$0x10200] =	vst v63  }
0x19: {  	_ =	swait.ge [sflag:s13], $0x80  }
0x1a: {  	s15 =	simm.s32 $0x3;
	[sflag:s13] =	ssyncset.done $0x0  }
0x1b: {  	s14 =	simm.s32 $0x4200;
	s16 =	rddreg [dreg:$0xb];
	[sflag:s13] =	ssyncadd.s32 $0xFFFFFF80  }
0x1c: {  	[tilespmem:s14], [sflag:$0x6] =	stream.indirect.gather [hbm4b:s16+s6], $0x80, s6, s6, $0xb8;
	[tilespmem:$0x10200] =	vst v63  }
0x1d: {  	_ =	swait.ge [sflag:s15], $0x80  }
0x1e: {  	s17 =	simm.s32 $0x4;
	[sflag:s15] =	ssyncset.done $0x0  }
0x1f: {  	s16 =	simm.s32 $0x8200;
	s18 =	rddreg [dreg:$0xc];
	[sflag:s15] =	ssyncadd.s32 $0xFFFFFF80  }
0x20: {  	[tilespmem:s16], [sflag:$0x7] =	stream.indirect.gather [hbm4b:s18+s6], $0x80, s8, s6, $0xb8;
	[tilespmem:$0x10200] =	vst v63  }
0x21: {  	_ =	swait.ge [sflag:s17], $0x80  }
0x22: {  	[sflag:s17] =	ssyncset.done $0x0  }
0x23: {  	s19 =	simm.s32 $0x5;
	s18 =	simm.s32 $0xC200;
	[sflag:s17] =	ssyncadd.s32 $0xFFFFFF80  }
0x24: {  	[tilespmem:s18], [sflag:$0x8] =	stream.indirect.gather [hbm4b:s2+s6], $0x80, s10, s6, $0xb8;
	[tilespmem:$0x10200] =	vst v63  }
0x25: {  	s21 =	sshll.u32 s21, $0x4;
	_ =	swait.ge [sflag:s19], $0x4000  }
0x26: {  	s26 =	sadd.s32 s21, s20;
	[sflag:s19] =	ssyncset.done $0x0  }
0x27: {  	s21 =	simm.s32 $0x6;
	s20 =	sadd.s32 $0x85A00, s26;
	[sflag:s19] =	ssyncadd.s32 $0xFFFFC000  }
0x28: {  	[hbm4b:s20+s3] =	stream.linear.scatter [tilespmem:s12], [sflag:$0x9], $0x4000, $0x38;
	[tilespmem:$0x10200] =	vst v63  }
0x29: {  	_ =	swait.ge [sflag:s21], $0x4000  }
0x2a: {  	[sflag:s21] =	ssyncset.done $0x0  }
0x2b: {  	s23 =	simm.s32 $0x7;
	s22 =	sadd.s32 $0x95A00, s26;
	[sflag:s21] =	ssyncadd.s32 $0xFFFFC000  }
0x2c: {  	[hbm4b:s22+s3] =	stream.linear.scatter [tilespmem:s14], [sflag:$0xA], $0x4000, $0x38;
	[tilespmem:$0x10200] =	vst v63  }
0x2d: {  	_ =	swait.ge [sflag:s23], $0x4000  }
0x2e: {  	[sflag:s23] =	ssyncset.done $0x0  }
0x2f: {  	s25 =	simm.s32 $0x8;
	s24 =	sadd.s32 $0xA5A00, s26;
	[sflag:s23] =	ssyncadd.s32 $0xFFFFC000  }
0x30: {  	[hbm4b:s24+s3] =	stream.linear.scatter [tilespmem:s16], [sflag:$0xB], $0x4000, $0x38;
	[tilespmem:$0x10200] =	vst v63  }
0x31: {  	_ =	swait.ge [sflag:s25], $0x4000  }
0x32: {  	[sflag:s25] =	ssyncset.done $0x0  }
0x33: {  	s28 =	simm.s32 $0x9;
	s26 =	sadd.s32 $0xB5A00, s26;
	[sflag:s25] =	ssyncadd.s32 $0xFFFFC000  }
0x34: {  	[hbm4b:s26+s3] =	stream.linear.scatter [tilespmem:s18], [sflag:$0xC], $0x4000, $0x38;
	[tilespmem:$0x10200] =	vst v63  }
0x35: {  	_ =	swait.ge [sflag:s28], $0x4000  }
0x36: {  	s1 =	ssub.s32 $0x2, s1;
	[sflag:s28] =	ssyncset.done $0x0  }
0x37: {  	s29 =	simm.s32 $0xA;
	s31 =	sshrl.u32 s1, $0x1;
	[sflag:s28] =	ssyncadd.s32 $0xFFFFC000  }
0x38: {  	s1 =	ssub.s32 s1, s31;
	_ =	swait.ge [sflag:s29], $0x4000  }
0x39: {  	s1 =	smax.u32 s1, $0x1;
	[sflag:s29] =	ssyncset.done $0x0  }
0x3a: {  	s30 =	simm.s32 $0xB;
	p0 =	sne.s32 s1, $0x1;
	[sflag:s29] =	ssyncadd.s32 $0xFFFFC000  }
.Ltmp0:
0x3b: {  	_ =	swait.ge [sflag:s30], $0x4000;
	(pc) =	sbr.rel @!p0 .LBB2_2-.Ltmp0, $4  }
0x3c: {  	[sflag:s30] =	ssyncset.done $0x0  }
0x3d: {  	s31 =	simm.s32 $0xC;
	[sflag:s30] =	ssyncadd.s32 $0xFFFFC000  }
0x3e: {  	_ =	swait.ge [sflag:s31], $0x4000  }
0x3f: {  	s1 =	sadd.s32 $0xFFFFFFFF, s1;
	[sflag:s31] =	ssyncset.done $0x0  }
.LBB2_1:
0x40: {  	[sflag:s31] =	ssyncadd.s32 $0xFFFFC000  }
0x41: {  	[tilespmem:s3], [sflag:$0x1] =	stream.linear.gather [hbm4b:s4+s3], $0x80, $0x38;
	[tilespmem:$0x10200] =	vst v63  }
0x42: {  	_ = 	snop  }
0x43: {  	[tilespmem:s6], [sflag:$0x2] =	stream.linear.gather [hbm4b:s5+s3], $0x80, $0x38;
	[tilespmem:$0x10200] =	vst v63  }
0x44: {  	_ = 	snop  }
0x45: {  	[tilespmem:s8], [sflag:$0x3] =	stream.linear.gather [hbm4b:s7+s3], $0x80, $0x38;
	[tilespmem:$0x10200] =	vst v63  }
0x46: {  	_ = 	snop  }
0x47: {  	[tilespmem:s10], [sflag:$0x4] =	stream.linear.gather [hbm4b:s9+s3], $0x80, $0x38;
	[tilespmem:$0x10200] =	vst v63  }
0x48: {  	_ =	swait.ge [sflag:s11], $0x80  }
0x49: {  	[sflag:s11] =	ssyncset.done $0x0  }
0x4a: {  	s0 =	rddreg [dreg:$0xa];
	[sflag:s11] =	ssyncadd.s32 $0xFFFFFF80  }
0x4b: {  	[tilespmem:s12], [sflag:$0x5] =	stream.indirect.gather [hbm4b:s0+s6], $0x80, s3, s6, $0xb8;
	[tilespmem:$0x10200] =	vst v63  }
0x4c: {  	_ =	swait.ge [sflag:s13], $0x80  }
0x4d: {  	[sflag:s13] =	ssyncset.done $0x0  }
0x4e: {  	s0 =	rddreg [dreg:$0xb];
	[sflag:s13] =	ssyncadd.s32 $0xFFFFFF80  }
0x4f: {  	[tilespmem:s14], [sflag:$0x6] =	stream.indirect.gather [hbm4b:s0+s6], $0x80, s6, s6, $0xb8;
	[tilespmem:$0x10200] =	vst v63  }
0x50: {  	_ =	swait.ge [sflag:s15], $0x80  }
0x51: {  	[sflag:s15] =	ssyncset.done $0x0  }
0x52: {  	s0 =	rddreg [dreg:$0xc];
	[sflag:s15] =	ssyncadd.s32 $0xFFFFFF80  }
0x53: {  	[tilespmem:s16], [sflag:$0x7] =	stream.indirect.gather [hbm4b:s0+s6], $0x80, s8, s6, $0xb8;
	[tilespmem:$0x10200] =	vst v63  }
0x54: {  	_ =	swait.ge [sflag:s17], $0x80  }
0x55: {  	[sflag:s17] =	ssyncset.done $0x0  }
0x56: {  	[sflag:s17] =	ssyncadd.s32 $0xFFFFFF80  }
0x57: {  	[tilespmem:s18], [sflag:$0x8] =	stream.indirect.gather [hbm4b:s2+s6], $0x80, s10, s6, $0xb8;
	[tilespmem:$0x10200] =	vst v63  }
0x58: {  	_ =	swait.ge [sflag:s19], $0x4000  }
0x59: {  	[sflag:s19] =	ssyncset.done $0x0  }
0x5a: {  	[sflag:s19] =	ssyncadd.s32 $0xFFFFC000  }
0x5b: {  	[hbm4b:s20+s3] =	stream.linear.scatter [tilespmem:s12], [sflag:$0x9], $0x4000, $0x38;
	[tilespmem:$0x10200] =	vst v63  }
0x5c: {  	_ =	swait.ge [sflag:s21], $0x4000  }
0x5d: {  	[sflag:s21] =	ssyncset.done $0x0  }
0x5e: {  	[sflag:s21] =	ssyncadd.s32 $0xFFFFC000  }
0x5f: {  	[hbm4b:s22+s3] =	stream.linear.scatter [tilespmem:s14], [sflag:$0xA], $0x4000, $0x38;
	[tilespmem:$0x10200] =	vst v63  }
0x60: {  	_ =	swait.ge [sflag:s23], $0x4000  }
0x61: {  	[sflag:s23] =	ssyncset.done $0x0  }
0x62: {  	[sflag:s23] =	ssyncadd.s32 $0xFFFFC000  }
0x63: {  	[hbm4b:s24+s3] =	stream.linear.scatter [tilespmem:s16], [sflag:$0xB], $0x4000, $0x38;
	[tilespmem:$0x10200] =	vst v63  }
0x64: {  	_ =	swait.ge [sflag:s25], $0x4000  }
0x65: {  	[sflag:s25] =	ssyncset.done $0x0  }
0x66: {  	[sflag:s25] =	ssyncadd.s32 $0xFFFFC000  }
0x67: {  	[hbm4b:s26+s3] =	stream.linear.scatter [tilespmem:s18], [sflag:$0xC], $0x4000, $0x38;
	[tilespmem:$0x10200] =	vst v63  }
0x68: {  	_ =	swait.ge [sflag:s28], $0x4000  }
0x69: {  	[sflag:s28] =	ssyncset.done $0x0  }
0x6a: {  	[sflag:s28] =	ssyncadd.s32 $0xFFFFC000  }
0x6b: {  	_ =	swait.ge [sflag:s29], $0x4000  }
0x6c: {  	[sflag:s29] =	ssyncset.done $0x0  }
0x6d: {  	p0 =	sne.s32 s1, $0x1;
	[sflag:s29] =	ssyncadd.s32 $0xFFFFC000  }
.Ltmp1:
0x6e: {  	_ =	swait.ge [sflag:s30], $0x4000;
	(pc) =	sbr.rel @p0 .LBB2_1-.Ltmp1, $4  }
0x6f: {  	[sflag:s30] =	ssyncset.done $0x0  }
0x70: {  	[sflag:s30] =	ssyncadd.s32 $0xFFFFC000  }
0x71: {  	_ =	swait.ge [sflag:s31], $0x4000  }
0x72: {  	s1 =	sadd.s32 $0xFFFFFFFF, s1;
	[sflag:s31] =	ssyncset.done $0x0  }
.LBB2_2:
0x73: {  	[sflag:s31] =	ssyncadd.s32 $0xFFFFC000  }
0x74: {  	_ =	sfence.sel $0x180000  }
0x75: {  	[bflag:$0x0] =	sbarrier.arrive $0xFFFF  }
0x76: {  	_ =	strace $0x9000004D  }
0x77: {  	s0 =	stileid.u32;
	[bflag:$0x2] =	sbarrier.arrive $0xFFFF  }
0x78: {  	p0 =	sne.s32 s0, $0x0;
	s0 =	rddreg [dreg:$0x9]  }
0x79: {  	s0 =	sadd.s32 @!p0 $0x100000, s0  }
0x7a: {  	[sflag:s0] =	ssyncadd.tile.s32 @!p0 $0x1;
	_ =	shalt  }
.Lfunc_end2:
_tile_overlayer_lowered:
.L_overlay_start_2:
0x7b: {  	(tag) =	ssettag $0x2  }
0x7c: {  	s0 =	rddreg [dreg:$0x0];
	s2 =	stileid.u32  }
0x7d: {  	s1 =	rddreg [dreg:$0x1];
	p0 =	sne.s32 s2, $0x0  }
0x7e: {  	s3 =	rddreg [dreg:$0x2];
	[bflag:$0x3] =	sbarrier.arrive $0xFFFF;
	s2 =	simm.s32 @!p0 $0x1C0D  }
0x7f: {  	[timem:s3], [sflag:s2] =	dma.local @!p0 [hbm:s0], s1  }
0x80: {  	s0 =	simm.s32 @!p0 $0xD  }
0x81: {  	_ =	swait.ge @!p0 [sflag:s0], s1  }
0x82: {  	s1 =	ssub.s32 @!p0 $0x0, s1;
	[sflag:s0] =	ssyncset.done @!p0 $0x0  }
0x83: {  	[sflag:s0] =	ssyncadd.s32 @!p0 s1  }
0x84: {  	[bflag:$0x3] =	sbarrier.arrive $0xFFFF  }
0x85: {  	_ =	shalt  }

// kernel: kernel.20.cloned.1.call-start
scs
__scs_entry_jumppad:
0x0: {  	(pc) =	sbr.rel $0x88, $3  }
0x1: {  	(tag) =	ssettag $0x0;
	lr =	simm.s32 $0x1  }
0x2: {  	[smem:$0x3F90] =	sst lr;
	_ =	strace $0xD0000000  }
0x3: {  	_ = 	snop  }
0x4: {  	_ = 	snop  }
0x5: {  	_ = 	snop  }
0x6: {  	_ = 	snop  }
0x7: {  	_ = 	snop  }
__scs_overlays_trampoline_lowered:
0x8: {  	[smem:$0x3F9F] =	sst s0  }
0x9: {  	[smem:$0x3FA0] =	sst s1  }
0xa: {  	[smem:$0x3FA1] =	sst s2  }
0xb: {  	[smem:$0x3FA2] =	sst s3  }
0xc: {  	[smem:$0x3FA3] =	sst s4  }
0xd: {  	[smem:$0x3FA4] =	sst s5  }
0xe: {  	[smem:$0x3FA5] =	sst s6  }
0xf: {  	[smem:$0x3FA6] =	sst s7  }
0x10: {  	[smem:$0x3FA7] =	sst s8  }
0x11: {  	[smem:$0x3FA8] =	sst s9;
	s0 =	simm.s32 @!p0 $0x0  }
0x12: {  	s1 =	sld [smem:$0x3F8E];
	s0 =	simm.s32 @p0 $0x1  }
0x13: {  	[smem:$0x3FA9] =	sst s0;
	s0 =	simm.s32 @!p1 $0x0  }
0x14: {  	s2 =	sld [smem:$0x3F8D];
	s0 =	simm.s32 @p1 $0x1  }
0x15: {  	[smem:$0x3FAA] =	sst s0;
	s0 =	simm.s32 @!p2 $0x0  }
0x16: {  	s3 =	sld [smem:$0x3FDB];
	s0 =	simm.s32 @p2 $0x1  }
0x17: {  	s4 =	simm.s32 $0x1BF5;
	[smem:$0x3FAC] =	sst s0  }
0x18: {  	s0 =	sld [smem:$0x3F8F];
	_ =	swait.ge [sflag:s4], $0x0  }
0x19: {  	s7 =	sld [smem:$0x3F90]  }
0x1a: {  	s8 =	sadd.s32 $0xFFFFE003, lr  }
0x1b: {  	s9 =	sadd.s32 $0xFFFFFEF7, lr;
	s5 =	simm.s32 $0xFFFFFFFF;
	p2 =	slt.u32 s8, $0xFFFFF086  }
0x1c: {  	p1 =	slt.u32 s9, $0xF7A;
	s5 =	simm.s32 @!p2 $0x0  }
0x1d: {  	s5 =	simm.s32 @p1 $0x1;
	p0 =	seq.s32 s7, s2  }
0x1e: {  	s7 =	smul.u32 @!p0 $0xF7A, s2;
	p2 =	seq.s32 @!p0 s5, $0x0  }
0x1f: {  	s9 =	smul.u32 $0xF7A, s1;
	s8 =	simm.s32 @!p0 $0x1BF5;
	p2 =	por !p2, p0  }
0x20: {  	[sflag:s8] =	ssyncset.s32 @!p0 $0xFFFFF086;
	s6 =	sadd.s32 @!p0 s3, s7;
	s7 =	simm.s32 @!p0 $0x108  }
0x21: {  	s3 =	sadd.s32 s3, s9;
	s6 =	sadd.s32 @!p0 $0x88, s6;
	s7 =	simm.s32 @p2 $0x1082  }
0x22: {  	[simem:s7], [sflag:s8] =	dma.local @!p0 [hbm:s6], $0xF7A  }
0x23: {  	s9 =	sor.u32 $0xD0000000, s2;
	s6 =	simm.s32 $0x108;
	_ =	swait.ge @!p0 [sflag:s8], $0x0  }
0x24: {  	s3 =	sadd.s32 $0x88, s3;
	s6 =	simm.s32 @!p1 $0x1082;
	[sflag:s4] =	ssyncset.s32 $0xFFFFF086  }
0x25: {  	[simem:s6], [sflag:s4] =	dma.local [hbm:s3], $0xF7A  }
0x26: {  	[smem:$0x3F90] =	sst s1;
	(tag) =	ssettag s2;
	_ =	strace s9  }
0x27: {  	s1 =	sld [smem:$0x3FA0]  }
0x28: {  	s2 =	sld [smem:$0x3FA1]  }
0x29: {  	s4 =	sld [smem:$0x3FA3]  }
0x2a: {  	p0 =	seq.s32 s5, $0x0;
	s5 =	sld [smem:$0x3FA4]  }
0x2b: {  	s6 =	sld [smem:$0x3FA5]  }
0x2c: {  	s7 =	sld [smem:$0x3FA6]  }
0x2d: {  	s3 =	simm.s32 $0x108;
	s8 =	sld [smem:$0x3FA7]  }
0x2e: {  	s3 =	simm.s32 @!p0 $0x1082;
	s9 =	sld [smem:$0x3FA8]  }
0x2f: {  	lr =	sadd.s32 s0, s3;
	s0 =	sld [smem:$0x3F9F]  }
0x30: {  	s3 =	sld [smem:$0x3FA2]  }
0x31: {  	[smem:$0x3FAB] =	sst s10  }
0x32: {  	s10 =	sld [smem:$0x3FA9];
	_ =	sdelay $0x3  }
0x33: {  	p0 =	seq.s32 s10, $0x1;
	s10 =	sld [smem:$0x3FAB];
	_ =	sdelay $0x3  }
0x34: {  	[smem:$0x3FAB] =	sst s10  }
0x35: {  	s10 =	sld [smem:$0x3FAA];
	_ =	sdelay $0x3  }
0x36: {  	p1 =	seq.s32 s10, $0x1;
	s10 =	sld [smem:$0x3FAB];
	_ =	sdelay $0x3  }
0x37: {  	[smem:$0x3FAB] =	sst s10  }
0x38: {  	s10 =	sld [smem:$0x3FAC]  }
0x39: {  	_ = 	snop;
	(pc) =	sbr.ind lr, $3  }
0x3a: {  	_ = 	snop  }
0x3b: {  	_ = 	snop  }
0x3c: {  	p2 =	seq.s32 s10, $0x1;
	s10 =	sld [smem:$0x3FAB]  }
0x3d: {  	_ =	shalt  }
0x3e: {  	_ =	shalt  }
0x3f: {  	_ =	shalt  }
0x40: {  	_ =	shalt  }
0x41: {  	_ =	shalt  }
0x42: {  	_ =	shalt  }
0x43: {  	_ =	shalt  }
0x44: {  	_ =	shalt  }
0x45: {  	_ =	shalt  }
0x46: {  	_ =	shalt  }
0x47: {  	_ =	shalt  }
0x48: {  	_ =	shalt  }
0x49: {  	_ =	shalt  }
0x4a: {  	_ =	shalt  }
0x4b: {  	_ =	shalt  }
0x4c: {  	_ =	shalt  }
0x4d: {  	_ =	shalt  }
0x4e: {  	_ =	shalt  }
0x4f: {  	_ =	shalt  }
0x50: {  	_ =	shalt  }
0x51: {  	_ =	shalt  }
0x52: {  	_ =	shalt  }
0x53: {  	_ =	shalt  }
0x54: {  	_ =	shalt  }
0x55: {  	_ =	shalt  }
0x56: {  	_ =	shalt  }
0x57: {  	_ =	shalt  }
0x58: {  	_ =	shalt  }
0x59: {  	_ =	shalt  }
0x5a: {  	_ =	shalt  }
0x5b: {  	_ =	shalt  }
0x5c: {  	_ =	shalt  }
0x5d: {  	_ =	shalt  }
0x5e: {  	_ =	shalt  }
0x5f: {  	_ =	shalt  }
0x60: {  	_ =	shalt  }
0x61: {  	_ =	shalt  }
0x62: {  	_ =	shalt  }
0x63: {  	_ =	shalt  }
0x64: {  	_ =	shalt  }
0x65: {  	_ =	shalt  }
0x66: {  	_ =	shalt  }
0x67: {  	_ =	shalt  }
0x68: {  	_ =	shalt  }
0x69: {  	_ =	shalt  }
0x6a: {  	_ =	shalt  }
0x6b: {  	_ =	shalt  }
0x6c: {  	_ =	shalt  }
0x6d: {  	_ =	shalt  }
0x6e: {  	_ =	shalt  }
0x6f: {  	_ =	shalt  }
0x70: {  	_ =	shalt  }
0x71: {  	_ =	shalt  }
0x72: {  	_ =	shalt  }
0x73: {  	_ =	shalt  }
0x74: {  	_ =	shalt  }
0x75: {  	_ =	shalt  }
0x76: {  	_ =	shalt  }
0x77: {  	_ =	shalt  }
0x78: {  	_ =	shalt  }
0x79: {  	_ =	shalt  }
0x7a: {  	_ =	shalt  }
0x7b: {  	_ =	shalt  }
0x7c: {  	_ =	shalt  }
0x7d: {  	_ =	shalt  }
0x7e: {  	_ =	shalt  }
0x7f: {  	_ =	shalt  }
0x80: {  	_ =	shalt  }
0x81: {  	_ =	shalt  }
0x82: {  	_ =	shalt  }
0x83: {  	_ =	shalt  }
0x84: {  	_ =	shalt  }
0x85: {  	_ =	shalt  }
0x86: {  	_ =	shalt  }
0x87: {  	_ =	shalt  }
.Lfunc_end0:
.L_simem_size_0:
called_computation.3_lowered:
.L_overlay_start_0:
0x88: {  	s2 =	sld [smem:$0x3FD9]  }
0x89: {  	s3 =	sld [smem:$0x3FFE];
	_ =	sdelay $0x1  }
0x8a: {  	s1 =	srdreg.scid  }
0x8b: {  	s0 =	sand.u32 $0x1, s1  }
0x8c: {  	s17 =	sshll.u32 s0, $0xA;
	s2 =	sadd.s32 s3, s2  }
0x8d: {  	s2 =	sadd.s32 s2, s17  }
0x8e: {  	[smem:$0x3FB7] =	sst s2  }
0x8f: {  	_ = 	snop  }
0x90: {  	s18 =	sld [smem:$0x3FC9]  }
0x91: {  	s4 =	sld [smem:$0x3FC8]  }
0x92: {  	s5 =	sld [smem:$0x3FC7]  }
0x93: {  	s6 =	sld [smem:$0x3FC6]  }
0x94: {  	s7 =	sld [smem:$0x3FC5]  }
0x95: {  	s8 =	sld [smem:$0x3FC4]  }
0x96: {  	s9 =	sld [smem:$0x3FC3]  }
0x97: {  	s10 =	sld [smem:$0x3FC2];
	(tm) =	ssettm $0x1  }
0x98: {  	s19 =	sld [smem:$0x3FFB];
	_ =	sdelay $0x3  }
0x99: {  	_ =	strace s19  }
0x9a: {  	s2 =	sld [smem:$0x3FFC];
	_ =	sdelay $0x3  }
0x9b: {  	_ =	strace s2  }
0x9c: {  	s2 =	sld [smem:$0x3FFD];
	_ =	sdelay $0x3  }
0x9d: {  	_ =	strace s2  }
0x9e: {  	_ =	strace $0x8FFFFFFF  }
0x9f: {  	s20 =	sld [smem:$0x3FDB];
	_ =	sdelay $0x1  }
0xa0: {  	s11 =	simm.s32 $_scs_section_size  }
0xa1: {  	s12 =	simm.s32 $_size__tile_overlayer_lowered;
	s13 =	simm.s32 $_tile_overlayer_lowered  }
0xa2: {  	s14 =	simm.s32 $0x1BFF;
	s21 =	sshll.u32 s13, $0x1;
	s11 =	sadd.s32 s11, s20  }
0xa3: {  	s22 =	simm.s32 $0x0;
	s12 =	sshll.u32 s12, $0x1;
	s13 =	sadd.s32 s21, s11  }
0xa4: {  	[timem:s22], [sflag:s14] =	dma.local [hbm:s13], s12  }
0xa5: {  	_ =	swait.ge [sflag:s14], s12  }
0xa6: {  	s12 =	ssub.s32 $0x0, s12;
	[sflag:s14] =	ssyncset.done $0x0  }
0xa7: {  	[sflag:s14] =	ssyncadd.s32 s12;
	_ =	sdelay $0x1  }
0xa8: {  	s23 =	simm.s32 $0x1B8B  }
0xa9: {  	_ =	swait.ge [sflag:s23], $0x1  }
0xaa: {  	[sflag:s23] =	ssyncset.done $0x0  }
0xab: {  	[sflag:s23] =	ssyncadd.s32 $0xFFFFFFFF  }
0xac: {  	s12 =	sld [smem:$0x0]  }
0xad: {  	s13 =	sand.u32 $0xFFFFFFFE, s1  }
0xae: {  	p0 =	sne.s32 s1, s13  }
0xaf: {  	s13 =	sshll.u32 @p0 s13, $0xE  }
0xb0: {  	s13 =	sadd.s32 @p0 $0x11B8D, s13;
	s14 =	sshll.u32 @p0 s12, $0x11  }
0xb1: {  	s13 =	sor.u32 @p0 s14, s13  }
0xb2: {  	[sflag:s13] =	ssyncadd.remote.s32 @p0 $0x1;
	_ =	sdelay $0x1  }
0xb3: {  	s13 =	simm.s32 @p0 $0x1B8D  }
0xb4: {  	_ =	swait.eq @p0 [sflag:s13], $0x1  }
0xb5: {  	[sflag:s13] =	ssyncadd.s32 @p0 $0xFFFFFFFF  }
0xb6: {  	s14 =	sshll.u32 @!p0 s1, $0xE  }
0xb7: {  	s14 =	sor.u32 @!p0 $0x4000, s14;
	s13 =	simm.s32 @!p0 $0x1B8D  }
0xb8: {  	s12 =	sshll.u32 @!p0 s12, $0x11;
	s14 =	sadd.s32 @!p0 $0x11B8D, s14;
	_ =	swait.eq @!p0 [sflag:s13], $0x1  }
0xb9: {  	s12 =	sor.u32 @!p0 s12, s14;
	[sflag:s13] =	ssyncadd.s32 @!p0 $0xFFFFFFFF  }
0xba: {  	s25 =	simm.s32 $0x1B8E;
	s24 =	sld [smem:$0x3FFE];
	[sflag:s12] =	ssyncadd.remote.s32 @!p0 $0x1  }
0xbb: {  	s26 =	simm.s32 $execute0_lowered;
	[smem:$0x3FD2] =	sst s25  }
0xbc: {  	s13 =	sshll.u32 s26, $0x1;
	_ =	strace $0x8000004F;
	[dreg:$0x1] =	wrdreg $0xFFFFFFFF  }
0xbd: {  	s28 =	simm.s32 $_size_execute0_lowered;
	s11 =	sadd.s32 s11, s13;
	[dreg:$0x0] =	wrdreg $0x0  }
0xbe: {  	s13 =	sshll.u32 s28, $0x1;
	[dreg:$0x2] =	wrdreg s11  }
0xbf: {  	[dreg:$0x3] =	wrdreg s13  }
0xc0: {  	[dreg:$0x4] =	wrdreg $0xC0  }
0xc1: {  	_ =	task [dreg:s22], $0x5FFFF  }
0xc2: {  	[dreg:$0x1] =	wrdreg $0xFFFFFFFF  }
0xc3: {  	[dreg:$0x0] =	wrdreg $0x60  }
0xc4: {  	[dreg:$0x2] =	wrdreg s18  }
0xc5: {  	[dreg:$0x3] =	wrdreg s4  }
0xc6: {  	[dreg:$0x4] =	wrdreg s5  }
0xc7: {  	[dreg:$0x5] =	wrdreg s6  }
0xc8: {  	[dreg:$0x6] =	wrdreg s7  }
0xc9: {  	[dreg:$0x7] =	wrdreg s8  }
0xca: {  	[dreg:$0x8] =	wrdreg s9  }
0xcb: {  	[dreg:$0x9] =	wrdreg s10  }
0xcc: {  	[dreg:$0xa] =	wrdreg s24  }
0xcd: {  	[dreg:$0xb] =	wrdreg $0xC  }
0xce: {  	_ =	task.clear_ibuf [dreg:s22], $0xCFFFF;
	_ =	strace $0x9000004F  }
0xcf: {  	s29 =	simm.s32 $0xC;
	_ =	strace $0x80000051  }
0xd0: {  	_ =	swait.ge [sflag:s29], $0x1  }
0xd1: {  	[sflag:s29] =	ssyncadd.s32 $0xFFFFFFFF  }
0xd2: {  	_ =	strace $0x90000051  }
0xd3: {  	_ =	sfence  }
0xd4: {  	s30 =	sld [smem:$0x0];
	_ =	sdelay $0x2  }
0xd5: {  	s31 =	sshll.u32 s1, $0xD;
	s1 =	sshrl.u32 s1, $0x2  }
0xd6: {  	s4 =	sand.u32 $0x4000, s31;
	s1 =	sadd.s32 s1, s30  }
0xd7: {  	s0 =	sor.u32 s4, s0;
	s1 =	sshll.u32 s1, $0x11  }
0xd8: {  	s0 =	sor.u32 s1, s0  }
0xd9: {  	s0 =	sadd.s32 $0x8F2B, s0  }
0xda: {  	[sflag:s0] =	ssyncadd.remote.s32 $0x1  }
0xdb: {  	_ =	sfence.sel $0xFFFF  }
0xdc: {  	[dreg:$0x0] =	wrdreg $0xFFFFFFFF;
	(pc) =	sbr.abs _section_cstart, $3  }
0xdd: {  	[dreg:$0x1] =	wrdreg $0xFFFFFFFF  }
0xde: {  	_ =	task.clear_ibuf [dreg:s22], $0x2FFFF;
	_ =	strace $0x9FFFFFFF  }
0xdf: {  	(tm) =	ssettm $0x7FFFFFFF  }
tec
execute0_lowered:
.L_overlay_start_1:
0x0: {  	(tag) =	ssettag $0x1  }
0x1: {  	s4 =	rddreg [dreg:$0x0]  }
0x2: {  	s5 =	rddreg [dreg:$0x1]  }
0x3: {  	s7 =	rddreg [dreg:$0x2]  }
0x4: {  	s9 =	rddreg [dreg:$0x3]  }
0x5: {  	s0 =	rddreg [dreg:$0x4]  }
0x6: {  	s24 =	rddreg [dreg:$0x5]  }
0x7: {  	s25 =	rddreg [dreg:$0x6];
	s1 =	srdreg.scid  }
0x8: {  	s26 =	stileid.u32;
	s2 =	rddreg [dreg:$0x7];
	s1 =	sand.u32 $0x1, s1  }
0x9: {  	[dreg:$0xa] =	wrdreg s0;
	s3 =	sshll.u32 s26, $0x8;
	s6 =	sshll.u32 s1, $0x7  }
0xa: {  	[dreg:$0xb] =	wrdreg s24;
	s21 =	sor.u32 s6, s3  }
0xb: {  	[dreg:$0xc] =	wrdreg s25;
	s3 =	simm.s32 $0x0;
	s6 =	sshrl.u32 s21, $0x3  }
0xc: {  	[smem:$0x7FF] =	sst s3;
	s10 =	sor.u32 $0x600, s6  }
0xd: {  	s20 =	rddreg [dreg:$0x8];
	_ =	strace $0x80000050;
	s4 =	sadd.s32 s4, s10  }
0xe: {  	[tilespmem:s3], [sflag:$0x1] =	stream.linear.gather [hbm4b:s4+s3], $0x80, $0x38;
	[tilespmem:$0x10200] =	vst v63  }
0xf: {  	s6 =	simm.s32 $0x80;
	s5 =	sadd.s32 s5, s10  }
0x10: {  	[tilespmem:s6], [sflag:$0x2] =	stream.linear.gather [hbm4b:s5+s3], $0x80, $0x38;
	[tilespmem:$0x10200] =	vst v63  }
0x11: {  	s8 =	simm.s32 $0x100;
	s7 =	sadd.s32 s7, s10  }
0x12: {  	[tilespmem:s8], [sflag:$0x3] =	stream.linear.gather [hbm4b:s7+s3], $0x80, $0x38;
	[tilespmem:$0x10200] =	vst v63  }
0x13: {  	s11 =	simm.s32 $0x1;
	s9 =	sadd.s32 s9, s10;
	s10 =	simm.s32 $0x180  }
0x14: {  	[tilespmem:s10], [sflag:$0x4] =	stream.linear.gather [hbm4b:s9+s3], $0x80, $0x38;
	[tilespmem:$0x10200] =	vst v63  }
0x15: {  	_ =	swait.ge [sflag:s11], $0x80  }
0x16: {  	s12 =	simm.s32 $0x200;
	[sflag:s11] =	ssyncset.done $0x0  }
0x17: {  	s13 =	simm.s32 $0x2;
	s14 =	rddreg [dreg:$0xa];
	[sflag:s11] =	ssyncadd.s32 $0xFFFFFF80  }
0x18: {  	[tilespmem:s12], [sflag:$0x5] =	stream.indirect.gather [hbm4b:s14+s6], $0x80, s3, s6, $0xb8;
	[tilespmem:$0x10200] =	vst v63  }
0x19: {  	_ =	swait.ge [sflag:s13], $0x80  }
0x1a: {  	s15 =	simm.s32 $0x3;
	[sflag:s13] =	ssyncset.done $0x0  }
0x1b: {  	s14 =	simm.s32 $0x4200;
	s16 =	rddreg [dreg:$0xb];
	[sflag:s13] =	ssyncadd.s32 $0xFFFFFF80  }
0x1c: {  	[tilespmem:s14], [sflag:$0x6] =	stream.indirect.gather [hbm4b:s16+s6], $0x80, s6, s6, $0xb8;
	[tilespmem:$0x10200] =	vst v63  }
0x1d: {  	_ =	swait.ge [sflag:s15], $0x80  }
0x1e: {  	s17 =	simm.s32 $0x4;
	[sflag:s15] =	ssyncset.done $0x0  }
0x1f: {  	s16 =	simm.s32 $0x8200;
	s18 =	rddreg [dreg:$0xc];
	[sflag:s15] =	ssyncadd.s32 $0xFFFFFF80  }
0x20: {  	[tilespmem:s16], [sflag:$0x7] =	stream.indirect.gather [hbm4b:s18+s6], $0x80, s8, s6, $0xb8;
	[tilespmem:$0x10200] =	vst v63  }
0x21: {  	_ =	swait.ge [sflag:s17], $0x80  }
0x22: {  	[sflag:s17] =	ssyncset.done $0x0  }
0x23: {  	s19 =	simm.s32 $0x5;
	s18 =	simm.s32 $0xC200;
	[sflag:s17] =	ssyncadd.s32 $0xFFFFFF80  }
0x24: {  	[tilespmem:s18], [sflag:$0x8] =	stream.indirect.gather [hbm4b:s2+s6], $0x80, s10, s6, $0xb8;
	[tilespmem:$0x10200] =	vst v63  }
0x25: {  	s21 =	sshll.u32 s21, $0x4;
	_ =	swait.ge [sflag:s19], $0x4000  }
0x26: {  	s26 =	sadd.s32 s21, s20;
	[sflag:s19] =	ssyncset.done $0x0  }
0x27: {  	s21 =	simm.s32 $0x6;
	s20 =	sadd.s32 $0xC5A00, s26;
	[sflag:s19] =	ssyncadd.s32 $0xFFFFC000  }
0x28: {  	[hbm4b:s20+s3] =	stream.linear.scatter [tilespmem:s12], [sflag:$0x9], $0x4000, $0x38;
	[tilespmem:$0x10200] =	vst v63  }
0x29: {  	_ =	swait.ge [sflag:s21], $0x4000  }
0x2a: {  	[sflag:s21] =	ssyncset.done $0x0  }
0x2b: {  	s23 =	simm.s32 $0x7;
	s22 =	sadd.s32 $0xD5A00, s26;
	[sflag:s21] =	ssyncadd.s32 $0xFFFFC000  }
0x2c: {  	[hbm4b:s22+s3] =	stream.linear.scatter [tilespmem:s14], [sflag:$0xA], $0x4000, $0x38;
	[tilespmem:$0x10200] =	vst v63  }
0x2d: {  	_ =	swait.ge [sflag:s23], $0x4000  }
0x2e: {  	[sflag:s23] =	ssyncset.done $0x0  }
0x2f: {  	s25 =	simm.s32 $0x8;
	s24 =	sadd.s32 $0xE5A00, s26;
	[sflag:s23] =	ssyncadd.s32 $0xFFFFC000  }
0x30: {  	[hbm4b:s24+s3] =	stream.linear.scatter [tilespmem:s16], [sflag:$0xB], $0x4000, $0x38;
	[tilespmem:$0x10200] =	vst v63  }
0x31: {  	_ =	swait.ge [sflag:s25], $0x4000  }
0x32: {  	[sflag:s25] =	ssyncset.done $0x0  }
0x33: {  	s28 =	simm.s32 $0x9;
	s26 =	sadd.s32 $0xF5A00, s26;
	[sflag:s25] =	ssyncadd.s32 $0xFFFFC000  }
0x34: {  	[hbm4b:s26+s3] =	stream.linear.scatter [tilespmem:s18], [sflag:$0xC], $0x4000, $0x38;
	[tilespmem:$0x10200] =	vst v63  }
0x35: {  	_ =	swait.ge [sflag:s28], $0x4000  }
0x36: {  	s1 =	ssub.s32 $0x2, s1;
	[sflag:s28] =	ssyncset.done $0x0  }
0x37: {  	s29 =	simm.s32 $0xA;
	s31 =	sshrl.u32 s1, $0x1;
	[sflag:s28] =	ssyncadd.s32 $0xFFFFC000  }
0x38: {  	s1 =	ssub.s32 s1, s31;
	_ =	swait.ge [sflag:s29], $0x4000  }
0x39: {  	s1 =	smax.u32 s1, $0x1;
	[sflag:s29] =	ssyncset.done $0x0  }
0x3a: {  	s30 =	simm.s32 $0xB;
	p0 =	sne.s32 s1, $0x1;
	[sflag:s29] =	ssyncadd.s32 $0xFFFFC000  }
.Ltmp0:
0x3b: {  	_ =	swait.ge [sflag:s30], $0x4000;
	(pc) =	sbr.rel @!p0 .LBB2_2-.Ltmp0, $4  }
0x3c: {  	[sflag:s30] =	ssyncset.done $0x0  }
0x3d: {  	s31 =	simm.s32 $0xC;
	[sflag:s30] =	ssyncadd.s32 $0xFFFFC000  }
0x3e: {  	_ =	swait.ge [sflag:s31], $0x4000  }
0x3f: {  	s1 =	sadd.s32 $0xFFFFFFFF, s1;
	[sflag:s31] =	ssyncset.done $0x0  }
.LBB2_1:
0x40: {  	[sflag:s31] =	ssyncadd.s32 $0xFFFFC000  }
0x41: {  	[tilespmem:s3], [sflag:$0x1] =	stream.linear.gather [hbm4b:s4+s3], $0x80, $0x38;
	[tilespmem:$0x10200] =	vst v63  }
0x42: {  	_ = 	snop  }
0x43: {  	[tilespmem:s6], [sflag:$0x2] =	stream.linear.gather [hbm4b:s5+s3], $0x80, $0x38;
	[tilespmem:$0x10200] =	vst v63  }
0x44: {  	_ = 	snop  }
0x45: {  	[tilespmem:s8], [sflag:$0x3] =	stream.linear.gather [hbm4b:s7+s3], $0x80, $0x38;
	[tilespmem:$0x10200] =	vst v63  }
0x46: {  	_ = 	snop  }
0x47: {  	[tilespmem:s10], [sflag:$0x4] =	stream.linear.gather [hbm4b:s9+s3], $0x80, $0x38;
	[tilespmem:$0x10200] =	vst v63  }
0x48: {  	_ =	swait.ge [sflag:s11], $0x80  }
0x49: {  	[sflag:s11] =	ssyncset.done $0x0  }
0x4a: {  	s0 =	rddreg [dreg:$0xa];
	[sflag:s11] =	ssyncadd.s32 $0xFFFFFF80  }
0x4b: {  	[tilespmem:s12], [sflag:$0x5] =	stream.indirect.gather [hbm4b:s0+s6], $0x80, s3, s6, $0xb8;
	[tilespmem:$0x10200] =	vst v63  }
0x4c: {  	_ =	swait.ge [sflag:s13], $0x80  }
0x4d: {  	[sflag:s13] =	ssyncset.done $0x0  }
0x4e: {  	s0 =	rddreg [dreg:$0xb];
	[sflag:s13] =	ssyncadd.s32 $0xFFFFFF80  }
0x4f: {  	[tilespmem:s14], [sflag:$0x6] =	stream.indirect.gather [hbm4b:s0+s6], $0x80, s6, s6, $0xb8;
	[tilespmem:$0x10200] =	vst v63  }
0x50: {  	_ =	swait.ge [sflag:s15], $0x80  }
0x51: {  	[sflag:s15] =	ssyncset.done $0x0  }
0x52: {  	s0 =	rddreg [dreg:$0xc];
	[sflag:s15] =	ssyncadd.s32 $0xFFFFFF80  }
0x53: {  	[tilespmem:s16], [sflag:$0x7] =	stream.indirect.gather [hbm4b:s0+s6], $0x80, s8, s6, $0xb8;
	[tilespmem:$0x10200] =	vst v63  }
0x54: {  	_ =	swait.ge [sflag:s17], $0x80  }
0x55: {  	[sflag:s17] =	ssyncset.done $0x0  }
0x56: {  	[sflag:s17] =	ssyncadd.s32 $0xFFFFFF80  }
0x57: {  	[tilespmem:s18], [sflag:$0x8] =	stream.indirect.gather [hbm4b:s2+s6], $0x80, s10, s6, $0xb8;
	[tilespmem:$0x10200] =	vst v63  }
0x58: {  	_ =	swait.ge [sflag:s19], $0x4000  }
0x59: {  	[sflag:s19] =	ssyncset.done $0x0  }
0x5a: {  	[sflag:s19] =	ssyncadd.s32 $0xFFFFC000  }
0x5b: {  	[hbm4b:s20+s3] =	stream.linear.scatter [tilespmem:s12], [sflag:$0x9], $0x4000, $0x38;
	[tilespmem:$0x10200] =	vst v63  }
0x5c: {  	_ =	swait.ge [sflag:s21], $0x4000  }
0x5d: {  	[sflag:s21] =	ssyncset.done $0x0  }
0x5e: {  	[sflag:s21] =	ssyncadd.s32 $0xFFFFC000  }
0x5f: {  	[hbm4b:s22+s3] =	stream.linear.scatter [tilespmem:s14], [sflag:$0xA], $0x4000, $0x38;
	[tilespmem:$0x10200] =	vst v63  }
0x60: {  	_ =	swait.ge [sflag:s23], $0x4000  }
0x61: {  	[sflag:s23] =	ssyncset.done $0x0  }
0x62: {  	[sflag:s23] =	ssyncadd.s32 $0xFFFFC000  }
0x63: {  	[hbm4b:s24+s3] =	stream.linear.scatter [tilespmem:s16], [sflag:$0xB], $0x4000, $0x38;
	[tilespmem:$0x10200] =	vst v63  }
0x64: {  	_ =	swait.ge [sflag:s25], $0x4000  }
0x65: {  	[sflag:s25] =	ssyncset.done $0x0  }
0x66: {  	[sflag:s25] =	ssyncadd.s32 $0xFFFFC000  }
0x67: {  	[hbm4b:s26+s3] =	stream.linear.scatter [tilespmem:s18], [sflag:$0xC], $0x4000, $0x38;
	[tilespmem:$0x10200] =	vst v63  }
0x68: {  	_ =	swait.ge [sflag:s28], $0x4000  }
0x69: {  	[sflag:s28] =	ssyncset.done $0x0  }
0x6a: {  	[sflag:s28] =	ssyncadd.s32 $0xFFFFC000  }
0x6b: {  	_ =	swait.ge [sflag:s29], $0x4000  }
0x6c: {  	[sflag:s29] =	ssyncset.done $0x0  }
0x6d: {  	p0 =	sne.s32 s1, $0x1;
	[sflag:s29] =	ssyncadd.s32 $0xFFFFC000  }
.Ltmp1:
0x6e: {  	_ =	swait.ge [sflag:s30], $0x4000;
	(pc) =	sbr.rel @p0 .LBB2_1-.Ltmp1, $4  }
0x6f: {  	[sflag:s30] =	ssyncset.done $0x0  }
0x70: {  	[sflag:s30] =	ssyncadd.s32 $0xFFFFC000  }
0x71: {  	_ =	swait.ge [sflag:s31], $0x4000  }
0x72: {  	s1 =	sadd.s32 $0xFFFFFFFF, s1;
	[sflag:s31] =	ssyncset.done $0x0  }
.LBB2_2:
0x73: {  	[sflag:s31] =	ssyncadd.s32 $0xFFFFC000  }
0x74: {  	_ =	sfence.sel $0x180000  }
0x75: {  	[bflag:$0x0] =	sbarrier.arrive $0xFFFF  }
0x76: {  	_ =	strace $0x90000050  }
0x77: {  	s0 =	stileid.u32;
	[bflag:$0x2] =	sbarrier.arrive $0xFFFF  }
0x78: {  	p0 =	sne.s32 s0, $0x0;
	s0 =	rddreg [dreg:$0x9]  }
0x79: {  	s0 =	sadd.s32 @!p0 $0x100000, s0  }
0x7a: {  	[sflag:s0] =	ssyncadd.tile.s32 @!p0 $0x1;
	_ =	shalt  }
.Lfunc_end2:
_tile_overlayer_lowered:
.L_overlay_start_2:
0x7b: {  	(tag) =	ssettag $0x2  }
0x7c: {  	s0 =	rddreg [dreg:$0x0];
	s2 =	stileid.u32  }
0x7d: {  	s1 =	rddreg [dreg:$0x1];
	p0 =	sne.s32 s2, $0x0  }
0x7e: {  	s3 =	rddreg [dreg:$0x2];
	[bflag:$0x3] =	sbarrier.arrive $0xFFFF;
	s2 =	simm.s32 @!p0 $0x1C0D  }
0x7f: {  	[timem:s3], [sflag:s2] =	dma.local @!p0 [hbm:s0], s1  }
0x80: {  	s0 =	simm.s32 @!p0 $0xD  }
0x81: {  	_ =	swait.ge @!p0 [sflag:s0], s1  }
0x82: {  	s1 =	ssub.s32 @!p0 $0x0, s1;
	[sflag:s0] =	ssyncset.done @!p0 $0x0  }
0x83: {  	[sflag:s0] =	ssyncadd.s32 @!p0 s1  }
0x84: {  	[bflag:$0x3] =	sbarrier.arrive $0xFFFF  }
0x85: {  	_ =	shalt  }

</sc_bundles>
